<compile_context>
chip_gen: v7x
topology: tpu7x:2x2x1
jax: 0.10.2.dev20260603
libtpu: 0.0.44.dev20260713+nightly
codegen_flags: <defaults>
</compile_context>

<pallas_src>
import functools
import math

import jax
import jax.numpy as jnp
from jax import lax
from jax.experimental import pallas as pl
from jax.experimental.pallas import tpu as pltpu
from jax.experimental.pallas import tpu_sc as plsc

N = 10000
E = 160000
C = 128
H = 4
DK = C // H
NR = 7
NU = 2048

NC = 2
NS = 16
NW = NC * NS
E_PAD = 162816
EPW = E_PAD // NW
CH = 48
NCHUNK = EPW // CH
GP = CH // 16
NP = 10240
ROWS_PT = NP // NS
ND = NP // 32
DPT = ND // NS
INV_SQRT_DK = 1.0 / math.sqrt(DK)

BLK = 1000
GRID_N = N // BLK


def _tables_body(x_ref, wq_ref, wk_ref, wv_ref, bdk_ref, bdv_ref,
                 qw_ref, ka_ref, vm_ref):
    x = x_ref[...]
    qw_ref[...] = jnp.dot(x, wq_ref[...], preferred_element_type=jnp.float32)
    kt = jnp.dot(x, wk_ref[...], preferred_element_type=jnp.float32)
    vt = jnp.dot(x, wv_ref[...], preferred_element_type=jnp.float32)
    for r in range(NR):
        ka_ref[r] = jnp.dot(kt, bdk_ref[r], preferred_element_type=jnp.float32)
        vm_ref[r] = jnp.dot(vt, bdv_ref[r], preferred_element_type=jnp.float32)


def _make_tables(entity_emb, wq, wk, wv, bdk, bdv):
    full = lambda *shape: pl.BlockSpec(shape, lambda i: tuple(0 for _ in shape))
    return pl.pallas_call(
        _tables_body,
        grid=(GRID_N,),
        in_specs=[
            pl.BlockSpec((BLK, C), lambda i: (i, 0)),
            full(C, C), full(C, C), full(C, C),
            full(NR, C, C), full(NR, C, C),
        ],
        out_specs=[
            pl.BlockSpec((BLK, C), lambda i: (i, 0)),
            pl.BlockSpec((NR, BLK, C), lambda i: (0, i, 0)),
            pl.BlockSpec((NR, BLK, C), lambda i: (0, i, 0)),
        ],
        out_shape=[
            jax.ShapeDtypeStruct((N, C), jnp.float32),
            jax.ShapeDtypeStruct((NR, N, C), jnp.float32),
            jax.ShapeDtypeStruct((NR, N, C), jnp.float32),
        ],
    )(entity_emb, wq, wk, wv, bdk, bdv)


def _sc_edge_body(head_hbm, cidx_hbm, qw_hbm, ka_hbm, vm_hbm,
                  agg_hbm, den_hbm, idxh0_v, idxh1_v, idxc0_v, idxc1_v, idxp_v,
                  q_v, k_v, v_v, contrib_v, denrow_v, pbuf_v,
                  sh_agg, sh_den, sem_i, sem_g, sem_s):
    c = lax.axis_index("c")
    s = lax.axis_index("s")
    lane = lax.iota(jnp.int32, 16)
    zvec = jnp.zeros((16,), jnp.float32)
    zidx = jnp.zeros((16,), jnp.int32)
    base = (c * NS + s) * EPW

    def zero_denrow(_=None):
        def zrow_body(e, carry):
            for t in range(C // 16):
                denrow_v[e, 0, pl.ds(t * 16, 16)] = zvec
            return carry

        lax.fori_loop(0, CH, zrow_body, 0)

    zero_denrow()

    def zinit_body(i, carry):
        pltpu.sync_copy(denrow_v,
                        sh_agg.at[pl.ds(s * ROWS_PT + i * CH, CH)])
        return carry

    lax.fori_loop(0, ROWS_PT // CH, zinit_body, 0)
    pltpu.sync_copy(
        denrow_v.at[pl.ds(0, ROWS_PT - CH * (ROWS_PT // CH))],
        sh_agg.at[pl.ds(s * ROWS_PT + CH * (ROWS_PT // CH),
                        ROWS_PT - CH * (ROWS_PT // CH))])
    pltpu.sync_copy(denrow_v.at[pl.ds(0, DPT)],
                    sh_den.at[pl.ds(s * DPT, DPT)])
    plsc.subcore_barrier()

    def ibufs(b):
        return (idxh0_v, idxc0_v) if b == 0 else (idxh1_v, idxc1_v)

    def idx_issue(j, b):
        ih, ic = ibufs(b)
        off = pl.multiple_of(base + j * CH, 8)
        pltpu.async_copy(head_hbm.at[pl.ds(off, CH)], ih, sem_i)
        pltpu.async_copy(cidx_hbm.at[pl.ds(off, CH)], ic, sem_i)

    def idx_wait(j, b):
        ih, ic = ibufs(b)
        off = pl.multiple_of(base + j * CH, 8)
        pltpu.make_async_copy(head_hbm.at[pl.ds(off, CH)], ih, sem_i).wait()
        pltpu.make_async_copy(cidx_hbm.at[pl.ds(off, CH)], ic, sem_i).wait()

    def gather_wait(b):
        ih, ic = ibufs(b)
        pltpu.make_async_copy(qw_hbm.at[ih], q_v, sem_g).wait()
        pltpu.make_async_copy(ka_hbm.at[ic], k_v, sem_g).wait()
        pltpu.make_async_copy(vm_hbm.at[ic], v_v, sem_g).wait()

    def scatter_wait(b):
        ih, _ = ibufs(b)
        pltpu.make_async_copy(contrib_v, sh_agg.at[ih], sem_s).wait()
        pltpu.make_async_copy(denrow_v, sh_den.at[idxp_v], sem_s).wait()

    idx_issue(0, 0)

    def phase(pp, j, b):
        idx_wait(j, b)
        ih, ic = ibufs(b)
        pltpu.async_copy(qw_hbm.at[ih], q_v, sem_g)
        pltpu.async_copy(ka_hbm.at[ic], k_v, sem_g)
        pltpu.async_copy(vm_hbm.at[ic], v_v, sem_g)
        if b == 1:
            scatter_wait(1 - b)
        else:
            @pl.when(pp > 0)
            def _():
                scatter_wait(1 - b)

        zero_denrow()
        gather_wait(b)

        @pl.when(j + 1 < NCHUNK)
        def _():
            idx_issue(j + 1, 1 - b)

        def edge_body(e, carry2):
            dvec = jnp.zeros((16,), jnp.float32)
            for h in range(H):
                m0 = (q_v[e, pl.ds(h * DK, 16)] * k_v[e, pl.ds(h * DK, 16)]
                      + q_v[e, pl.ds(h * DK + 16, 16)]
                      * k_v[e, pl.ds(h * DK + 16, 16)])
                sh = jnp.sum(m0) * INV_SQRT_DK
                pv = jnp.exp(jnp.full((16,), sh, jnp.float32))
                for t in range(2):
                    col = h * DK + t * 16
                    contrib_v[e, 0, pl.ds(col, 16)] = (
                        v_v[e, pl.ds(col, 16)] * pv)
                dvec = jnp.where(lane == h, pv, dvec)
            pbuf_v[e, pl.ds(0, 16)] = dvec
            return carry2

        lax.fori_loop(0, CH, edge_body, 0)

        def dgroup_body(g, carry2):
            rows = g * 16 + lane
            headv = plsc.load_gather(ih, [rows])
            idxp_v[pl.ds(g * 16, 16)] = lax.shift_right_logical(headv, 5)
            pcol = (headv & 31) * 4
            for h in range(H):
                ph = plsc.load_gather(pbuf_v, [rows, jnp.full((16,), h,
                                                              jnp.int32)])
                plsc.store_scatter(denrow_v, [rows, zidx, pcol + h], ph)
            return carry2

        lax.fori_loop(0, GP, dgroup_body, 0)
        pltpu.async_copy(contrib_v, sh_agg.at[ih], sem_s, add=True)
        pltpu.async_copy(denrow_v, sh_den.at[idxp_v], sem_s, add=True)

    def pair_body(pp, carry):
        phase(pp, pp * 2, 0)
        phase(pp, pp * 2 + 1, 1)
        return carry

    lax.fori_loop(0, NCHUNK // 2, pair_body, 0)
    scatter_wait((NCHUNK - 1) % 2)
    plsc.subcore_barrier()

    def aggout_body(i, carry):
        pltpu.sync_copy(sh_agg.at[pl.ds(s * ROWS_PT + i * CH, CH)],
                        contrib_v)
        pltpu.sync_copy(
            contrib_v,
            agg_hbm.at[c, pl.ds(s * ROWS_PT + i * CH, CH)])
        return carry

    lax.fori_loop(0, ROWS_PT // CH, aggout_body, 0)
    rem = ROWS_PT - CH * (ROWS_PT // CH)
    pltpu.sync_copy(
        sh_agg.at[pl.ds(s * ROWS_PT + CH * (ROWS_PT // CH), rem)],
        contrib_v.at[pl.ds(0, rem)])
    pltpu.sync_copy(
        contrib_v.at[pl.ds(0, rem)],
        agg_hbm.at[c, pl.ds(s * ROWS_PT + CH * (ROWS_PT // CH), rem)])

    pltpu.sync_copy(sh_den.at[pl.ds(s * DPT, DPT)],
                    denrow_v.at[pl.ds(0, DPT)])
    pltpu.sync_copy(denrow_v.at[pl.ds(0, DPT)],
                    den_hbm.at[c, pl.ds(s * DPT, DPT)])


def _sc_edge_phase(head, cidx, qw, ka2, vm2):
    mesh = plsc.VectorSubcoreMesh(core_axis_name="c", subcore_axis_name="s",
                                  num_cores=NC)
    fn = functools.partial(
        pl.kernel,
        mesh=mesh,
        out_type=(
            pltpu.HBM((NC, NP, 1, C), jnp.float32),
            pltpu.HBM((NC, ND, 1, C), jnp.float32),
        ),
        scratch_types=[
            pltpu.VMEM((CH,), jnp.int32),
            pltpu.VMEM((CH,), jnp.int32),
            pltpu.VMEM((CH,), jnp.int32),
            pltpu.VMEM((CH,), jnp.int32),
            pltpu.VMEM((CH,), jnp.int32),
            pltpu.VMEM((CH, C), jnp.float32),
            pltpu.VMEM((CH, C), jnp.float32),
            pltpu.VMEM((CH, C), jnp.float32),
            pltpu.VMEM((CH, 1, C), jnp.float32),
            pltpu.VMEM((CH, 1, C), jnp.float32),
            pltpu.VMEM((CH, 16), jnp.float32),
            pltpu.VMEM_SHARED((NP, 1, C), jnp.float32),
            pltpu.VMEM_SHARED((ND, 1, C), jnp.float32),
            pltpu.SemaphoreType.DMA,
            pltpu.SemaphoreType.DMA,
            pltpu.SemaphoreType.DMA,
        ],
        compiler_params=pltpu.CompilerParams(needs_layout_passes=False),
    )(_sc_edge_body)
    return fn(head, cidx, qw, ka2, vm2)


def _final_body(agg_ref, den_ref, wo_ref, out_ref):
    agg = agg_ref[0] + agg_ref[1]
    den = den_ref[0] + den_ref[1]
    den = jnp.where(den == 0.0, 1.0, den)
    hsel = (lax.broadcasted_iota(jnp.int32, (H, C), 1) // DK ==
            lax.broadcasted_iota(jnp.int32, (H, C), 0)).astype(jnp.float32)
    scale = jnp.dot(1.0 / den, hsel, preferred_element_type=jnp.float32)
    out_ref[...] = jnp.dot(agg * scale, wo_ref[...],
                           preferred_element_type=jnp.float32)


def _final(agg, den, wo):
    return pl.pallas_call(
        _final_body,
        grid=(GRID_N,),
        in_specs=[
            pl.BlockSpec((NC, BLK, C), lambda i: (0, i, 0)),
            pl.BlockSpec((NC, BLK, 4), lambda i: (0, i, 0)),
            pl.BlockSpec((C, C), lambda i: (0, 0)),
        ],
        out_specs=pl.BlockSpec((BLK, C), lambda i: (i, 0)),
        out_shape=jax.ShapeDtypeStruct((N, C), jnp.float32),
    )(agg, den, wo)


def _uagg_body(im_ref, e_ref, o_ref):
    o_ref[...] = jnp.dot(im_ref[...], e_ref[...],
                         preferred_element_type=jnp.float32)


def _uagg(interact_mat, entity_emb):
    mblk = 256
    return pl.pallas_call(
        _uagg_body,
        grid=(NU // mblk,),
        in_specs=[
            pl.BlockSpec((mblk, N), lambda i: (i, 0)),
            pl.BlockSpec((N, C), lambda i: (0, 0)),
        ],
        out_specs=pl.BlockSpec((mblk, C), lambda i: (i, 0)),
        out_shape=jax.ShapeDtypeStruct((NU, C), jnp.float32),
    )(interact_mat, entity_emb)


def _block_diag(rel):
    bd = jnp.zeros((NR, H, DK, H, DK), rel.dtype)
    for h in range(H):
        bd = bd.at[:, h, :, h, :].set(rel[:, h])
    return bd.reshape(NR, C, C)


def kernel(entity_emb, edge_index, edge_type, interact_mat, relation_emb,
           W_K, W_Q, W_V, W_O, relation_att, relation_msg):
    del relation_emb
    head = edge_index[0].astype(jnp.int32)
    tail = edge_index[1].astype(jnp.int32)
    et = (edge_type.astype(jnp.int32) - 1) % NR
    cidx = et * N + tail

    bdk = _block_diag(relation_att)
    bdv = _block_diag(relation_msg)
    qw, ka, vm = _make_tables(entity_emb, W_Q, W_K, W_V, bdk, bdv)
    ka2 = ka.reshape(NR * N, C)
    vm2 = vm.reshape(NR * N, C)

    pad = E_PAD - E
    head_p = jnp.concatenate([head, jnp.full((pad,), N, jnp.int32)])
    cidx_p = jnp.concatenate([cidx, jnp.zeros((pad,), jnp.int32)])
    qw_p = jnp.concatenate([qw, jnp.zeros((16, C), jnp.float32)])

    agg, den_p = _sc_edge_phase(head_p, cidx_p, qw_p, ka2, vm2)
    agg = agg.reshape(NC, NP, C)
    den = den_p.reshape(NC, NP, 4)

    entity_agg = _final(agg, den, W_O)
    user_agg = _uagg(interact_mat, entity_emb)
    return entity_agg, user_agg

# --- scband reference (transcript-rebuilt; emitter-appended) ---
"""Pipeline reference for scband-hgtlayer-90366111908555 (READ-ONLY COPY).

The authoritative reference and input builder live on the scoring server;
editing this copy changes nothing except your own understanding.
"""

import math
import jax, jax.numpy as jnp
import numpy as np

N = 10000
E = 160000
C = 128
H = 4
DK = C // H
R = 8
NU = 2048


def _xavier_uniform(key, shape):
    if len(shape) == 2:
        fan_in, fan_out = shape[0], shape[1]
    else:
        receptive = int(np.prod(shape[2:]))
        fan_in, fan_out = shape[1] * receptive, shape[0] * receptive
    a = math.sqrt(6.0 / (fan_in + fan_out))
    return jax.random.uniform(key, shape, minval=-a, maxval=a, dtype=jnp.float32)


def setup_inputs(seed: int = 0):
    key = jax.random.key(seed)
    ks = jax.random.split(key, 12)
    entity_emb = jax.random.normal(ks[0], (N, C), dtype=jnp.float32)
    edge_index = jax.random.randint(ks[1], (2, E), 0, N)
    edge_type = jax.random.randint(ks[2], (E,), 0, R - 1)
    interact_mat = jax.random.uniform(ks[3], (NU, N), dtype=jnp.float32)
    relation_emb = jax.random.normal(ks[4], (R - 1, C), dtype=jnp.float32)
    W_K = _xavier_uniform(ks[5], (C, C))
    W_Q = _xavier_uniform(ks[6], (C, C))
    W_V = _xavier_uniform(ks[7], (C, C))
    W_O = _xavier_uniform(ks[8], (C, C))
    relation_att = _xavier_uniform(ks[9], (R - 1, H, DK, DK))
    relation_msg = _xavier_uniform(ks[10], (R - 1, H, DK, DK))
    return {
        "entity_emb": entity_emb,
        "edge_index": edge_index,
        "edge_type": edge_type,
        "interact_mat": interact_mat,
        "relation_emb": relation_emb,
        "W_K": W_K,
        "W_Q": W_Q,
        "W_V": W_V,
        "W_O": W_O,
        "relation_att": relation_att,
        "relation_msg": relation_msg,
    }


def _rel_apply(x, rel, et):
    # Equivalent to torch.matmul(x.unsqueeze(2), rel[et]).squeeze():
    # out[e,h,:] = x[e,h,:] @ rel[et[e],h,:,:], computed per-relation to
    # avoid materializing the [E,H,DK,DK] gather.
    out = jnp.zeros((x.shape[0], x.shape[1], rel.shape[-1]), dtype=x.dtype)
    for r in range(rel.shape[0]):
        pr = jnp.einsum('ehk,hkd->ehd', x, rel[r])
        out = out + jnp.where((et == r)[:, None, None], pr, 0.0)
    return out


def reference(entity_emb, edge_index, edge_type, interact_mat, relation_emb, W_K, W_Q, W_V, W_O, relation_att, relation_msg):
    n_entities = entity_emb.shape[0]
    head = edge_index[0]
    tail = edge_index[1]
    # Step 1: Heterogeneous Mutual Attention
    query = (entity_emb[head] @ W_Q).reshape(-1, H, DK)
    key_ = (entity_emb[tail] @ W_K).reshape(-1, H, DK)
    # edge_type - 1 with negative wrap-around (torch/jax index -1 -> last row)
    et = (edge_type - 1) % relation_att.shape[0]
    key_ = _rel_apply(key_, relation_att, et)
    edge_attn_score = (query * key_).sum(axis=-1) / math.sqrt(DK)
    # Step 2: Heterogeneous Message Passing
    value = (entity_emb[tail] @ W_V).reshape(-1, H, DK)
    value = _rel_apply(value, relation_msg, et)
    # scatter_softmax over edges grouped by head (target) node, per head
    m = jax.ops.segment_max(edge_attn_score, head, num_segments=n_entities)
    ex = jnp.exp(edge_attn_score - m[head])
    s = jax.ops.segment_sum(ex, head, num_segments=n_entities)
    attn = ex / s[head]
    entity_agg = (value * attn[:, :, None]).reshape(-1, H * DK) @ W_O
    entity_agg = jax.ops.segment_sum(entity_agg, head, num_segments=n_entities)
    user_agg = interact_mat @ entity_emb
    return (entity_agg, user_agg)

if __name__ == "__main__":
    import jax
    _d = setup_inputs()
    print(jax.jit(kernel)(*tuple(_d.values())))

</pallas_src>

<mosaic_0001>
#map = affine_map<(d0, d1) -> (0)>
#map1 = affine_map<(d0, d1) -> (0, 0)>
#map2 = affine_map<(d0, d1) -> (0, 0, 0, 0)>
module attributes {stable_mosaic.version = 14 : i64} {
  func.func @_sc_edge_body(%arg0: i32, %arg1: i32, %arg2: memref<162816xi32, #tpu.memory_space<hbm>>, %arg3: memref<162816xi32, #tpu.memory_space<hbm>>, %arg4: memref<10016x128xf32, #tpu.memory_space<hbm>>, %arg5: memref<70000x128xf32, #tpu.memory_space<hbm>>, %arg6: memref<70000x128xf32, #tpu.memory_space<hbm>>, %arg7: memref<2x10240x1x128xf32, #tpu.memory_space<hbm>>, %arg8: memref<2x320x1x128xf32, #tpu.memory_space<hbm>>, %arg9: memref<48xi32, #tpu.memory_space<vmem>>, %arg10: memref<48xi32, #tpu.memory_space<vmem>>, %arg11: memref<48xi32, #tpu.memory_space<vmem>>, %arg12: memref<48xi32, #tpu.memory_space<vmem>>, %arg13: memref<48xi32, #tpu.memory_space<vmem>>, %arg14: memref<48x128xf32, #tpu.memory_space<vmem>>, %arg15: memref<48x128xf32, #tpu.memory_space<vmem>>, %arg16: memref<48x128xf32, #tpu.memory_space<vmem>>, %arg17: memref<48x1x128xf32, #tpu.memory_space<vmem>>, %arg18: memref<48x1x128xf32, #tpu.memory_space<vmem>>, %arg19: memref<48x16xf32, #tpu.memory_space<vmem>>, %arg20: memref<10240x1x128xf32, #tpu.memory_space<vmem_shared>>, %arg21: memref<320x1x128xf32, #tpu.memory_space<vmem_shared>>, %arg22: memref<!tpu.dma_semaphore, #tpu.memory_space<semaphore_mem>>, %arg23: memref<!tpu.dma_semaphore, #tpu.memory_space<semaphore_mem>>, %arg24: memref<!tpu.dma_semaphore, #tpu.memory_space<semaphore_mem>>) attributes {dimension_semantics = [#tpu.dimension_semantics<core_parallel>, #tpu.dimension_semantics<subcore_parallel>], iteration_bounds = array<i64: 2, 16>, scalar_prefetch = 0 : i64, scratch_operands = 16 : i64, tpu.core_type = #tpu.core_type<sc_vector_subcore>, window_params = [{transform_indices = #map}, {transform_indices = #map}, {transform_indices = #map1}, {transform_indices = #map1}, {transform_indices = #map1}, {transform_indices = #map2}, {transform_indices = #map2}]} {
    %iota3A = tpu.iota {dimensions = array<i32: 0>} : vector<16xi32>
    %broadcast_in_dim3A = arith.constant 0.000000e+00 : f32
    %broadcast_in_dim3A_0 = vector.broadcast %broadcast_in_dim3A : f32 to vector<16xf32>
    %broadcast_in_dim3A_1 = arith.constant 0 : i32
    %broadcast_in_dim3A_2 = vector.broadcast %broadcast_in_dim3A_1 : i32 to vector<16xi32>
    %mul3A = arith.constant 16 : i32
    %mul3A_3 = arith.muli %arg0, %mul3A : i32
    %add3A = arith.addi %mul3A_3, %arg1 : i32
    %mul3A_4 = arith.constant 5088 : i32
    %mul3A_5 = arith.muli %add3A, %mul3A_4 : i32
    %scan3A = arith.constant 0 : i32
    %scan3A_6 = arith.constant 0 : i32
    %scan3A_7 = arith.constant 48 : i32
    %scan3A_8 = arith.addi %scan3A_6, %scan3A_7 : i32
    %scan3A_9 = arith.constant 1 : i32
    scf.for %scan3A_60 = %scan3A_6 to %scan3A_8 step %scan3A_9  : i32 {
      %swap3A = arith.constant 0 : i32
      %swap3A_61 = arith.index_cast %scan3A_60 : i32 to index
      %swap3A_62 = arith.index_cast %swap3A : i32 to index
      %swap3A_63 = arith.constant 0 : index
      %swap3A_64 = tpu.vector_load %arg18[%swap3A_61, %swap3A_62, %swap3A_63] {strides = array<i32>} : memref<48x1x128xf32, #tpu.memory_space<vmem>>, vector<16xf32>,
      tpu.vector_store %arg18[%swap3A_61, %swap3A_62, %swap3A_63], %broadcast_in_dim3A_0 {strides = array<i32>} : memref<48x1x128xf32, #tpu.memory_space<vmem>>, vector<16xf32>,
      %swap3A_65 = arith.constant 0 : i32
      %swap3A_66 = arith.index_cast %scan3A_60 : i32 to index
      %swap3A_67 = arith.index_cast %swap3A_65 : i32 to index
      %swap3A_68 = arith.constant 16 : index
      %swap3A_69 = tpu.vector_load %arg18[%swap3A_66, %swap3A_67, %swap3A_68] {strides = array<i32>} : memref<48x1x128xf32, #tpu.memory_space<vmem>>, vector<16xf32>,
      tpu.vector_store %arg18[%swap3A_66, %swap3A_67, %swap3A_68], %broadcast_in_dim3A_0 {strides = array<i32>} : memref<48x1x128xf32, #tpu.memory_space<vmem>>, vector<16xf32>,
      %swap3A_70 = arith.constant 0 : i32
      %swap3A_71 = arith.index_cast %scan3A_60 : i32 to index
      %swap3A_72 = arith.index_cast %swap3A_70 : i32 to index
      %swap3A_73 = arith.constant 32 : index
      %swap3A_74 = tpu.vector_load %arg18[%swap3A_71, %swap3A_72, %swap3A_73] {strides = array<i32>} : memref<48x1x128xf32, #tpu.memory_space<vmem>>, vector<16xf32>,
      tpu.vector_store %arg18[%swap3A_71, %swap3A_72, %swap3A_73], %broadcast_in_dim3A_0 {strides = array<i32>} : memref<48x1x128xf32, #tpu.memory_space<vmem>>, vector<16xf32>,
      %swap3A_75 = arith.constant 0 : i32
      %swap3A_76 = arith.index_cast %scan3A_60 : i32 to index
      %swap3A_77 = arith.index_cast %swap3A_75 : i32 to index
      %swap3A_78 = arith.constant 48 : index
      %swap3A_79 = tpu.vector_load %arg18[%swap3A_76, %swap3A_77, %swap3A_78] {strides = array<i32>} : memref<48x1x128xf32, #tpu.memory_space<vmem>>, vector<16xf32>,
      tpu.vector_store %arg18[%swap3A_76, %swap3A_77, %swap3A_78], %broadcast_in_dim3A_0 {strides = array<i32>} : memref<48x1x128xf32, #tpu.memory_space<vmem>>, vector<16xf32>,
      %swap3A_80 = arith.constant 0 : i32
      %swap3A_81 = arith.index_cast %scan3A_60 : i32 to index
      %swap3A_82 = arith.index_cast %swap3A_80 : i32 to index
      %swap3A_83 = arith.constant 64 : index
      %swap3A_84 = tpu.vector_load %arg18[%swap3A_81, %swap3A_82, %swap3A_83] {strides = array<i32>} : memref<48x1x128xf32, #tpu.memory_space<vmem>>, vector<16xf32>,
      tpu.vector_store %arg18[%swap3A_81, %swap3A_82, %swap3A_83], %broadcast_in_dim3A_0 {strides = array<i32>} : memref<48x1x128xf32, #tpu.memory_space<vmem>>, vector<16xf32>,
      %swap3A_85 = arith.constant 0 : i32
      %swap3A_86 = arith.index_cast %scan3A_60 : i32 to index
      %swap3A_87 = arith.index_cast %swap3A_85 : i32 to index
      %swap3A_88 = arith.constant 80 : index
      %swap3A_89 = tpu.vector_load %arg18[%swap3A_86, %swap3A_87, %swap3A_88] {strides = array<i32>} : memref<48x1x128xf32, #tpu.memory_space<vmem>>, vector<16xf32>,
      tpu.vector_store %arg18[%swap3A_86, %swap3A_87, %swap3A_88], %broadcast_in_dim3A_0 {strides = array<i32>} : memref<48x1x128xf32, #tpu.memory_space<vmem>>, vector<16xf32>,
      %swap3A_90 = arith.constant 0 : i32
      %swap3A_91 = arith.index_cast %scan3A_60 : i32 to index
      %swap3A_92 = arith.index_cast %swap3A_90 : i32 to index
      %swap3A_93 = arith.constant 96 : index
      %swap3A_94 = tpu.vector_load %arg18[%swap3A_91, %swap3A_92, %swap3A_93] {strides = array<i32>} : memref<48x1x128xf32, #tpu.memory_space<vmem>>, vector<16xf32>,
      tpu.vector_store %arg18[%swap3A_91, %swap3A_92, %swap3A_93], %broadcast_in_dim3A_0 {strides = array<i32>} : memref<48x1x128xf32, #tpu.memory_space<vmem>>, vector<16xf32>,
      %swap3A_95 = arith.constant 0 : i32
      %swap3A_96 = arith.index_cast %scan3A_60 : i32 to index
      %swap3A_97 = arith.index_cast %swap3A_95 : i32 to index
      %swap3A_98 = arith.constant 112 : index
      %swap3A_99 = tpu.vector_load %arg18[%swap3A_96, %swap3A_97, %swap3A_98] {strides = array<i32>} : memref<48x1x128xf32, #tpu.memory_space<vmem>>, vector<16xf32>,
      tpu.vector_store %arg18[%swap3A_96, %swap3A_97, %swap3A_98], %broadcast_in_dim3A_0 {strides = array<i32>} : memref<48x1x128xf32, #tpu.memory_space<vmem>>, vector<16xf32>,
    }
    %scan3A_10 = arith.constant 48 : i32
    %scan3A_11 = arith.constant 0 : i32
    %scan3A_12 = arith.constant 0 : i32
    %scan3A_13 = arith.constant 13 : i32
    %scan3A_14 = arith.addi %scan3A_12, %scan3A_13 : i32
    %scan3A_15 = arith.constant 1 : i32
    scf.for %scan3A_60 = %scan3A_12 to %scan3A_14 step %scan3A_15  : i32 {
      %mul3A_61 = arith.constant 640 : i32
      %mul3A_62 = arith.muli %arg1, %mul3A_61 : i32
      %mul3A_63 = arith.constant 48 : i32
      %mul3A_64 = arith.muli %scan3A_60, %mul3A_63 : i32
      %add3A_65 = arith.addi %mul3A_62, %mul3A_64 : i32
      "tpu.region"() ({
        %run_scoped3A = tpu.sem_alloc : memref<!tpu.dma_semaphore, #tpu.memory_space<semaphore_mem>>
        %dma_start3A_66 = arith.constant 0 : i32
        %dma_start3A_67 = arith.constant 0 : i32
        %dma_start3A_68 = tpu.memref_slice %arg20[%add3A_65, %dma_start3A_66, %dma_start3A_67] : memref<10240x1x128xf32, #tpu.memory_space<vmem_shared>> -> memref<48x1x128xf32, #tpu.memory_space<vmem_shared>>
        %dma_start3A_69 = arith.constant 0 : i32
        %dma_start3A_70 = arith.constant 0 : i32
        %dma_start3A_71 = tpu.memref_slice %arg20[%add3A_65, %dma_start3A_69, %dma_start3A_70] : memref<10240x1x128xf32, #tpu.memory_space<vmem_shared>> -> memref<48x1x128xf32, #tpu.memory_space<vmem_shared>>
        tpu.enqueue_dma source(%arg18 : memref<48x1x128xf32, #tpu.memory_space<vmem>>) target(%dma_start3A_71 : memref<48x1x128xf32, #tpu.memory_space<vmem_shared>>) target_semaphore(%run_scoped3A : memref<!tpu.dma_semaphore, #tpu.memory_space<semaphore_mem>>)
        %dma_wait3A_72 = arith.constant 0 : i32
        %dma_wait3A_73 = arith.constant 0 : i32
        %dma_wait3A_74 = tpu.memref_slice %arg20[%add3A_65, %dma_wait3A_72, %dma_wait3A_73] : memref<10240x1x128xf32, #tpu.memory_space<vmem_shared>> -> memref<48x1x128xf32, #tpu.memory_space<vmem_shared>>
        %dma_wait3A_75 = arith.constant 0 : i32
        %dma_wait3A_76 = arith.constant 0 : i32
        %dma_wait3A_77 = tpu.memref_slice %arg20[%add3A_65, %dma_wait3A_75, %dma_wait3A_76] : memref<10240x1x128xf32, #tpu.memory_space<vmem_shared>> -> memref<48x1x128xf32, #tpu.memory_space<vmem_shared>>
        tpu.wait_dma2 semaphore(%run_scoped3A : memref<!tpu.dma_semaphore, #tpu.memory_space<semaphore_mem>>) src(%arg18 : memref<48x1x128xf32, #tpu.memory_space<vmem>>) dst(%dma_wait3A_77 : memref<48x1x128xf32, #tpu.memory_space<vmem_shared>>)
        tpu.yield
      }) : () -> ()
    }
    %scan3A_16 = arith.constant 13 : i32
    %mul3A_17 = arith.constant 640 : i32
    %mul3A_18 = arith.muli %arg1, %mul3A_17 : i32
    %add3A_19 = arith.constant 624 : i32
    %add3A_20 = arith.addi %mul3A_18, %add3A_19 : i32
    "tpu.region"() ({
      %run_scoped3A = tpu.sem_alloc : memref<!tpu.dma_semaphore, #tpu.memory_space<semaphore_mem>>
      %dma_start3A_60 = arith.constant 0 : i32
      %dma_start3A_61 = arith.constant 0 : i32
      %dma_start3A_62 = arith.constant 0 : i32
      %dma_start3A_63 = tpu.memref_slice %arg18[%dma_start3A_60, %dma_start3A_61, %dma_start3A_62] : memref<48x1x128xf32, #tpu.memory_space<vmem>> -> memref<16x1x128xf32, #tpu.memory_space<vmem>>
      %dma_start3A_64 = arith.constant 0 : i32
      %dma_start3A_65 = arith.constant 0 : i32
      %dma_start3A_66 = tpu.memref_slice %arg20[%add3A_20, %dma_start3A_64, %dma_start3A_65] : memref<10240x1x128xf32, #tpu.memory_space<vmem_shared>> -> memref<16x1x128xf32, #tpu.memory_space<vmem_shared>>
      %dma_start3A_67 = arith.constant 0 : i32
      %dma_start3A_68 = arith.constant 0 : i32
      %dma_start3A_69 = tpu.memref_slice %arg20[%add3A_20, %dma_start3A_67, %dma_start3A_68] : memref<10240x1x128xf32, #tpu.memory_space<vmem_shared>> -> memref<16x1x128xf32, #tpu.memory_space<vmem_shared>>
      %dma_start3A_70 = arith.constant 0 : i32
      %dma_start3A_71 = arith.constant 0 : i32
      %dma_start3A_72 = arith.constant 0 : i32
      %dma_start3A_73 = tpu.memref_slice %arg18[%dma_start3A_70, %dma_start3A_71, %dma_start3A_72] : memref<48x1x128xf32, #tpu.memory_space<vmem>> -> memref<16x1x128xf32, #tpu.memory_space<vmem>>
      tpu.enqueue_dma source(%dma_start3A_73 : memref<16x1x128xf32, #tpu.memory_space<vmem>>) target(%dma_start3A_69 : memref<16x1x128xf32, #tpu.memory_space<vmem_shared>>) target_semaphore(%run_scoped3A : memref<!tpu.dma_semaphore, #tpu.memory_space<semaphore_mem>>)
      %dma_wait3A_74 = arith.constant 0 : i32
      %dma_wait3A_75 = arith.constant 0 : i32
      %dma_wait3A_76 = arith.constant 0 : i32
      %dma_wait3A_77 = tpu.memref_slice %arg18[%dma_wait3A_74, %dma_wait3A_75, %dma_wait3A_76] : memref<48x1x128xf32, #tpu.memory_space<vmem>> -> memref<16x1x128xf32, #tpu.memory_space<vmem>>
      %dma_wait3A_78 = arith.constant 0 : i32
      %dma_wait3A_79 = arith.constant 0 : i32
      %dma_wait3A_80 = tpu.memref_slice %arg20[%add3A_20, %dma_wait3A_78, %dma_wait3A_79] : memref<10240x1x128xf32, #tpu.memory_space<vmem_shared>> -> memref<16x1x128xf32, #tpu.memory_space<vmem_shared>>
      %dma_wait3A_81 = arith.constant 0 : i32
      %dma_wait3A_82 = arith.constant 0 : i32
      %dma_wait3A_83 = tpu.memref_slice %arg20[%add3A_20, %dma_wait3A_81, %dma_wait3A_82] : memref<10240x1x128xf32, #tpu.memory_space<vmem_shared>> -> memref<16x1x128xf32, #tpu.memory_space<vmem_shared>>
      %dma_wait3A_84 = arith.constant 0 : i32
      %dma_wait3A_85 = arith.constant 0 : i32
      %dma_wait3A_86 = arith.constant 0 : i32
      %dma_wait3A_87 = tpu.memref_slice %arg18[%dma_wait3A_84, %dma_wait3A_85, %dma_wait3A_86] : memref<48x1x128xf32, #tpu.memory_space<vmem>> -> memref<16x1x128xf32, #tpu.memory_space<vmem>>
      tpu.wait_dma2 semaphore(%run_scoped3A : memref<!tpu.dma_semaphore, #tpu.memory_space<semaphore_mem>>) src(%dma_wait3A_87 : memref<16x1x128xf32, #tpu.memory_space<vmem>>) dst(%dma_wait3A_83 : memref<16x1x128xf32, #tpu.memory_space<vmem_shared>>)
      tpu.yield
    }) : () -> ()
    %mul3A_21 = arith.constant 20 : i32
    %mul3A_22 = arith.muli %arg1, %mul3A_21 : i32
    "tpu.region"() ({
      %run_scoped3A = tpu.sem_alloc : memref<!tpu.dma_semaphore, #tpu.memory_space<semaphore_mem>>
      %dma_start3A_60 = arith.constant 0 : i32
      %dma_start3A_61 = arith.constant 0 : i32
      %dma_start3A_62 = arith.constant 0 : i32
      %dma_start3A_63 = tpu.memref_slice %arg18[%dma_start3A_60, %dma_start3A_61, %dma_start3A_62] : memref<48x1x128xf32, #tpu.memory_space<vmem>> -> memref<20x1x128xf32, #tpu.memory_space<vmem>>
      %dma_start3A_64 = arith.constant 0 : i32
      %dma_start3A_65 = arith.constant 0 : i32
      %dma_start3A_66 = tpu.memref_slice %arg21[%mul3A_22, %dma_start3A_64, %dma_start3A_65] : memref<320x1x128xf32, #tpu.memory_space<vmem_shared>> -> memref<20x1x128xf32, #tpu.memory_space<vmem_shared>>
      %dma_start3A_67 = arith.constant 0 : i32
      %dma_start3A_68 = arith.constant 0 : i32
      %dma_start3A_69 = tpu.memref_slice %arg21[%mul3A_22, %dma_start3A_67, %dma_start3A_68] : memref<320x1x128xf32, #tpu.memory_space<vmem_shared>> -> memref<20x1x128xf32, #tpu.memory_space<vmem_shared>>
      %dma_start3A_70 = arith.constant 0 : i32
      %dma_start3A_71 = arith.constant 0 : i32
      %dma_start3A_72 = arith.constant 0 : i32
      %dma_start3A_73 = tpu.memref_slice %arg18[%dma_start3A_70, %dma_start3A_71, %dma_start3A_72] : memref<48x1x128xf32, #tpu.memory_space<vmem>> -> memref<20x1x128xf32, #tpu.memory_space<vmem>>
      tpu.enqueue_dma source(%dma_start3A_73 : memref<20x1x128xf32, #tpu.memory_space<vmem>>) target(%dma_start3A_69 : memref<20x1x128xf32, #tpu.memory_space<vmem_shared>>) target_semaphore(%run_scoped3A : memref<!tpu.dma_semaphore, #tpu.memory_space<semaphore_mem>>)
      %dma_wait3A_74 = arith.constant 0 : i32
      %dma_wait3A_75 = arith.constant 0 : i32
      %dma_wait3A_76 = arith.constant 0 : i32
      %dma_wait3A_77 = tpu.memref_slice %arg18[%dma_wait3A_74, %dma_wait3A_75, %dma_wait3A_76] : memref<48x1x128xf32, #tpu.memory_space<vmem>> -> memref<20x1x128xf32, #tpu.memory_space<vmem>>
      %dma_wait3A_78 = arith.constant 0 : i32
      %dma_wait3A_79 = arith.constant 0 : i32
      %dma_wait3A_80 = tpu.memref_slice %arg21[%mul3A_22, %dma_wait3A_78, %dma_wait3A_79] : memref<320x1x128xf32, #tpu.memory_space<vmem_shared>> -> memref<20x1x128xf32, #tpu.memory_space<vmem_shared>>
      %dma_wait3A_81 = arith.constant 0 : i32
      %dma_wait3A_82 = arith.constant 0 : i32
      %dma_wait3A_83 = tpu.memref_slice %arg21[%mul3A_22, %dma_wait3A_81, %dma_wait3A_82] : memref<320x1x128xf32, #tpu.memory_space<vmem_shared>> -> memref<20x1x128xf32, #tpu.memory_space<vmem_shared>>
      %dma_wait3A_84 = arith.constant 0 : i32
      %dma_wait3A_85 = arith.constant 0 : i32
      %dma_wait3A_86 = arith.constant 0 : i32
      %dma_wait3A_87 = tpu.memref_slice %arg18[%dma_wait3A_84, %dma_wait3A_85, %dma_wait3A_86] : memref<48x1x128xf32, #tpu.memory_space<vmem>> -> memref<20x1x128xf32, #tpu.memory_space<vmem>>
      tpu.wait_dma2 semaphore(%run_scoped3A : memref<!tpu.dma_semaphore, #tpu.memory_space<semaphore_mem>>) src(%dma_wait3A_87 : memref<20x1x128xf32, #tpu.memory_space<vmem>>) dst(%dma_wait3A_83 : memref<20x1x128xf32, #tpu.memory_space<vmem_shared>>)
      tpu.yield
    }) : () -> ()
    %barrier3A = arith.constant 0 : index
    tpu.barrier barrier_id(%barrier3A)
    %add3A_23 = arith.constant 0 : i32
    %add3A_24 = arith.addi %mul3A_5, %add3A_23 : i32
    %multiple_of3A = tpu.assume_multiple %add3A_24, 8 : i32
    %dma_start3A = tpu.memref_slice %arg2[%multiple_of3A] : memref<162816xi32, #tpu.memory_space<hbm>> -> memref<48xi32, #tpu.memory_space<hbm>>
    %dma_start3A_25 = tpu.memref_slice %arg2[%multiple_of3A] : memref<162816xi32, #tpu.memory_space<hbm>> -> memref<48xi32, #tpu.memory_space<hbm>>
    tpu.enqueue_dma source(%dma_start3A_25 : memref<48xi32, #tpu.memory_space<hbm>>) target(%arg9 : memref<48xi32, #tpu.memory_space<vmem>>) target_semaphore(%arg22 : memref<!tpu.dma_semaphore, #tpu.memory_space<semaphore_mem>>)
    %dma_start3A_26 = tpu.memref_slice %arg3[%multiple_of3A] : memref<162816xi32, #tpu.memory_space<hbm>> -> memref<48xi32, #tpu.memory_space<hbm>>
    %dma_start3A_27 = tpu.memref_slice %arg3[%multiple_of3A] : memref<162816xi32, #tpu.memory_space<hbm>> -> memref<48xi32, #tpu.memory_space<hbm>>
    tpu.enqueue_dma source(%dma_start3A_27 : memref<48xi32, #tpu.memory_space<hbm>>) target(%arg11 : memref<48xi32, #tpu.memory_space<vmem>>) target_semaphore(%arg22 : memref<!tpu.dma_semaphore, #tpu.memory_space<semaphore_mem>>)
    %scan3A_28 = arith.constant 0 : i32
    %scan3A_29 = arith.constant 0 : i32
    %scan3A_30 = arith.constant 53 : i32
    %scan3A_31 = arith.addi %scan3A_29, %scan3A_30 : i32
    %scan3A_32 = arith.constant 1 : i32
    scf.for %scan3A_60 = %scan3A_29 to %scan3A_31 step %scan3A_32  : i32 {
      %mul3A_61 = arith.constant 2 : i32
      %mul3A_62 = arith.muli %scan3A_60, %mul3A_61 : i32
      %mul3A_63 = arith.constant 48 : i32
      %mul3A_64 = arith.muli %mul3A_62, %mul3A_63 : i32
      %add3A_65 = arith.addi %mul3A_5, %mul3A_64 : i32
      %multiple_of3A_66 = tpu.assume_multiple %add3A_65, 8 : i32
      %dma_wait3A_67 = tpu.memref_slice %arg2[%multiple_of3A_66] : memref<162816xi32, #tpu.memory_space<hbm>> -> memref<48xi32, #tpu.memory_space<hbm>>
      %dma_wait3A_68 = tpu.memref_slice %arg2[%multiple_of3A_66] : memref<162816xi32, #tpu.memory_space<hbm>> -> memref<48xi32, #tpu.memory_space<hbm>>
      tpu.wait_dma2 semaphore(%arg22 : memref<!tpu.dma_semaphore, #tpu.memory_space<semaphore_mem>>) src(%dma_wait3A_68 : memref<48xi32, #tpu.memory_space<hbm>>) dst(%arg9 : memref<48xi32, #tpu.memory_space<vmem>>)
      %dma_wait3A_69 = tpu.memref_slice %arg3[%multiple_of3A_66] : memref<162816xi32, #tpu.memory_space<hbm>> -> memref<48xi32, #tpu.memory_space<hbm>>
      %dma_wait3A_70 = tpu.memref_slice %arg3[%multiple_of3A_66] : memref<162816xi32, #tpu.memory_space<hbm>> -> memref<48xi32, #tpu.memory_space<hbm>>
      tpu.wait_dma2 semaphore(%arg22 : memref<!tpu.dma_semaphore, #tpu.memory_space<semaphore_mem>>) src(%dma_wait3A_70 : memref<48xi32, #tpu.memory_space<hbm>>) dst(%arg11 : memref<48xi32, #tpu.memory_space<vmem>>)
      %dma_start3A_71 = arith.constant 0 : i32
      %dma_start3A_72 = arith.constant 0 : i32
      %dma_start3A_73 = tpu.memref_slice %arg4[%dma_start3A_71, %dma_start3A_72] : memref<10016x128xf32, #tpu.memory_space<hbm>> -> memref<10016x128xf32, #tpu.memory_space<hbm>>
      tpu.enqueue_indirect_dma source(%dma_start3A_73 : memref<10016x128xf32, #tpu.memory_space<hbm>>) target(%arg14 : memref<48x128xf32, #tpu.memory_space<vmem>>) offsets(%arg9 : memref<48xi32, #tpu.memory_space<vmem>>) semaphore(%arg23 : memref<!tpu.dma_semaphore, #tpu.memory_space<semaphore_mem>>)
      %dma_start3A_74 = arith.constant 0 : i32
      %dma_start3A_75 = arith.constant 0 : i32
      %dma_start3A_76 = tpu.memref_slice %arg5[%dma_start3A_74, %dma_start3A_75] : memref<70000x128xf32, #tpu.memory_space<hbm>> -> memref<70000x128xf32, #tpu.memory_space<hbm>>
      tpu.enqueue_indirect_dma source(%dma_start3A_76 : memref<70000x128xf32, #tpu.memory_space<hbm>>) target(%arg15 : memref<48x128xf32, #tpu.memory_space<vmem>>) offsets(%arg11 : memref<48xi32, #tpu.memory_space<vmem>>) semaphore(%arg23 : memref<!tpu.dma_semaphore, #tpu.memory_space<semaphore_mem>>)
      %dma_start3A_77 = arith.constant 0 : i32
      %dma_start3A_78 = arith.constant 0 : i32
      %dma_start3A_79 = tpu.memref_slice %arg6[%dma_start3A_77, %dma_start3A_78] : memref<70000x128xf32, #tpu.memory_space<hbm>> -> memref<70000x128xf32, #tpu.memory_space<hbm>>
      tpu.enqueue_indirect_dma source(%dma_start3A_79 : memref<70000x128xf32, #tpu.memory_space<hbm>>) target(%arg16 : memref<48x128xf32, #tpu.memory_space<vmem>>) offsets(%arg11 : memref<48xi32, #tpu.memory_space<vmem>>) semaphore(%arg23 : memref<!tpu.dma_semaphore, #tpu.memory_space<semaphore_mem>>)
      %gt3A = arith.constant 0 : i32
      %gt3A_80 = arith.cmpi sgt, %scan3A_60, %gt3A : i32
      %convert_element_type3A = arith.extui %gt3A_80 : i1 to i32
      %cond3A = arith.constant 0 : i32
      %cond3A_81 = arith.cmpi ne, %convert_element_type3A, %cond3A : i32
      scf.if %cond3A_81 {
        %dma_wait3A_194 = arith.constant 0 : i32
        %dma_wait3A_195 = arith.constant 0 : i32
        %dma_wait3A_196 = arith.constant 0 : i32
        %dma_wait3A_197 = tpu.memref_slice %arg20[%dma_wait3A_194, %dma_wait3A_195, %dma_wait3A_196] : memref<10240x1x128xf32, #tpu.memory_space<vmem_shared>> -> memref<10240x1x128xf32, #tpu.memory_space<vmem_shared>>
        tpu.wait_indirect_dma semaphore(%arg24 : memref<!tpu.dma_semaphore, #tpu.memory_space<semaphore_mem>>) src(%arg17 : memref<48x1x128xf32, #tpu.memory_space<vmem>>) dst(%dma_wait3A_197 : memref<10240x1x128xf32, #tpu.memory_space<vmem_shared>>)
        %dma_wait3A_198 = arith.constant 0 : i32
        %dma_wait3A_199 = arith.constant 0 : i32
        %dma_wait3A_200 = arith.constant 0 : i32
        %dma_wait3A_201 = tpu.memref_slice %arg21[%dma_wait3A_198, %dma_wait3A_199, %dma_wait3A_200] : memref<320x1x128xf32, #tpu.memory_space<vmem_shared>> -> memref<320x1x128xf32, #tpu.memory_space<vmem_shared>>
        tpu.wait_indirect_dma semaphore(%arg24 : memref<!tpu.dma_semaphore, #tpu.memory_space<semaphore_mem>>) src(%arg18 : memref<48x1x128xf32, #tpu.memory_space<vmem>>) dst(%dma_wait3A_201 : memref<320x1x128xf32, #tpu.memory_space<vmem_shared>>)
      } else {
      }
      %scan3A_82 = arith.constant 0 : i32
      %scan3A_83 = arith.constant 0 : i32
      %scan3A_84 = arith.constant 48 : i32
      %scan3A_85 = arith.addi %scan3A_83, %scan3A_84 : i32
      %scan3A_86 = arith.constant 1 : i32
      scf.for %scan3A_194 = %scan3A_83 to %scan3A_85 step %scan3A_86  : i32 {
        %swap3A = arith.constant 0 : i32
        %swap3A_195 = arith.index_cast %scan3A_194 : i32 to index
        %swap3A_196 = arith.index_cast %swap3A : i32 to index
        %swap3A_197 = arith.constant 0 : index
        %swap3A_198 = tpu.vector_load %arg18[%swap3A_195, %swap3A_196, %swap3A_197] {strides = array<i32>} : memref<48x1x128xf32, #tpu.memory_space<vmem>>, vector<16xf32>,
        tpu.vector_store %arg18[%swap3A_195, %swap3A_196, %swap3A_197], %broadcast_in_dim3A_0 {strides = array<i32>} : memref<48x1x128xf32, #tpu.memory_space<vmem>>, vector<16xf32>,
        %swap3A_199 = arith.constant 0 : i32
        %swap3A_200 = arith.index_cast %scan3A_194 : i32 to index
        %swap3A_201 = arith.index_cast %swap3A_199 : i32 to index
        %swap3A_202 = arith.constant 16 : index
        %swap3A_203 = tpu.vector_load %arg18[%swap3A_200, %swap3A_201, %swap3A_202] {strides = array<i32>} : memref<48x1x128xf32, #tpu.memory_space<vmem>>, vector<16xf32>,
        tpu.vector_store %arg18[%swap3A_200, %swap3A_201, %swap3A_202], %broadcast_in_dim3A_0 {strides = array<i32>} : memref<48x1x128xf32, #tpu.memory_space<vmem>>, vector<16xf32>,
        %swap3A_204 = arith.constant 0 : i32
        %swap3A_205 = arith.index_cast %scan3A_194 : i32 to index
        %swap3A_206 = arith.index_cast %swap3A_204 : i32 to index
        %swap3A_207 = arith.constant 32 : index
        %swap3A_208 = tpu.vector_load %arg18[%swap3A_205, %swap3A_206, %swap3A_207] {strides = array<i32>} : memref<48x1x128xf32, #tpu.memory_space<vmem>>, vector<16xf32>,
        tpu.vector_store %arg18[%swap3A_205, %swap3A_206, %swap3A_207], %broadcast_in_dim3A_0 {strides = array<i32>} : memref<48x1x128xf32, #tpu.memory_space<vmem>>, vector<16xf32>,
        %swap3A_209 = arith.constant 0 : i32
        %swap3A_210 = arith.index_cast %scan3A_194 : i32 to index
        %swap3A_211 = arith.index_cast %swap3A_209 : i32 to index
        %swap3A_212 = arith.constant 48 : index
        %swap3A_213 = tpu.vector_load %arg18[%swap3A_210, %swap3A_211, %swap3A_212] {strides = array<i32>} : memref<48x1x128xf32, #tpu.memory_space<vmem>>, vector<16xf32>,
        tpu.vector_store %arg18[%swap3A_210, %swap3A_211, %swap3A_212], %broadcast_in_dim3A_0 {strides = array<i32>} : memref<48x1x128xf32, #tpu.memory_space<vmem>>, vector<16xf32>,
        %swap3A_214 = arith.constant 0 : i32
        %swap3A_215 = arith.index_cast %scan3A_194 : i32 to index
        %swap3A_216 = arith.index_cast %swap3A_214 : i32 to index
        %swap3A_217 = arith.constant 64 : index
        %swap3A_218 = tpu.vector_load %arg18[%swap3A_215, %swap3A_216, %swap3A_217] {strides = array<i32>} : memref<48x1x128xf32, #tpu.memory_space<vmem>>, vector<16xf32>,
        tpu.vector_store %arg18[%swap3A_215, %swap3A_216, %swap3A_217], %broadcast_in_dim3A_0 {strides = array<i32>} : memref<48x1x128xf32, #tpu.memory_space<vmem>>, vector<16xf32>,
        %swap3A_219 = arith.constant 0 : i32
        %swap3A_220 = arith.index_cast %scan3A_194 : i32 to index
        %swap3A_221 = arith.index_cast %swap3A_219 : i32 to index
        %swap3A_222 = arith.constant 80 : index
        %swap3A_223 = tpu.vector_load %arg18[%swap3A_220, %swap3A_221, %swap3A_222] {strides = array<i32>} : memref<48x1x128xf32, #tpu.memory_space<vmem>>, vector<16xf32>,
        tpu.vector_store %arg18[%swap3A_220, %swap3A_221, %swap3A_222], %broadcast_in_dim3A_0 {strides = array<i32>} : memref<48x1x128xf32, #tpu.memory_space<vmem>>, vector<16xf32>,
        %swap3A_224 = arith.constant 0 : i32
        %swap3A_225 = arith.index_cast %scan3A_194 : i32 to index
        %swap3A_226 = arith.index_cast %swap3A_224 : i32 to index
        %swap3A_227 = arith.constant 96 : index
        %swap3A_228 = tpu.vector_load %arg18[%swap3A_225, %swap3A_226, %swap3A_227] {strides = array<i32>} : memref<48x1x128xf32, #tpu.memory_space<vmem>>, vector<16xf32>,
        tpu.vector_store %arg18[%swap3A_225, %swap3A_226, %swap3A_227], %broadcast_in_dim3A_0 {strides = array<i32>} : memref<48x1x128xf32, #tpu.memory_space<vmem>>, vector<16xf32>,
        %swap3A_229 = arith.constant 0 : i32
        %swap3A_230 = arith.index_cast %scan3A_194 : i32 to index
        %swap3A_231 = arith.index_cast %swap3A_229 : i32 to index
        %swap3A_232 = arith.constant 112 : index
        %swap3A_233 = tpu.vector_load %arg18[%swap3A_230, %swap3A_231, %swap3A_232] {strides = array<i32>} : memref<48x1x128xf32, #tpu.memory_space<vmem>>, vector<16xf32>,
        tpu.vector_store %arg18[%swap3A_230, %swap3A_231, %swap3A_232], %broadcast_in_dim3A_0 {strides = array<i32>} : memref<48x1x128xf32, #tpu.memory_space<vmem>>, vector<16xf32>,
      }
      %scan3A_87 = arith.constant 48 : i32
      %dma_wait3A_88 = arith.constant 0 : i32
      %dma_wait3A_89 = arith.constant 0 : i32
      %dma_wait3A_90 = tpu.memref_slice %arg4[%dma_wait3A_88, %dma_wait3A_89] : memref<10016x128xf32, #tpu.memory_space<hbm>> -> memref<10016x128xf32, #tpu.memory_space<hbm>>
      tpu.wait_indirect_dma semaphore(%arg23 : memref<!tpu.dma_semaphore, #tpu.memory_space<semaphore_mem>>) src(%dma_wait3A_90 : memref<10016x128xf32, #tpu.memory_space<hbm>>) dst(%arg14 : memref<48x128xf32, #tpu.memory_space<vmem>>)
      %dma_wait3A_91 = arith.constant 0 : i32
      %dma_wait3A_92 = arith.constant 0 : i32
      %dma_wait3A_93 = tpu.memref_slice %arg5[%dma_wait3A_91, %dma_wait3A_92] : memref<70000x128xf32, #tpu.memory_space<hbm>> -> memref<70000x128xf32, #tpu.memory_space<hbm>>
      tpu.wait_indirect_dma semaphore(%arg23 : memref<!tpu.dma_semaphore, #tpu.memory_space<semaphore_mem>>) src(%dma_wait3A_93 : memref<70000x128xf32, #tpu.memory_space<hbm>>) dst(%arg15 : memref<48x128xf32, #tpu.memory_space<vmem>>)
      %dma_wait3A_94 = arith.constant 0 : i32
      %dma_wait3A_95 = arith.constant 0 : i32
      %dma_wait3A_96 = tpu.memref_slice %arg6[%dma_wait3A_94, %dma_wait3A_95] : memref<70000x128xf32, #tpu.memory_space<hbm>> -> memref<70000x128xf32, #tpu.memory_space<hbm>>
      tpu.wait_indirect_dma semaphore(%arg23 : memref<!tpu.dma_semaphore, #tpu.memory_space<semaphore_mem>>) src(%dma_wait3A_96 : memref<70000x128xf32, #tpu.memory_space<hbm>>) dst(%arg16 : memref<48x128xf32, #tpu.memory_space<vmem>>)
      %add3A_97 = arith.constant 1 : i32
      %add3A_98 = arith.addi %mul3A_62, %add3A_97 : i32
      %lt3A = arith.constant 106 : i32
      %lt3A_99 = arith.cmpi slt, %add3A_98, %lt3A : i32
      %convert_element_type3A_100 = arith.extui %lt3A_99 : i1 to i32
      %cond3A_101 = arith.constant 0 : i32
      %cond3A_102 = arith.cmpi ne, %convert_element_type3A_100, %cond3A_101 : i32
      scf.if %cond3A_102 {
        %add3A_194 = arith.constant 1 : i32
        %add3A_195 = arith.addi %mul3A_62, %add3A_194 : i32
        %mul3A_196 = arith.constant 48 : i32
        %mul3A_197 = arith.muli %add3A_195, %mul3A_196 : i32
        %add3A_198 = arith.addi %mul3A_5, %mul3A_197 : i32
        %multiple_of3A_199 = tpu.assume_multiple %add3A_198, 8 : i32
        %dma_start3A_200 = tpu.memref_slice %arg2[%multiple_of3A_199] : memref<162816xi32, #tpu.memory_space<hbm>> -> memref<48xi32, #tpu.memory_space<hbm>>
        %dma_start3A_201 = tpu.memref_slice %arg2[%multiple_of3A_199] : memref<162816xi32, #tpu.memory_space<hbm>> -> memref<48xi32, #tpu.memory_space<hbm>>
        tpu.enqueue_dma source(%dma_start3A_201 : memref<48xi32, #tpu.memory_space<hbm>>) target(%arg10 : memref<48xi32, #tpu.memory_space<vmem>>) target_semaphore(%arg22 : memref<!tpu.dma_semaphore, #tpu.memory_space<semaphore_mem>>)
        %dma_start3A_202 = tpu.memref_slice %arg3[%multiple_of3A_199] : memref<162816xi32, #tpu.memory_space<hbm>> -> memref<48xi32, #tpu.memory_space<hbm>>
        %dma_start3A_203 = tpu.memref_slice %arg3[%multiple_of3A_199] : memref<162816xi32, #tpu.memory_space<hbm>> -> memref<48xi32, #tpu.memory_space<hbm>>
        tpu.enqueue_dma source(%dma_start3A_203 : memref<48xi32, #tpu.memory_space<hbm>>) target(%arg12 : memref<48xi32, #tpu.memory_space<vmem>>) target_semaphore(%arg22 : memref<!tpu.dma_semaphore, #tpu.memory_space<semaphore_mem>>)
      } else {
      }
      %scan3A_103 = arith.constant 0 : i32
      %scan3A_104 = arith.constant 0 : i32
      %scan3A_105 = arith.constant 48 : i32
      %scan3A_106 = arith.addi %scan3A_104, %scan3A_105 : i32
      %scan3A_107 = arith.constant 1 : i32
      scf.for %scan3A_194 = %scan3A_104 to %scan3A_106 step %scan3A_107  : i32 {
        %broadcast_in_dim3A_195 = arith.constant 0.000000e+00 : f32
        %broadcast_in_dim3A_196 = vector.broadcast %broadcast_in_dim3A_195 : f32 to vector<16xf32>
        %get3A = arith.index_cast %scan3A_194 : i32 to index
        %get3A_197 = arith.constant 0 : index
        %get3A_198 = tpu.vector_load %arg14[%get3A, %get3A_197] {strides = array<i32>} : memref<48x128xf32, #tpu.memory_space<vmem>>, vector<16xf32>,
        %get3A_199 = arith.index_cast %scan3A_194 : i32 to index
        %get3A_200 = arith.constant 0 : index
        %get3A_201 = tpu.vector_load %arg15[%get3A_199, %get3A_200] {strides = array<i32>} : memref<48x128xf32, #tpu.memory_space<vmem>>, vector<16xf32>,
        %mul3A_202 = arith.mulf %get3A_198, %get3A_201 : vector<16xf32>
        %get3A_203 = arith.index_cast %scan3A_194 : i32 to index
        %get3A_204 = arith.constant 16 : index
        %get3A_205 = tpu.vector_load %arg14[%get3A_203, %get3A_204] {strides = array<i32>} : memref<48x128xf32, #tpu.memory_space<vmem>>, vector<16xf32>,
        %get3A_206 = arith.index_cast %scan3A_194 : i32 to index
        %get3A_207 = arith.constant 16 : index
        %get3A_208 = tpu.vector_load %arg15[%get3A_206, %get3A_207] {strides = array<i32>} : memref<48x128xf32, #tpu.memory_space<vmem>>, vector<16xf32>,
        %mul3A_209 = arith.mulf %get3A_205, %get3A_208 : vector<16xf32>
        %add3A_210 = arith.addf %mul3A_202, %mul3A_209 : vector<16xf32>
        %reduce_sum3A = arith.constant true
        %reduce_sum3A_211 = vector.broadcast %reduce_sum3A : i1 to vector<16xi1>
        %reduce_sum3A_212 = tpu.scan <sum>, %add3A_210 masked %reduce_sum3A_211 : vector<16xf32>, vector<16xi1> -> vector<16xf32>
        %reduce_sum3A_213 = vector.extract %reduce_sum3A_212[15] : f32 from vector<16xf32>
        %mul3A_214 = arith.constant 0.176776692 : f32
        %mul3A_215 = arith.mulf %reduce_sum3A_213, %mul3A_214 : f32
        %broadcast_in_dim3A_216 = vector.broadcast %mul3A_215 : f32 to vector<16xf32>
        %exp3A = math.exp %broadcast_in_dim3A_216 : vector<16xf32>
        %get3A_217 = arith.index_cast %scan3A_194 : i32 to index
        %get3A_218 = arith.constant 0 : index
        %get3A_219 = tpu.vector_load %arg16[%get3A_217, %get3A_218] {strides = array<i32>} : memref<48x128xf32, #tpu.memory_space<vmem>>, vector<16xf32>,
        %mul3A_220 = arith.mulf %get3A_219, %exp3A : vector<16xf32>
        %swap3A = arith.constant 0 : i32
        %swap3A_221 = arith.index_cast %scan3A_194 : i32 to index
        %swap3A_222 = arith.index_cast %swap3A : i32 to index
        %swap3A_223 = arith.constant 0 : index
        %swap3A_224 = tpu.vector_load %arg17[%swap3A_221, %swap3A_222, %swap3A_223] {strides = array<i32>} : memref<48x1x128xf32, #tpu.memory_space<vmem>>, vector<16xf32>,
        tpu.vector_store %arg17[%swap3A_221, %swap3A_222, %swap3A_223], %mul3A_220 {strides = array<i32>} : memref<48x1x128xf32, #tpu.memory_space<vmem>>, vector<16xf32>,
        %get3A_225 = arith.index_cast %scan3A_194 : i32 to index
        %get3A_226 = arith.constant 16 : index
        %get3A_227 = tpu.vector_load %arg16[%get3A_225, %get3A_226] {strides = array<i32>} : memref<48x128xf32, #tpu.memory_space<vmem>>, vector<16xf32>,
        %mul3A_228 = arith.mulf %get3A_227, %exp3A : vector<16xf32>
        %swap3A_229 = arith.constant 0 : i32
        %swap3A_230 = arith.index_cast %scan3A_194 : i32 to index
        %swap3A_231 = arith.index_cast %swap3A_229 : i32 to index
        %swap3A_232 = arith.constant 16 : index
        %swap3A_233 = tpu.vector_load %arg17[%swap3A_230, %swap3A_231, %swap3A_232] {strides = array<i32>} : memref<48x1x128xf32, #tpu.memory_space<vmem>>, vector<16xf32>,
        tpu.vector_store %arg17[%swap3A_230, %swap3A_231, %swap3A_232], %mul3A_228 {strides = array<i32>} : memref<48x1x128xf32, #tpu.memory_space<vmem>>, vector<16xf32>,
        %eq3A = arith.constant 0 : i32
        %eq3A_234 = vector.broadcast %eq3A : i32 to vector<16xi32>
        %eq3A_235 = arith.cmpi eq, %iota3A, %eq3A_234 : vector<16xi32>
        %select_n3A = arith.select %eq3A_235, %exp3A, %broadcast_in_dim3A_196 : vector<16xi1>, vector<16xf32>
        %get3A_236 = arith.index_cast %scan3A_194 : i32 to index
        %get3A_237 = arith.constant 32 : index
        %get3A_238 = tpu.vector_load %arg14[%get3A_236, %get3A_237] {strides = array<i32>} : memref<48x128xf32, #tpu.memory_space<vmem>>, vector<16xf32>,
        %get3A_239 = arith.index_cast %scan3A_194 : i32 to index
        %get3A_240 = arith.constant 32 : index
        %get3A_241 = tpu.vector_load %arg15[%get3A_239, %get3A_240] {strides = array<i32>} : memref<48x128xf32, #tpu.memory_space<vmem>>, vector<16xf32>,
        %mul3A_242 = arith.mulf %get3A_238, %get3A_241 : vector<16xf32>
        %get3A_243 = arith.index_cast %scan3A_194 : i32 to index
        %get3A_244 = arith.constant 48 : index
        %get3A_245 = tpu.vector_load %arg14[%get3A_243, %get3A_244] {strides = array<i32>} : memref<48x128xf32, #tpu.memory_space<vmem>>, vector<16xf32>,
        %get3A_246 = arith.index_cast %scan3A_194 : i32 to index
        %get3A_247 = arith.constant 48 : index
        %get3A_248 = tpu.vector_load %arg15[%get3A_246, %get3A_247] {strides = array<i32>} : memref<48x128xf32, #tpu.memory_space<vmem>>, vector<16xf32>,
        %mul3A_249 = arith.mulf %get3A_245, %get3A_248 : vector<16xf32>
        %add3A_250 = arith.addf %mul3A_242, %mul3A_249 : vector<16xf32>
        %reduce_sum3A_251 = arith.constant true
        %reduce_sum3A_252 = vector.broadcast %reduce_sum3A_251 : i1 to vector<16xi1>
        %reduce_sum3A_253 = tpu.scan <sum>, %add3A_250 masked %reduce_sum3A_252 : vector<16xf32>, vector<16xi1> -> vector<16xf32>
        %reduce_sum3A_254 = vector.extract %reduce_sum3A_253[15] : f32 from vector<16xf32>
        %mul3A_255 = arith.constant 0.176776692 : f32
        %mul3A_256 = arith.mulf %reduce_sum3A_254, %mul3A_255 : f32
        %broadcast_in_dim3A_257 = vector.broadcast %mul3A_256 : f32 to vector<16xf32>
        %exp3A_258 = math.exp %broadcast_in_dim3A_257 : vector<16xf32>
        %get3A_259 = arith.index_cast %scan3A_194 : i32 to index
        %get3A_260 = arith.constant 32 : index
        %get3A_261 = tpu.vector_load %arg16[%get3A_259, %get3A_260] {strides = array<i32>} : memref<48x128xf32, #tpu.memory_space<vmem>>, vector<16xf32>,
        %mul3A_262 = arith.mulf %get3A_261, %exp3A_258 : vector<16xf32>
        %swap3A_263 = arith.constant 0 : i32
        %swap3A_264 = arith.index_cast %scan3A_194 : i32 to index
        %swap3A_265 = arith.index_cast %swap3A_263 : i32 to index
        %swap3A_266 = arith.constant 32 : index
        %swap3A_267 = tpu.vector_load %arg17[%swap3A_264, %swap3A_265, %swap3A_266] {strides = array<i32>} : memref<48x1x128xf32, #tpu.memory_space<vmem>>, vector<16xf32>,
        tpu.vector_store %arg17[%swap3A_264, %swap3A_265, %swap3A_266], %mul3A_262 {strides = array<i32>} : memref<48x1x128xf32, #tpu.memory_space<vmem>>, vector<16xf32>,
        %get3A_268 = arith.index_cast %scan3A_194 : i32 to index
        %get3A_269 = arith.constant 48 : index
        %get3A_270 = tpu.vector_load %arg16[%get3A_268, %get3A_269] {strides = array<i32>} : memref<48x128xf32, #tpu.memory_space<vmem>>, vector<16xf32>,
        %mul3A_271 = arith.mulf %get3A_270, %exp3A_258 : vector<16xf32>
        %swap3A_272 = arith.constant 0 : i32
        %swap3A_273 = arith.index_cast %scan3A_194 : i32 to index
        %swap3A_274 = arith.index_cast %swap3A_272 : i32 to index
        %swap3A_275 = arith.constant 48 : index
        %swap3A_276 = tpu.vector_load %arg17[%swap3A_273, %swap3A_274, %swap3A_275] {strides = array<i32>} : memref<48x1x128xf32, #tpu.memory_space<vmem>>, vector<16xf32>,
        tpu.vector_store %arg17[%swap3A_273, %swap3A_274, %swap3A_275], %mul3A_271 {strides = array<i32>} : memref<48x1x128xf32, #tpu.memory_space<vmem>>, vector<16xf32>,
        %eq3A_277 = arith.constant 1 : i32
        %eq3A_278 = vector.broadcast %eq3A_277 : i32 to vector<16xi32>
        %eq3A_279 = arith.cmpi eq, %iota3A, %eq3A_278 : vector<16xi32>
        %select_n3A_280 = arith.select %eq3A_279, %exp3A_258, %select_n3A : vector<16xi1>, vector<16xf32>
        %get3A_281 = arith.index_cast %scan3A_194 : i32 to index
        %get3A_282 = arith.constant 64 : index
        %get3A_283 = tpu.vector_load %arg14[%get3A_281, %get3A_282] {strides = array<i32>} : memref<48x128xf32, #tpu.memory_space<vmem>>, vector<16xf32>,
        %get3A_284 = arith.index_cast %scan3A_194 : i32 to index
        %get3A_285 = arith.constant 64 : index
        %get3A_286 = tpu.vector_load %arg15[%get3A_284, %get3A_285] {strides = array<i32>} : memref<48x128xf32, #tpu.memory_space<vmem>>, vector<16xf32>,
        %mul3A_287 = arith.mulf %get3A_283, %get3A_286 : vector<16xf32>
        %get3A_288 = arith.index_cast %scan3A_194 : i32 to index
        %get3A_289 = arith.constant 80 : index
        %get3A_290 = tpu.vector_load %arg14[%get3A_288, %get3A_289] {strides = array<i32>} : memref<48x128xf32, #tpu.memory_space<vmem>>, vector<16xf32>,
        %get3A_291 = arith.index_cast %scan3A_194 : i32 to index
        %get3A_292 = arith.constant 80 : index
        %get3A_293 = tpu.vector_load %arg15[%get3A_291, %get3A_292] {strides = array<i32>} : memref<48x128xf32, #tpu.memory_space<vmem>>, vector<16xf32>,
        %mul3A_294 = arith.mulf %get3A_290, %get3A_293 : vector<16xf32>
        %add3A_295 = arith.addf %mul3A_287, %mul3A_294 : vector<16xf32>
        %reduce_sum3A_296 = arith.constant true
        %reduce_sum3A_297 = vector.broadcast %reduce_sum3A_296 : i1 to vector<16xi1>
        %reduce_sum3A_298 = tpu.scan <sum>, %add3A_295 masked %reduce_sum3A_297 : vector<16xf32>, vector<16xi1> -> vector<16xf32>
        %reduce_sum3A_299 = vector.extract %reduce_sum3A_298[15] : f32 from vector<16xf32>
        %mul3A_300 = arith.constant 0.176776692 : f32
        %mul3A_301 = arith.mulf %reduce_sum3A_299, %mul3A_300 : f32
        %broadcast_in_dim3A_302 = vector.broadcast %mul3A_301 : f32 to vector<16xf32>
        %exp3A_303 = math.exp %broadcast_in_dim3A_302 : vector<16xf32>
        %get3A_304 = arith.index_cast %scan3A_194 : i32 to index
        %get3A_305 = arith.constant 64 : index
        %get3A_306 = tpu.vector_load %arg16[%get3A_304, %get3A_305] {strides = array<i32>} : memref<48x128xf32, #tpu.memory_space<vmem>>, vector<16xf32>,
        %mul3A_307 = arith.mulf %get3A_306, %exp3A_303 : vector<16xf32>
        %swap3A_308 = arith.constant 0 : i32
        %swap3A_309 = arith.index_cast %scan3A_194 : i32 to index
        %swap3A_310 = arith.index_cast %swap3A_308 : i32 to index
        %swap3A_311 = arith.constant 64 : index
        %swap3A_312 = tpu.vector_load %arg17[%swap3A_309, %swap3A_310, %swap3A_311] {strides = array<i32>} : memref<48x1x128xf32, #tpu.memory_space<vmem>>, vector<16xf32>,
        tpu.vector_store %arg17[%swap3A_309, %swap3A_310, %swap3A_311], %mul3A_307 {strides = array<i32>} : memref<48x1x128xf32, #tpu.memory_space<vmem>>, vector<16xf32>,
        %get3A_313 = arith.index_cast %scan3A_194 : i32 to index
        %get3A_314 = arith.constant 80 : index
        %get3A_315 = tpu.vector_load %arg16[%get3A_313, %get3A_314] {strides = array<i32>} : memref<48x128xf32, #tpu.memory_space<vmem>>, vector<16xf32>,
        %mul3A_316 = arith.mulf %get3A_315, %exp3A_303 : vector<16xf32>
        %swap3A_317 = arith.constant 0 : i32
        %swap3A_318 = arith.index_cast %scan3A_194 : i32 to index
        %swap3A_319 = arith.index_cast %swap3A_317 : i32 to index
        %swap3A_320 = arith.constant 80 : index
        %swap3A_321 = tpu.vector_load %arg17[%swap3A_318, %swap3A_319, %swap3A_320] {strides = array<i32>} : memref<48x1x128xf32, #tpu.memory_space<vmem>>, vector<16xf32>,
        tpu.vector_store %arg17[%swap3A_318, %swap3A_319, %swap3A_320], %mul3A_316 {strides = array<i32>} : memref<48x1x128xf32, #tpu.memory_space<vmem>>, vector<16xf32>,
        %eq3A_322 = arith.constant 2 : i32
        %eq3A_323 = vector.broadcast %eq3A_322 : i32 to vector<16xi32>
        %eq3A_324 = arith.cmpi eq, %iota3A, %eq3A_323 : vector<16xi32>
        %select_n3A_325 = arith.select %eq3A_324, %exp3A_303, %select_n3A_280 : vector<16xi1>, vector<16xf32>
        %get3A_326 = arith.index_cast %scan3A_194 : i32 to index
        %get3A_327 = arith.constant 96 : index
        %get3A_328 = tpu.vector_load %arg14[%get3A_326, %get3A_327] {strides = array<i32>} : memref<48x128xf32, #tpu.memory_space<vmem>>, vector<16xf32>,
        %get3A_329 = arith.index_cast %scan3A_194 : i32 to index
        %get3A_330 = arith.constant 96 : index
        %get3A_331 = tpu.vector_load %arg15[%get3A_329, %get3A_330] {strides = array<i32>} : memref<48x128xf32, #tpu.memory_space<vmem>>, vector<16xf32>,
        %mul3A_332 = arith.mulf %get3A_328, %get3A_331 : vector<16xf32>
        %get3A_333 = arith.index_cast %scan3A_194 : i32 to index
        %get3A_334 = arith.constant 112 : index
        %get3A_335 = tpu.vector_load %arg14[%get3A_333, %get3A_334] {strides = array<i32>} : memref<48x128xf32, #tpu.memory_space<vmem>>, vector<16xf32>,
        %get3A_336 = arith.index_cast %scan3A_194 : i32 to index
        %get3A_337 = arith.constant 112 : index
        %get3A_338 = tpu.vector_load %arg15[%get3A_336, %get3A_337] {strides = array<i32>} : memref<48x128xf32, #tpu.memory_space<vmem>>, vector<16xf32>,
        %mul3A_339 = arith.mulf %get3A_335, %get3A_338 : vector<16xf32>
        %add3A_340 = arith.addf %mul3A_332, %mul3A_339 : vector<16xf32>
        %reduce_sum3A_341 = arith.constant true
        %reduce_sum3A_342 = vector.broadcast %reduce_sum3A_341 : i1 to vector<16xi1>
        %reduce_sum3A_343 = tpu.scan <sum>, %add3A_340 masked %reduce_sum3A_342 : vector<16xf32>, vector<16xi1> -> vector<16xf32>
        %reduce_sum3A_344 = vector.extract %reduce_sum3A_343[15] : f32 from vector<16xf32>
        %mul3A_345 = arith.constant 0.176776692 : f32
        %mul3A_346 = arith.mulf %reduce_sum3A_344, %mul3A_345 : f32
        %broadcast_in_dim3A_347 = vector.broadcast %mul3A_346 : f32 to vector<16xf32>
        %exp3A_348 = math.exp %broadcast_in_dim3A_347 : vector<16xf32>
        %get3A_349 = arith.index_cast %scan3A_194 : i32 to index
        %get3A_350 = arith.constant 96 : index
        %get3A_351 = tpu.vector_load %arg16[%get3A_349, %get3A_350] {strides = array<i32>} : memref<48x128xf32, #tpu.memory_space<vmem>>, vector<16xf32>,
        %mul3A_352 = arith.mulf %get3A_351, %exp3A_348 : vector<16xf32>
        %swap3A_353 = arith.constant 0 : i32
        %swap3A_354 = arith.index_cast %scan3A_194 : i32 to index
        %swap3A_355 = arith.index_cast %swap3A_353 : i32 to index
        %swap3A_356 = arith.constant 96 : index
        %swap3A_357 = tpu.vector_load %arg17[%swap3A_354, %swap3A_355, %swap3A_356] {strides = array<i32>} : memref<48x1x128xf32, #tpu.memory_space<vmem>>, vector<16xf32>,
        tpu.vector_store %arg17[%swap3A_354, %swap3A_355, %swap3A_356], %mul3A_352 {strides = array<i32>} : memref<48x1x128xf32, #tpu.memory_space<vmem>>, vector<16xf32>,
        %get3A_358 = arith.index_cast %scan3A_194 : i32 to index
        %get3A_359 = arith.constant 112 : index
        %get3A_360 = tpu.vector_load %arg16[%get3A_358, %get3A_359] {strides = array<i32>} : memref<48x128xf32, #tpu.memory_space<vmem>>, vector<16xf32>,
        %mul3A_361 = arith.mulf %get3A_360, %exp3A_348 : vector<16xf32>
        %swap3A_362 = arith.constant 0 : i32
        %swap3A_363 = arith.index_cast %scan3A_194 : i32 to index
        %swap3A_364 = arith.index_cast %swap3A_362 : i32 to index
        %swap3A_365 = arith.constant 112 : index
        %swap3A_366 = tpu.vector_load %arg17[%swap3A_363, %swap3A_364, %swap3A_365] {strides = array<i32>} : memref<48x1x128xf32, #tpu.memory_space<vmem>>, vector<16xf32>,
        tpu.vector_store %arg17[%swap3A_363, %swap3A_364, %swap3A_365], %mul3A_361 {strides = array<i32>} : memref<48x1x128xf32, #tpu.memory_space<vmem>>, vector<16xf32>,
        %eq3A_367 = arith.constant 3 : i32
        %eq3A_368 = vector.broadcast %eq3A_367 : i32 to vector<16xi32>
        %eq3A_369 = arith.cmpi eq, %iota3A, %eq3A_368 : vector<16xi32>
        %select_n3A_370 = arith.select %eq3A_369, %exp3A_348, %select_n3A_325 : vector<16xi1>, vector<16xf32>
        %swap3A_371 = arith.index_cast %scan3A_194 : i32 to index
        %swap3A_372 = arith.constant 0 : index
        %swap3A_373 = tpu.vector_load %arg19[%swap3A_371, %swap3A_372] {strides = array<i32>} : memref<48x16xf32, #tpu.memory_space<vmem>>, vector<16xf32>,
        tpu.vector_store %arg19[%swap3A_371, %swap3A_372], %select_n3A_370 {strides = array<i32>} : memref<48x16xf32, #tpu.memory_space<vmem>>, vector<16xf32>,
      }
      %scan3A_108 = arith.constant 48 : i32
      %scan3A_109 = arith.constant 0 : i32
      %scan3A_110 = arith.constant 0 : i32
      %scan3A_111 = arith.constant 3 : i32
      %scan3A_112 = arith.addi %scan3A_110, %scan3A_111 : i32
      %scan3A_113 = arith.constant 1 : i32
      scf.for %scan3A_194 = %scan3A_110 to %scan3A_112 step %scan3A_113  : i32 {
        %mul3A_195 = arith.constant 16 : i32
        %mul3A_196 = arith.muli %scan3A_194, %mul3A_195 : i32
        %add3A_197 = vector.broadcast %mul3A_196 : i32 to vector<16xi32>
        %add3A_198 = arith.addi %add3A_197, %iota3A : vector<16xi32>
        %gather3A = tpu.vector_load_idx %arg9[%add3A_198] : memref<48xi32, #tpu.memory_space<vmem>>[vector<16xi32>], vector<16xi32>,
        %shift_right_logical3A = arith.constant 5 : i32
        %shift_right_logical3A_199 = vector.broadcast %shift_right_logical3A : i32 to vector<16xi32>
        %shift_right_logical3A_200 = arith.shrui %gather3A, %shift_right_logical3A_199 : vector<16xi32>
        %mul3A_201 = arith.constant 16 : i32
        %mul3A_202 = arith.muli %scan3A_194, %mul3A_201 : i32
        %swap3A = arith.index_cast %mul3A_202 : i32 to index
        %swap3A_203 = tpu.vector_load %arg13[%swap3A] {strides = array<i32>} : memref<48xi32, #tpu.memory_space<vmem>>, vector<16xi32>,
        tpu.vector_store %arg13[%swap3A], %shift_right_logical3A_200 {strides = array<i32>} : memref<48xi32, #tpu.memory_space<vmem>>, vector<16xi32>,
        %and3A = arith.constant 31 : i32
        %and3A_204 = vector.broadcast %and3A : i32 to vector<16xi32>
        %and3A_205 = arith.andi %gather3A, %and3A_204 : vector<16xi32>
        %mul3A_206 = arith.constant 4 : i32
        %mul3A_207 = vector.broadcast %mul3A_206 : i32 to vector<16xi32>
        %mul3A_208 = arith.muli %and3A_205, %mul3A_207 : vector<16xi32>
        %broadcast_in_dim3A_209 = arith.constant 0 : i32
        %broadcast_in_dim3A_210 = vector.broadcast %broadcast_in_dim3A_209 : i32 to vector<16xi32>
        %gather3A_211 = tpu.vector_load_idx %arg19[%add3A_198, %broadcast_in_dim3A_210] : memref<48x16xf32, #tpu.memory_space<vmem>>[vector<16xi32>, vector<16xi32>], vector<16xf32>,
        %add3A_212 = arith.constant 0 : i32
        %add3A_213 = vector.broadcast %add3A_212 : i32 to vector<16xi32>
        %add3A_214 = arith.addi %mul3A_208, %add3A_213 : vector<16xi32>
        tpu.vector_store_idx %arg18[%add3A_198, %broadcast_in_dim3A_2, %add3A_214], %gather3A_211 : memref<48x1x128xf32, #tpu.memory_space<vmem>>[vector<16xi32>, vector<16xi32>, vector<16xi32>], vector<16xf32>,
        %broadcast_in_dim3A_215 = arith.constant 1 : i32
        %broadcast_in_dim3A_216 = vector.broadcast %broadcast_in_dim3A_215 : i32 to vector<16xi32>
        %gather3A_217 = tpu.vector_load_idx %arg19[%add3A_198, %broadcast_in_dim3A_216] : memref<48x16xf32, #tpu.memory_space<vmem>>[vector<16xi32>, vector<16xi32>], vector<16xf32>,
        %add3A_218 = arith.constant 1 : i32
        %add3A_219 = vector.broadcast %add3A_218 : i32 to vector<16xi32>
        %add3A_220 = arith.addi %mul3A_208, %add3A_219 : vector<16xi32>
        tpu.vector_store_idx %arg18[%add3A_198, %broadcast_in_dim3A_2, %add3A_220], %gather3A_217 : memref<48x1x128xf32, #tpu.memory_space<vmem>>[vector<16xi32>, vector<16xi32>, vector<16xi32>], vector<16xf32>,
        %broadcast_in_dim3A_221 = arith.constant 2 : i32
        %broadcast_in_dim3A_222 = vector.broadcast %broadcast_in_dim3A_221 : i32 to vector<16xi32>
        %gather3A_223 = tpu.vector_load_idx %arg19[%add3A_198, %broadcast_in_dim3A_222] : memref<48x16xf32, #tpu.memory_space<vmem>>[vector<16xi32>, vector<16xi32>], vector<16xf32>,
        %add3A_224 = arith.constant 2 : i32
        %add3A_225 = vector.broadcast %add3A_224 : i32 to vector<16xi32>
        %add3A_226 = arith.addi %mul3A_208, %add3A_225 : vector<16xi32>
        tpu.vector_store_idx %arg18[%add3A_198, %broadcast_in_dim3A_2, %add3A_226], %gather3A_223 : memref<48x1x128xf32, #tpu.memory_space<vmem>>[vector<16xi32>, vector<16xi32>, vector<16xi32>], vector<16xf32>,
        %broadcast_in_dim3A_227 = arith.constant 3 : i32
        %broadcast_in_dim3A_228 = vector.broadcast %broadcast_in_dim3A_227 : i32 to vector<16xi32>
        %gather3A_229 = tpu.vector_load_idx %arg19[%add3A_198, %broadcast_in_dim3A_228] : memref<48x16xf32, #tpu.memory_space<vmem>>[vector<16xi32>, vector<16xi32>], vector<16xf32>,
        %add3A_230 = arith.constant 3 : i32
        %add3A_231 = vector.broadcast %add3A_230 : i32 to vector<16xi32>
        %add3A_232 = arith.addi %mul3A_208, %add3A_231 : vector<16xi32>
        tpu.vector_store_idx %arg18[%add3A_198, %broadcast_in_dim3A_2, %add3A_232], %gather3A_229 : memref<48x1x128xf32, #tpu.memory_space<vmem>>[vector<16xi32>, vector<16xi32>, vector<16xi32>], vector<16xf32>,
      }
      %scan3A_114 = arith.constant 3 : i32
      %dma_start3A_115 = arith.constant 0 : i32
      %dma_start3A_116 = arith.constant 0 : i32
      %dma_start3A_117 = arith.constant 0 : i32
      %dma_start3A_118 = tpu.memref_slice %arg20[%dma_start3A_115, %dma_start3A_116, %dma_start3A_117] : memref<10240x1x128xf32, #tpu.memory_space<vmem_shared>> -> memref<10240x1x128xf32, #tpu.memory_space<vmem_shared>>
      tpu.enqueue_indirect_dma source(%arg17 : memref<48x1x128xf32, #tpu.memory_space<vmem>>) target(%dma_start3A_118 : memref<10240x1x128xf32, #tpu.memory_space<vmem_shared>>) offsets(%arg9 : memref<48xi32, #tpu.memory_space<vmem>>) semaphore(%arg24 : memref<!tpu.dma_semaphore, #tpu.memory_space<semaphore_mem>>) {add = true}
      %dma_start3A_119 = arith.constant 0 : i32
      %dma_start3A_120 = arith.constant 0 : i32
      %dma_start3A_121 = arith.constant 0 : i32
      %dma_start3A_122 = tpu.memref_slice %arg21[%dma_start3A_119, %dma_start3A_120, %dma_start3A_121] : memref<320x1x128xf32, #tpu.memory_space<vmem_shared>> -> memref<320x1x128xf32, #tpu.memory_space<vmem_shared>>
      tpu.enqueue_indirect_dma source(%arg18 : memref<48x1x128xf32, #tpu.memory_space<vmem>>) target(%dma_start3A_122 : memref<320x1x128xf32, #tpu.memory_space<vmem_shared>>) offsets(%arg13 : memref<48xi32, #tpu.memory_space<vmem>>) semaphore(%arg24 : memref<!tpu.dma_semaphore, #tpu.memory_space<semaphore_mem>>) {add = true}
      %mul3A_123 = arith.constant 2 : i32
      %mul3A_124 = arith.muli %scan3A_60, %mul3A_123 : i32
      %add3A_125 = arith.constant 1 : i32
      %add3A_126 = arith.addi %mul3A_124, %add3A_125 : i32
      %mul3A_127 = arith.constant 48 : i32
      %mul3A_128 = arith.muli %add3A_126, %mul3A_127 : i32
      %add3A_129 = arith.addi %mul3A_5, %mul3A_128 : i32
      %multiple_of3A_130 = tpu.assume_multiple %add3A_129, 8 : i32
      %dma_wait3A_131 = tpu.memref_slice %arg2[%multiple_of3A_130] : memref<162816xi32, #tpu.memory_space<hbm>> -> memref<48xi32, #tpu.memory_space<hbm>>
      %dma_wait3A_132 = tpu.memref_slice %arg2[%multiple_of3A_130] : memref<162816xi32, #tpu.memory_space<hbm>> -> memref<48xi32, #tpu.memory_space<hbm>>
      tpu.wait_dma2 semaphore(%arg22 : memref<!tpu.dma_semaphore, #tpu.memory_space<semaphore_mem>>) src(%dma_wait3A_132 : memref<48xi32, #tpu.memory_space<hbm>>) dst(%arg10 : memref<48xi32, #tpu.memory_space<vmem>>)
      %dma_wait3A_133 = tpu.memref_slice %arg3[%multiple_of3A_130] : memref<162816xi32, #tpu.memory_space<hbm>> -> memref<48xi32, #tpu.memory_space<hbm>>
      %dma_wait3A_134 = tpu.memref_slice %arg3[%multiple_of3A_130] : memref<162816xi32, #tpu.memory_space<hbm>> -> memref<48xi32, #tpu.memory_space<hbm>>
      tpu.wait_dma2 semaphore(%arg22 : memref<!tpu.dma_semaphore, #tpu.memory_space<semaphore_mem>>) src(%dma_wait3A_134 : memref<48xi32, #tpu.memory_space<hbm>>) dst(%arg12 : memref<48xi32, #tpu.memory_space<vmem>>)
      %dma_start3A_135 = arith.constant 0 : i32
      %dma_start3A_136 = arith.constant 0 : i32
      %dma_start3A_137 = tpu.memref_slice %arg4[%dma_start3A_135, %dma_start3A_136] : memref<10016x128xf32, #tpu.memory_space<hbm>> -> memref<10016x128xf32, #tpu.memory_space<hbm>>
      tpu.enqueue_indirect_dma source(%dma_start3A_137 : memref<10016x128xf32, #tpu.memory_space<hbm>>) target(%arg14 : memref<48x128xf32, #tpu.memory_space<vmem>>) offsets(%arg10 : memref<48xi32, #tpu.memory_space<vmem>>) semaphore(%arg23 : memref<!tpu.dma_semaphore, #tpu.memory_space<semaphore_mem>>)
      %dma_start3A_138 = arith.constant 0 : i32
      %dma_start3A_139 = arith.constant 0 : i32
      %dma_start3A_140 = tpu.memref_slice %arg5[%dma_start3A_138, %dma_start3A_139] : memref<70000x128xf32, #tpu.memory_space<hbm>> -> memref<70000x128xf32, #tpu.memory_space<hbm>>
      tpu.enqueue_indirect_dma source(%dma_start3A_140 : memref<70000x128xf32, #tpu.memory_space<hbm>>) target(%arg15 : memref<48x128xf32, #tpu.memory_space<vmem>>) offsets(%arg12 : memref<48xi32, #tpu.memory_space<vmem>>) semaphore(%arg23 : memref<!tpu.dma_semaphore, #tpu.memory_space<semaphore_mem>>)
      %dma_start3A_141 = arith.constant 0 : i32
      %dma_start3A_142 = arith.constant 0 : i32
      %dma_start3A_143 = tpu.memref_slice %arg6[%dma_start3A_141, %dma_start3A_142] : memref<70000x128xf32, #tpu.memory_space<hbm>> -> memref<70000x128xf32, #tpu.memory_space<hbm>>
      tpu.enqueue_indirect_dma source(%dma_start3A_143 : memref<70000x128xf32, #tpu.memory_space<hbm>>) target(%arg16 : memref<48x128xf32, #tpu.memory_space<vmem>>) offsets(%arg12 : memref<48xi32, #tpu.memory_space<vmem>>) semaphore(%arg23 : memref<!tpu.dma_semaphore, #tpu.memory_space<semaphore_mem>>)
      %dma_wait3A_144 = arith.constant 0 : i32
      %dma_wait3A_145 = arith.constant 0 : i32
      %dma_wait3A_146 = arith.constant 0 : i32
      %dma_wait3A_147 = tpu.memref_slice %arg20[%dma_wait3A_144, %dma_wait3A_145, %dma_wait3A_146] : memref<10240x1x128xf32, #tpu.memory_space<vmem_shared>> -> memref<10240x1x128xf32, #tpu.memory_space<vmem_shared>>
      tpu.wait_indirect_dma semaphore(%arg24 : memref<!tpu.dma_semaphore, #tpu.memory_space<semaphore_mem>>) src(%arg17 : memref<48x1x128xf32, #tpu.memory_space<vmem>>) dst(%dma_wait3A_147 : memref<10240x1x128xf32, #tpu.memory_space<vmem_shared>>)
      %dma_wait3A_148 = arith.constant 0 : i32
      %dma_wait3A_149 = arith.constant 0 : i32
      %dma_wait3A_150 = arith.constant 0 : i32
      %dma_wait3A_151 = tpu.memref_slice %arg21[%dma_wait3A_148, %dma_wait3A_149, %dma_wait3A_150] : memref<320x1x128xf32, #tpu.memory_space<vmem_shared>> -> memref<320x1x128xf32, #tpu.memory_space<vmem_shared>>
      tpu.wait_indirect_dma semaphore(%arg24 : memref<!tpu.dma_semaphore, #tpu.memory_space<semaphore_mem>>) src(%arg18 : memref<48x1x128xf32, #tpu.memory_space<vmem>>) dst(%dma_wait3A_151 : memref<320x1x128xf32, #tpu.memory_space<vmem_shared>>)
      %scan3A_152 = arith.constant 0 : i32
      %scan3A_153 = arith.constant 0 : i32
      %scan3A_154 = arith.constant 48 : i32
      %scan3A_155 = arith.addi %scan3A_153, %scan3A_154 : i32
      %scan3A_156 = arith.constant 1 : i32
      scf.for %scan3A_194 = %scan3A_153 to %scan3A_155 step %scan3A_156  : i32 {
        %swap3A = arith.constant 0 : i32
        %swap3A_195 = arith.index_cast %scan3A_194 : i32 to index
        %swap3A_196 = arith.index_cast %swap3A : i32 to index
        %swap3A_197 = arith.constant 0 : index
        %swap3A_198 = tpu.vector_load %arg18[%swap3A_195, %swap3A_196, %swap3A_197] {strides = array<i32>} : memref<48x1x128xf32, #tpu.memory_space<vmem>>, vector<16xf32>,
        tpu.vector_store %arg18[%swap3A_195, %swap3A_196, %swap3A_197], %broadcast_in_dim3A_0 {strides = array<i32>} : memref<48x1x128xf32, #tpu.memory_space<vmem>>, vector<16xf32>,
        %swap3A_199 = arith.constant 0 : i32
        %swap3A_200 = arith.index_cast %scan3A_194 : i32 to index
        %swap3A_201 = arith.index_cast %swap3A_199 : i32 to index
        %swap3A_202 = arith.constant 16 : index
        %swap3A_203 = tpu.vector_load %arg18[%swap3A_200, %swap3A_201, %swap3A_202] {strides = array<i32>} : memref<48x1x128xf32, #tpu.memory_space<vmem>>, vector<16xf32>,
        tpu.vector_store %arg18[%swap3A_200, %swap3A_201, %swap3A_202], %broadcast_in_dim3A_0 {strides = array<i32>} : memref<48x1x128xf32, #tpu.memory_space<vmem>>, vector<16xf32>,
        %swap3A_204 = arith.constant 0 : i32
        %swap3A_205 = arith.index_cast %scan3A_194 : i32 to index
        %swap3A_206 = arith.index_cast %swap3A_204 : i32 to index
        %swap3A_207 = arith.constant 32 : index
        %swap3A_208 = tpu.vector_load %arg18[%swap3A_205, %swap3A_206, %swap3A_207] {strides = array<i32>} : memref<48x1x128xf32, #tpu.memory_space<vmem>>, vector<16xf32>,
        tpu.vector_store %arg18[%swap3A_205, %swap3A_206, %swap3A_207], %broadcast_in_dim3A_0 {strides = array<i32>} : memref<48x1x128xf32, #tpu.memory_space<vmem>>, vector<16xf32>,
        %swap3A_209 = arith.constant 0 : i32
        %swap3A_210 = arith.index_cast %scan3A_194 : i32 to index
        %swap3A_211 = arith.index_cast %swap3A_209 : i32 to index
        %swap3A_212 = arith.constant 48 : index
        %swap3A_213 = tpu.vector_load %arg18[%swap3A_210, %swap3A_211, %swap3A_212] {strides = array<i32>} : memref<48x1x128xf32, #tpu.memory_space<vmem>>, vector<16xf32>,
        tpu.vector_store %arg18[%swap3A_210, %swap3A_211, %swap3A_212], %broadcast_in_dim3A_0 {strides = array<i32>} : memref<48x1x128xf32, #tpu.memory_space<vmem>>, vector<16xf32>,
        %swap3A_214 = arith.constant 0 : i32
        %swap3A_215 = arith.index_cast %scan3A_194 : i32 to index
        %swap3A_216 = arith.index_cast %swap3A_214 : i32 to index
        %swap3A_217 = arith.constant 64 : index
        %swap3A_218 = tpu.vector_load %arg18[%swap3A_215, %swap3A_216, %swap3A_217] {strides = array<i32>} : memref<48x1x128xf32, #tpu.memory_space<vmem>>, vector<16xf32>,
        tpu.vector_store %arg18[%swap3A_215, %swap3A_216, %swap3A_217], %broadcast_in_dim3A_0 {strides = array<i32>} : memref<48x1x128xf32, #tpu.memory_space<vmem>>, vector<16xf32>,
        %swap3A_219 = arith.constant 0 : i32
        %swap3A_220 = arith.index_cast %scan3A_194 : i32 to index
        %swap3A_221 = arith.index_cast %swap3A_219 : i32 to index
        %swap3A_222 = arith.constant 80 : index
        %swap3A_223 = tpu.vector_load %arg18[%swap3A_220, %swap3A_221, %swap3A_222] {strides = array<i32>} : memref<48x1x128xf32, #tpu.memory_space<vmem>>, vector<16xf32>,
        tpu.vector_store %arg18[%swap3A_220, %swap3A_221, %swap3A_222], %broadcast_in_dim3A_0 {strides = array<i32>} : memref<48x1x128xf32, #tpu.memory_space<vmem>>, vector<16xf32>,
        %swap3A_224 = arith.constant 0 : i32
        %swap3A_225 = arith.index_cast %scan3A_194 : i32 to index
        %swap3A_226 = arith.index_cast %swap3A_224 : i32 to index
        %swap3A_227 = arith.constant 96 : index
        %swap3A_228 = tpu.vector_load %arg18[%swap3A_225, %swap3A_226, %swap3A_227] {strides = array<i32>} : memref<48x1x128xf32, #tpu.memory_space<vmem>>, vector<16xf32>,
        tpu.vector_store %arg18[%swap3A_225, %swap3A_226, %swap3A_227], %broadcast_in_dim3A_0 {strides = array<i32>} : memref<48x1x128xf32, #tpu.memory_space<vmem>>, vector<16xf32>,
        %swap3A_229 = arith.constant 0 : i32
        %swap3A_230 = arith.index_cast %scan3A_194 : i32 to index
        %swap3A_231 = arith.index_cast %swap3A_229 : i32 to index
        %swap3A_232 = arith.constant 112 : index
        %swap3A_233 = tpu.vector_load %arg18[%swap3A_230, %swap3A_231, %swap3A_232] {strides = array<i32>} : memref<48x1x128xf32, #tpu.memory_space<vmem>>, vector<16xf32>,
        tpu.vector_store %arg18[%swap3A_230, %swap3A_231, %swap3A_232], %broadcast_in_dim3A_0 {strides = array<i32>} : memref<48x1x128xf32, #tpu.memory_space<vmem>>, vector<16xf32>,
      }
      %scan3A_157 = arith.constant 48 : i32
      %dma_wait3A_158 = arith.constant 0 : i32
      %dma_wait3A_159 = arith.constant 0 : i32
      %dma_wait3A_160 = tpu.memref_slice %arg4[%dma_wait3A_158, %dma_wait3A_159] : memref<10016x128xf32, #tpu.memory_space<hbm>> -> memref<10016x128xf32, #tpu.memory_space<hbm>>
      tpu.wait_indirect_dma semaphore(%arg23 : memref<!tpu.dma_semaphore, #tpu.memory_space<semaphore_mem>>) src(%dma_wait3A_160 : memref<10016x128xf32, #tpu.memory_space<hbm>>) dst(%arg14 : memref<48x128xf32, #tpu.memory_space<vmem>>)
      %dma_wait3A_161 = arith.constant 0 : i32
      %dma_wait3A_162 = arith.constant 0 : i32
      %dma_wait3A_163 = tpu.memref_slice %arg5[%dma_wait3A_161, %dma_wait3A_162] : memref<70000x128xf32, #tpu.memory_space<hbm>> -> memref<70000x128xf32, #tpu.memory_space<hbm>>
      tpu.wait_indirect_dma semaphore(%arg23 : memref<!tpu.dma_semaphore, #tpu.memory_space<semaphore_mem>>) src(%dma_wait3A_163 : memref<70000x128xf32, #tpu.memory_space<hbm>>) dst(%arg15 : memref<48x128xf32, #tpu.memory_space<vmem>>)
      %dma_wait3A_164 = arith.constant 0 : i32
      %dma_wait3A_165 = arith.constant 0 : i32
      %dma_wait3A_166 = tpu.memref_slice %arg6[%dma_wait3A_164, %dma_wait3A_165] : memref<70000x128xf32, #tpu.memory_space<hbm>> -> memref<70000x128xf32, #tpu.memory_space<hbm>>
      tpu.wait_indirect_dma semaphore(%arg23 : memref<!tpu.dma_semaphore, #tpu.memory_space<semaphore_mem>>) src(%dma_wait3A_166 : memref<70000x128xf32, #tpu.memory_space<hbm>>) dst(%arg16 : memref<48x128xf32, #tpu.memory_space<vmem>>)
      %add3A_167 = arith.constant 1 : i32
      %add3A_168 = arith.addi %add3A_126, %add3A_167 : i32
      %lt3A_169 = arith.constant 106 : i32
      %lt3A_170 = arith.cmpi slt, %add3A_168, %lt3A_169 : i32
      %convert_element_type3A_171 = arith.extui %lt3A_170 : i1 to i32
      %cond3A_172 = arith.constant 0 : i32
      %cond3A_173 = arith.cmpi ne, %convert_element_type3A_171, %cond3A_172 : i32
      scf.if %cond3A_173 {
        %add3A_194 = arith.constant 1 : i32
        %add3A_195 = arith.addi %add3A_126, %add3A_194 : i32
        %mul3A_196 = arith.constant 48 : i32
        %mul3A_197 = arith.muli %add3A_195, %mul3A_196 : i32
        %add3A_198 = arith.addi %mul3A_5, %mul3A_197 : i32
        %multiple_of3A_199 = tpu.assume_multiple %add3A_198, 8 : i32
        %dma_start3A_200 = tpu.memref_slice %arg2[%multiple_of3A_199] : memref<162816xi32, #tpu.memory_space<hbm>> -> memref<48xi32, #tpu.memory_space<hbm>>
        %dma_start3A_201 = tpu.memref_slice %arg2[%multiple_of3A_199] : memref<162816xi32, #tpu.memory_space<hbm>> -> memref<48xi32, #tpu.memory_space<hbm>>
        tpu.enqueue_dma source(%dma_start3A_201 : memref<48xi32, #tpu.memory_space<hbm>>) target(%arg9 : memref<48xi32, #tpu.memory_space<vmem>>) target_semaphore(%arg22 : memref<!tpu.dma_semaphore, #tpu.memory_space<semaphore_mem>>)
        %dma_start3A_202 = tpu.memref_slice %arg3[%multiple_of3A_199] : memref<162816xi32, #tpu.memory_space<hbm>> -> memref<48xi32, #tpu.memory_space<hbm>>
        %dma_start3A_203 = tpu.memref_slice %arg3[%multiple_of3A_199] : memref<162816xi32, #tpu.memory_space<hbm>> -> memref<48xi32, #tpu.memory_space<hbm>>
        tpu.enqueue_dma source(%dma_start3A_203 : memref<48xi32, #tpu.memory_space<hbm>>) target(%arg11 : memref<48xi32, #tpu.memory_space<vmem>>) target_semaphore(%arg22 : memref<!tpu.dma_semaphore, #tpu.memory_space<semaphore_mem>>)
      } else {
      }
      %scan3A_174 = arith.constant 0 : i32
      %scan3A_175 = arith.constant 0 : i32
      %scan3A_176 = arith.constant 48 : i32
      %scan3A_177 = arith.addi %scan3A_175, %scan3A_176 : i32
      %scan3A_178 = arith.constant 1 : i32
      scf.for %scan3A_194 = %scan3A_175 to %scan3A_177 step %scan3A_178  : i32 {
        %broadcast_in_dim3A_195 = arith.constant 0.000000e+00 : f32
        %broadcast_in_dim3A_196 = vector.broadcast %broadcast_in_dim3A_195 : f32 to vector<16xf32>
        %get3A = arith.index_cast %scan3A_194 : i32 to index
        %get3A_197 = arith.constant 0 : index
        %get3A_198 = tpu.vector_load %arg14[%get3A, %get3A_197] {strides = array<i32>} : memref<48x128xf32, #tpu.memory_space<vmem>>, vector<16xf32>,
        %get3A_199 = arith.index_cast %scan3A_194 : i32 to index
        %get3A_200 = arith.constant 0 : index
        %get3A_201 = tpu.vector_load %arg15[%get3A_199, %get3A_200] {strides = array<i32>} : memref<48x128xf32, #tpu.memory_space<vmem>>, vector<16xf32>,
        %mul3A_202 = arith.mulf %get3A_198, %get3A_201 : vector<16xf32>
        %get3A_203 = arith.index_cast %scan3A_194 : i32 to index
        %get3A_204 = arith.constant 16 : index
        %get3A_205 = tpu.vector_load %arg14[%get3A_203, %get3A_204] {strides = array<i32>} : memref<48x128xf32, #tpu.memory_space<vmem>>, vector<16xf32>,
        %get3A_206 = arith.index_cast %scan3A_194 : i32 to index
        %get3A_207 = arith.constant 16 : index
        %get3A_208 = tpu.vector_load %arg15[%get3A_206, %get3A_207] {strides = array<i32>} : memref<48x128xf32, #tpu.memory_space<vmem>>, vector<16xf32>,
        %mul3A_209 = arith.mulf %get3A_205, %get3A_208 : vector<16xf32>
        %add3A_210 = arith.addf %mul3A_202, %mul3A_209 : vector<16xf32>
        %reduce_sum3A = arith.constant true
        %reduce_sum3A_211 = vector.broadcast %reduce_sum3A : i1 to vector<16xi1>
        %reduce_sum3A_212 = tpu.scan <sum>, %add3A_210 masked %reduce_sum3A_211 : vector<16xf32>, vector<16xi1> -> vector<16xf32>
        %reduce_sum3A_213 = vector.extract %reduce_sum3A_212[15] : f32 from vector<16xf32>
        %mul3A_214 = arith.constant 0.176776692 : f32
        %mul3A_215 = arith.mulf %reduce_sum3A_213, %mul3A_214 : f32
        %broadcast_in_dim3A_216 = vector.broadcast %mul3A_215 : f32 to vector<16xf32>
        %exp3A = math.exp %broadcast_in_dim3A_216 : vector<16xf32>
        %get3A_217 = arith.index_cast %scan3A_194 : i32 to index
        %get3A_218 = arith.constant 0 : index
        %get3A_219 = tpu.vector_load %arg16[%get3A_217, %get3A_218] {strides = array<i32>} : memref<48x128xf32, #tpu.memory_space<vmem>>, vector<16xf32>,
        %mul3A_220 = arith.mulf %get3A_219, %exp3A : vector<16xf32>
        %swap3A = arith.constant 0 : i32
        %swap3A_221 = arith.index_cast %scan3A_194 : i32 to index
        %swap3A_222 = arith.index_cast %swap3A : i32 to index
        %swap3A_223 = arith.constant 0 : index
        %swap3A_224 = tpu.vector_load %arg17[%swap3A_221, %swap3A_222, %swap3A_223] {strides = array<i32>} : memref<48x1x128xf32, #tpu.memory_space<vmem>>, vector<16xf32>,
        tpu.vector_store %arg17[%swap3A_221, %swap3A_222, %swap3A_223], %mul3A_220 {strides = array<i32>} : memref<48x1x128xf32, #tpu.memory_space<vmem>>, vector<16xf32>,
        %get3A_225 = arith.index_cast %scan3A_194 : i32 to index
        %get3A_226 = arith.constant 16 : index
        %get3A_227 = tpu.vector_load %arg16[%get3A_225, %get3A_226] {strides = array<i32>} : memref<48x128xf32, #tpu.memory_space<vmem>>, vector<16xf32>,
        %mul3A_228 = arith.mulf %get3A_227, %exp3A : vector<16xf32>
        %swap3A_229 = arith.constant 0 : i32
        %swap3A_230 = arith.index_cast %scan3A_194 : i32 to index
        %swap3A_231 = arith.index_cast %swap3A_229 : i32 to index
        %swap3A_232 = arith.constant 16 : index
        %swap3A_233 = tpu.vector_load %arg17[%swap3A_230, %swap3A_231, %swap3A_232] {strides = array<i32>} : memref<48x1x128xf32, #tpu.memory_space<vmem>>, vector<16xf32>,
        tpu.vector_store %arg17[%swap3A_230, %swap3A_231, %swap3A_232], %mul3A_228 {strides = array<i32>} : memref<48x1x128xf32, #tpu.memory_space<vmem>>, vector<16xf32>,
        %eq3A = arith.constant 0 : i32
        %eq3A_234 = vector.broadcast %eq3A : i32 to vector<16xi32>
        %eq3A_235 = arith.cmpi eq, %iota3A, %eq3A_234 : vector<16xi32>
        %select_n3A = arith.select %eq3A_235, %exp3A, %broadcast_in_dim3A_196 : vector<16xi1>, vector<16xf32>
        %get3A_236 = arith.index_cast %scan3A_194 : i32 to index
        %get3A_237 = arith.constant 32 : index
        %get3A_238 = tpu.vector_load %arg14[%get3A_236, %get3A_237] {strides = array<i32>} : memref<48x128xf32, #tpu.memory_space<vmem>>, vector<16xf32>,
        %get3A_239 = arith.index_cast %scan3A_194 : i32 to index
        %get3A_240 = arith.constant 32 : index
        %get3A_241 = tpu.vector_load %arg15[%get3A_239, %get3A_240] {strides = array<i32>} : memref<48x128xf32, #tpu.memory_space<vmem>>, vector<16xf32>,
        %mul3A_242 = arith.mulf %get3A_238, %get3A_241 : vector<16xf32>
        %get3A_243 = arith.index_cast %scan3A_194 : i32 to index
        %get3A_244 = arith.constant 48 : index
        %get3A_245 = tpu.vector_load %arg14[%get3A_243, %get3A_244] {strides = array<i32>} : memref<48x128xf32, #tpu.memory_space<vmem>>, vector<16xf32>,
        %get3A_246 = arith.index_cast %scan3A_194 : i32 to index
        %get3A_247 = arith.constant 48 : index
        %get3A_248 = tpu.vector_load %arg15[%get3A_246, %get3A_247] {strides = array<i32>} : memref<48x128xf32, #tpu.memory_space<vmem>>, vector<16xf32>,
        %mul3A_249 = arith.mulf %get3A_245, %get3A_248 : vector<16xf32>
        %add3A_250 = arith.addf %mul3A_242, %mul3A_249 : vector<16xf32>
        %reduce_sum3A_251 = arith.constant true
        %reduce_sum3A_252 = vector.broadcast %reduce_sum3A_251 : i1 to vector<16xi1>
        %reduce_sum3A_253 = tpu.scan <sum>, %add3A_250 masked %reduce_sum3A_252 : vector<16xf32>, vector<16xi1> -> vector<16xf32>
        %reduce_sum3A_254 = vector.extract %reduce_sum3A_253[15] : f32 from vector<16xf32>
        %mul3A_255 = arith.constant 0.176776692 : f32
        %mul3A_256 = arith.mulf %reduce_sum3A_254, %mul3A_255 : f32
        %broadcast_in_dim3A_257 = vector.broadcast %mul3A_256 : f32 to vector<16xf32>
        %exp3A_258 = math.exp %broadcast_in_dim3A_257 : vector<16xf32>
        %get3A_259 = arith.index_cast %scan3A_194 : i32 to index
        %get3A_260 = arith.constant 32 : index
        %get3A_261 = tpu.vector_load %arg16[%get3A_259, %get3A_260] {strides = array<i32>} : memref<48x128xf32, #tpu.memory_space<vmem>>, vector<16xf32>,
        %mul3A_262 = arith.mulf %get3A_261, %exp3A_258 : vector<16xf32>
        %swap3A_263 = arith.constant 0 : i32
        %swap3A_264 = arith.index_cast %scan3A_194 : i32 to index
        %swap3A_265 = arith.index_cast %swap3A_263 : i32 to index
        %swap3A_266 = arith.constant 32 : index
        %swap3A_267 = tpu.vector_load %arg17[%swap3A_264, %swap3A_265, %swap3A_266] {strides = array<i32>} : memref<48x1x128xf32, #tpu.memory_space<vmem>>, vector<16xf32>,
        tpu.vector_store %arg17[%swap3A_264, %swap3A_265, %swap3A_266], %mul3A_262 {strides = array<i32>} : memref<48x1x128xf32, #tpu.memory_space<vmem>>, vector<16xf32>,
        %get3A_268 = arith.index_cast %scan3A_194 : i32 to index
        %get3A_269 = arith.constant 48 : index
        %get3A_270 = tpu.vector_load %arg16[%get3A_268, %get3A_269] {strides = array<i32>} : memref<48x128xf32, #tpu.memory_space<vmem>>, vector<16xf32>,
        %mul3A_271 = arith.mulf %get3A_270, %exp3A_258 : vector<16xf32>
        %swap3A_272 = arith.constant 0 : i32
        %swap3A_273 = arith.index_cast %scan3A_194 : i32 to index
        %swap3A_274 = arith.index_cast %swap3A_272 : i32 to index
        %swap3A_275 = arith.constant 48 : index
        %swap3A_276 = tpu.vector_load %arg17[%swap3A_273, %swap3A_274, %swap3A_275] {strides = array<i32>} : memref<48x1x128xf32, #tpu.memory_space<vmem>>, vector<16xf32>,
        tpu.vector_store %arg17[%swap3A_273, %swap3A_274, %swap3A_275], %mul3A_271 {strides = array<i32>} : memref<48x1x128xf32, #tpu.memory_space<vmem>>, vector<16xf32>,
        %eq3A_277 = arith.constant 1 : i32
        %eq3A_278 = vector.broadcast %eq3A_277 : i32 to vector<16xi32>
        %eq3A_279 = arith.cmpi eq, %iota3A, %eq3A_278 : vector<16xi32>
        %select_n3A_280 = arith.select %eq3A_279, %exp3A_258, %select_n3A : vector<16xi1>, vector<16xf32>
        %get3A_281 = arith.index_cast %scan3A_194 : i32 to index
        %get3A_282 = arith.constant 64 : index
        %get3A_283 = tpu.vector_load %arg14[%get3A_281, %get3A_282] {strides = array<i32>} : memref<48x128xf32, #tpu.memory_space<vmem>>, vector<16xf32>,
        %get3A_284 = arith.index_cast %scan3A_194 : i32 to index
        %get3A_285 = arith.constant 64 : index
        %get3A_286 = tpu.vector_load %arg15[%get3A_284, %get3A_285] {strides = array<i32>} : memref<48x128xf32, #tpu.memory_space<vmem>>, vector<16xf32>,
        %mul3A_287 = arith.mulf %get3A_283, %get3A_286 : vector<16xf32>
        %get3A_288 = arith.index_cast %scan3A_194 : i32 to index
        %get3A_289 = arith.constant 80 : index
        %get3A_290 = tpu.vector_load %arg14[%get3A_288, %get3A_289] {strides = array<i32>} : memref<48x128xf32, #tpu.memory_space<vmem>>, vector<16xf32>,
        %get3A_291 = arith.index_cast %scan3A_194 : i32 to index
        %get3A_292 = arith.constant 80 : index
        %get3A_293 = tpu.vector_load %arg15[%get3A_291, %get3A_292] {strides = array<i32>} : memref<48x128xf32, #tpu.memory_space<vmem>>, vector<16xf32>,
        %mul3A_294 = arith.mulf %get3A_290, %get3A_293 : vector<16xf32>
        %add3A_295 = arith.addf %mul3A_287, %mul3A_294 : vector<16xf32>
        %reduce_sum3A_296 = arith.constant true
        %reduce_sum3A_297 = vector.broadcast %reduce_sum3A_296 : i1 to vector<16xi1>
        %reduce_sum3A_298 = tpu.scan <sum>, %add3A_295 masked %reduce_sum3A_297 : vector<16xf32>, vector<16xi1> -> vector<16xf32>
        %reduce_sum3A_299 = vector.extract %reduce_sum3A_298[15] : f32 from vector<16xf32>
        %mul3A_300 = arith.constant 0.176776692 : f32
        %mul3A_301 = arith.mulf %reduce_sum3A_299, %mul3A_300 : f32
        %broadcast_in_dim3A_302 = vector.broadcast %mul3A_301 : f32 to vector<16xf32>
        %exp3A_303 = math.exp %broadcast_in_dim3A_302 : vector<16xf32>
        %get3A_304 = arith.index_cast %scan3A_194 : i32 to index
        %get3A_305 = arith.constant 64 : index
        %get3A_306 = tpu.vector_load %arg16[%get3A_304, %get3A_305] {strides = array<i32>} : memref<48x128xf32, #tpu.memory_space<vmem>>, vector<16xf32>,
        %mul3A_307 = arith.mulf %get3A_306, %exp3A_303 : vector<16xf32>
        %swap3A_308 = arith.constant 0 : i32
        %swap3A_309 = arith.index_cast %scan3A_194 : i32 to index
        %swap3A_310 = arith.index_cast %swap3A_308 : i32 to index
        %swap3A_311 = arith.constant 64 : index
        %swap3A_312 = tpu.vector_load %arg17[%swap3A_309, %swap3A_310, %swap3A_311] {strides = array<i32>} : memref<48x1x128xf32, #tpu.memory_space<vmem>>, vector<16xf32>,
        tpu.vector_store %arg17[%swap3A_309, %swap3A_310, %swap3A_311], %mul3A_307 {strides = array<i32>} : memref<48x1x128xf32, #tpu.memory_space<vmem>>, vector<16xf32>,
        %get3A_313 = arith.index_cast %scan3A_194 : i32 to index
        %get3A_314 = arith.constant 80 : index
        %get3A_315 = tpu.vector_load %arg16[%get3A_313, %get3A_314] {strides = array<i32>} : memref<48x128xf32, #tpu.memory_space<vmem>>, vector<16xf32>,
        %mul3A_316 = arith.mulf %get3A_315, %exp3A_303 : vector<16xf32>
        %swap3A_317 = arith.constant 0 : i32
        %swap3A_318 = arith.index_cast %scan3A_194 : i32 to index
        %swap3A_319 = arith.index_cast %swap3A_317 : i32 to index
        %swap3A_320 = arith.constant 80 : index
        %swap3A_321 = tpu.vector_load %arg17[%swap3A_318, %swap3A_319, %swap3A_320] {strides = array<i32>} : memref<48x1x128xf32, #tpu.memory_space<vmem>>, vector<16xf32>,
        tpu.vector_store %arg17[%swap3A_318, %swap3A_319, %swap3A_320], %mul3A_316 {strides = array<i32>} : memref<48x1x128xf32, #tpu.memory_space<vmem>>, vector<16xf32>,
        %eq3A_322 = arith.constant 2 : i32
        %eq3A_323 = vector.broadcast %eq3A_322 : i32 to vector<16xi32>
        %eq3A_324 = arith.cmpi eq, %iota3A, %eq3A_323 : vector<16xi32>
        %select_n3A_325 = arith.select %eq3A_324, %exp3A_303, %select_n3A_280 : vector<16xi1>, vector<16xf32>
        %get3A_326 = arith.index_cast %scan3A_194 : i32 to index
        %get3A_327 = arith.constant 96 : index
        %get3A_328 = tpu.vector_load %arg14[%get3A_326, %get3A_327] {strides = array<i32>} : memref<48x128xf32, #tpu.memory_space<vmem>>, vector<16xf32>,
        %get3A_329 = arith.index_cast %scan3A_194 : i32 to index
        %get3A_330 = arith.constant 96 : index
        %get3A_331 = tpu.vector_load %arg15[%get3A_329, %get3A_330] {strides = array<i32>} : memref<48x128xf32, #tpu.memory_space<vmem>>, vector<16xf32>,
        %mul3A_332 = arith.mulf %get3A_328, %get3A_331 : vector<16xf32>
        %get3A_333 = arith.index_cast %scan3A_194 : i32 to index
        %get3A_334 = arith.constant 112 : index
        %get3A_335 = tpu.vector_load %arg14[%get3A_333, %get3A_334] {strides = array<i32>} : memref<48x128xf32, #tpu.memory_space<vmem>>, vector<16xf32>,
        %get3A_336 = arith.index_cast %scan3A_194 : i32 to index
        %get3A_337 = arith.constant 112 : index
        %get3A_338 = tpu.vector_load %arg15[%get3A_336, %get3A_337] {strides = array<i32>} : memref<48x128xf32, #tpu.memory_space<vmem>>, vector<16xf32>,
        %mul3A_339 = arith.mulf %get3A_335, %get3A_338 : vector<16xf32>
        %add3A_340 = arith.addf %mul3A_332, %mul3A_339 : vector<16xf32>
        %reduce_sum3A_341 = arith.constant true
        %reduce_sum3A_342 = vector.broadcast %reduce_sum3A_341 : i1 to vector<16xi1>
        %reduce_sum3A_343 = tpu.scan <sum>, %add3A_340 masked %reduce_sum3A_342 : vector<16xf32>, vector<16xi1> -> vector<16xf32>
        %reduce_sum3A_344 = vector.extract %reduce_sum3A_343[15] : f32 from vector<16xf32>
        %mul3A_345 = arith.constant 0.176776692 : f32
        %mul3A_346 = arith.mulf %reduce_sum3A_344, %mul3A_345 : f32
        %broadcast_in_dim3A_347 = vector.broadcast %mul3A_346 : f32 to vector<16xf32>
        %exp3A_348 = math.exp %broadcast_in_dim3A_347 : vector<16xf32>
        %get3A_349 = arith.index_cast %scan3A_194 : i32 to index
        %get3A_350 = arith.constant 96 : index
        %get3A_351 = tpu.vector_load %arg16[%get3A_349, %get3A_350] {strides = array<i32>} : memref<48x128xf32, #tpu.memory_space<vmem>>, vector<16xf32>,
        %mul3A_352 = arith.mulf %get3A_351, %exp3A_348 : vector<16xf32>
        %swap3A_353 = arith.constant 0 : i32
        %swap3A_354 = arith.index_cast %scan3A_194 : i32 to index
        %swap3A_355 = arith.index_cast %swap3A_353 : i32 to index
        %swap3A_356 = arith.constant 96 : index
        %swap3A_357 = tpu.vector_load %arg17[%swap3A_354, %swap3A_355, %swap3A_356] {strides = array<i32>} : memref<48x1x128xf32, #tpu.memory_space<vmem>>, vector<16xf32>,
        tpu.vector_store %arg17[%swap3A_354, %swap3A_355, %swap3A_356], %mul3A_352 {strides = array<i32>} : memref<48x1x128xf32, #tpu.memory_space<vmem>>, vector<16xf32>,
        %get3A_358 = arith.index_cast %scan3A_194 : i32 to index
        %get3A_359 = arith.constant 112 : index
        %get3A_360 = tpu.vector_load %arg16[%get3A_358, %get3A_359] {strides = array<i32>} : memref<48x128xf32, #tpu.memory_space<vmem>>, vector<16xf32>,
        %mul3A_361 = arith.mulf %get3A_360, %exp3A_348 : vector<16xf32>
        %swap3A_362 = arith.constant 0 : i32
        %swap3A_363 = arith.index_cast %scan3A_194 : i32 to index
        %swap3A_364 = arith.index_cast %swap3A_362 : i32 to index
        %swap3A_365 = arith.constant 112 : index
        %swap3A_366 = tpu.vector_load %arg17[%swap3A_363, %swap3A_364, %swap3A_365] {strides = array<i32>} : memref<48x1x128xf32, #tpu.memory_space<vmem>>, vector<16xf32>,
        tpu.vector_store %arg17[%swap3A_363, %swap3A_364, %swap3A_365], %mul3A_361 {strides = array<i32>} : memref<48x1x128xf32, #tpu.memory_space<vmem>>, vector<16xf32>,
        %eq3A_367 = arith.constant 3 : i32
        %eq3A_368 = vector.broadcast %eq3A_367 : i32 to vector<16xi32>
        %eq3A_369 = arith.cmpi eq, %iota3A, %eq3A_368 : vector<16xi32>
        %select_n3A_370 = arith.select %eq3A_369, %exp3A_348, %select_n3A_325 : vector<16xi1>, vector<16xf32>
        %swap3A_371 = arith.index_cast %scan3A_194 : i32 to index
        %swap3A_372 = arith.constant 0 : index
        %swap3A_373 = tpu.vector_load %arg19[%swap3A_371, %swap3A_372] {strides = array<i32>} : memref<48x16xf32, #tpu.memory_space<vmem>>, vector<16xf32>,
        tpu.vector_store %arg19[%swap3A_371, %swap3A_372], %select_n3A_370 {strides = array<i32>} : memref<48x16xf32, #tpu.memory_space<vmem>>, vector<16xf32>,
      }
      %scan3A_179 = arith.constant 48 : i32
      %scan3A_180 = arith.constant 0 : i32
      %scan3A_181 = arith.constant 0 : i32
      %scan3A_182 = arith.constant 3 : i32
      %scan3A_183 = arith.addi %scan3A_181, %scan3A_182 : i32
      %scan3A_184 = arith.constant 1 : i32
      scf.for %scan3A_194 = %scan3A_181 to %scan3A_183 step %scan3A_184  : i32 {
        %mul3A_195 = arith.constant 16 : i32
        %mul3A_196 = arith.muli %scan3A_194, %mul3A_195 : i32
        %add3A_197 = vector.broadcast %mul3A_196 : i32 to vector<16xi32>
        %add3A_198 = arith.addi %add3A_197, %iota3A : vector<16xi32>
        %gather3A = tpu.vector_load_idx %arg10[%add3A_198] : memref<48xi32, #tpu.memory_space<vmem>>[vector<16xi32>], vector<16xi32>,
        %shift_right_logical3A = arith.constant 5 : i32
        %shift_right_logical3A_199 = vector.broadcast %shift_right_logical3A : i32 to vector<16xi32>
        %shift_right_logical3A_200 = arith.shrui %gather3A, %shift_right_logical3A_199 : vector<16xi32>
        %mul3A_201 = arith.constant 16 : i32
        %mul3A_202 = arith.muli %scan3A_194, %mul3A_201 : i32
        %swap3A = arith.index_cast %mul3A_202 : i32 to index
        %swap3A_203 = tpu.vector_load %arg13[%swap3A] {strides = array<i32>} : memref<48xi32, #tpu.memory_space<vmem>>, vector<16xi32>,
        tpu.vector_store %arg13[%swap3A], %shift_right_logical3A_200 {strides = array<i32>} : memref<48xi32, #tpu.memory_space<vmem>>, vector<16xi32>,
        %and3A = arith.constant 31 : i32
        %and3A_204 = vector.broadcast %and3A : i32 to vector<16xi32>
        %and3A_205 = arith.andi %gather3A, %and3A_204 : vector<16xi32>
        %mul3A_206 = arith.constant 4 : i32
        %mul3A_207 = vector.broadcast %mul3A_206 : i32 to vector<16xi32>
        %mul3A_208 = arith.muli %and3A_205, %mul3A_207 : vector<16xi32>
        %broadcast_in_dim3A_209 = arith.constant 0 : i32
        %broadcast_in_dim3A_210 = vector.broadcast %broadcast_in_dim3A_209 : i32 to vector<16xi32>
        %gather3A_211 = tpu.vector_load_idx %arg19[%add3A_198, %broadcast_in_dim3A_210] : memref<48x16xf32, #tpu.memory_space<vmem>>[vector<16xi32>, vector<16xi32>], vector<16xf32>,
        %add3A_212 = arith.constant 0 : i32
        %add3A_213 = vector.broadcast %add3A_212 : i32 to vector<16xi32>
        %add3A_214 = arith.addi %mul3A_208, %add3A_213 : vector<16xi32>
        tpu.vector_store_idx %arg18[%add3A_198, %broadcast_in_dim3A_2, %add3A_214], %gather3A_211 : memref<48x1x128xf32, #tpu.memory_space<vmem>>[vector<16xi32>, vector<16xi32>, vector<16xi32>], vector<16xf32>,
        %broadcast_in_dim3A_215 = arith.constant 1 : i32
        %broadcast_in_dim3A_216 = vector.broadcast %broadcast_in_dim3A_215 : i32 to vector<16xi32>
        %gather3A_217 = tpu.vector_load_idx %arg19[%add3A_198, %broadcast_in_dim3A_216] : memref<48x16xf32, #tpu.memory_space<vmem>>[vector<16xi32>, vector<16xi32>], vector<16xf32>,
        %add3A_218 = arith.constant 1 : i32
        %add3A_219 = vector.broadcast %add3A_218 : i32 to vector<16xi32>
        %add3A_220 = arith.addi %mul3A_208, %add3A_219 : vector<16xi32>
        tpu.vector_store_idx %arg18[%add3A_198, %broadcast_in_dim3A_2, %add3A_220], %gather3A_217 : memref<48x1x128xf32, #tpu.memory_space<vmem>>[vector<16xi32>, vector<16xi32>, vector<16xi32>], vector<16xf32>,
        %broadcast_in_dim3A_221 = arith.constant 2 : i32
        %broadcast_in_dim3A_222 = vector.broadcast %broadcast_in_dim3A_221 : i32 to vector<16xi32>
        %gather3A_223 = tpu.vector_load_idx %arg19[%add3A_198, %broadcast_in_dim3A_222] : memref<48x16xf32, #tpu.memory_space<vmem>>[vector<16xi32>, vector<16xi32>], vector<16xf32>,
        %add3A_224 = arith.constant 2 : i32
        %add3A_225 = vector.broadcast %add3A_224 : i32 to vector<16xi32>
        %add3A_226 = arith.addi %mul3A_208, %add3A_225 : vector<16xi32>
        tpu.vector_store_idx %arg18[%add3A_198, %broadcast_in_dim3A_2, %add3A_226], %gather3A_223 : memref<48x1x128xf32, #tpu.memory_space<vmem>>[vector<16xi32>, vector<16xi32>, vector<16xi32>], vector<16xf32>,
        %broadcast_in_dim3A_227 = arith.constant 3 : i32
        %broadcast_in_dim3A_228 = vector.broadcast %broadcast_in_dim3A_227 : i32 to vector<16xi32>
        %gather3A_229 = tpu.vector_load_idx %arg19[%add3A_198, %broadcast_in_dim3A_228] : memref<48x16xf32, #tpu.memory_space<vmem>>[vector<16xi32>, vector<16xi32>], vector<16xf32>,
        %add3A_230 = arith.constant 3 : i32
        %add3A_231 = vector.broadcast %add3A_230 : i32 to vector<16xi32>
        %add3A_232 = arith.addi %mul3A_208, %add3A_231 : vector<16xi32>
        tpu.vector_store_idx %arg18[%add3A_198, %broadcast_in_dim3A_2, %add3A_232], %gather3A_229 : memref<48x1x128xf32, #tpu.memory_space<vmem>>[vector<16xi32>, vector<16xi32>, vector<16xi32>], vector<16xf32>,
      }
      %scan3A_185 = arith.constant 3 : i32
      %dma_start3A_186 = arith.constant 0 : i32
      %dma_start3A_187 = arith.constant 0 : i32
      %dma_start3A_188 = arith.constant 0 : i32
      %dma_start3A_189 = tpu.memref_slice %arg20[%dma_start3A_186, %dma_start3A_187, %dma_start3A_188] : memref<10240x1x128xf32, #tpu.memory_space<vmem_shared>> -> memref<10240x1x128xf32, #tpu.memory_space<vmem_shared>>
      tpu.enqueue_indirect_dma source(%arg17 : memref<48x1x128xf32, #tpu.memory_space<vmem>>) target(%dma_start3A_189 : memref<10240x1x128xf32, #tpu.memory_space<vmem_shared>>) offsets(%arg10 : memref<48xi32, #tpu.memory_space<vmem>>) semaphore(%arg24 : memref<!tpu.dma_semaphore, #tpu.memory_space<semaphore_mem>>) {add = true}
      %dma_start3A_190 = arith.constant 0 : i32
      %dma_start3A_191 = arith.constant 0 : i32
      %dma_start3A_192 = arith.constant 0 : i32
      %dma_start3A_193 = tpu.memref_slice %arg21[%dma_start3A_190, %dma_start3A_191, %dma_start3A_192] : memref<320x1x128xf32, #tpu.memory_space<vmem_shared>> -> memref<320x1x128xf32, #tpu.memory_space<vmem_shared>>
      tpu.enqueue_indirect_dma source(%arg18 : memref<48x1x128xf32, #tpu.memory_space<vmem>>) target(%dma_start3A_193 : memref<320x1x128xf32, #tpu.memory_space<vmem_shared>>) offsets(%arg13 : memref<48xi32, #tpu.memory_space<vmem>>) semaphore(%arg24 : memref<!tpu.dma_semaphore, #tpu.memory_space<semaphore_mem>>) {add = true}
    }
    %scan3A_33 = arith.constant 53 : i32
    %dma_wait3A = arith.constant 0 : i32
    %dma_wait3A_34 = arith.constant 0 : i32
    %dma_wait3A_35 = arith.constant 0 : i32
    %dma_wait3A_36 = tpu.memref_slice %arg20[%dma_wait3A, %dma_wait3A_34, %dma_wait3A_35] : memref<10240x1x128xf32, #tpu.memory_space<vmem_shared>> -> memref<10240x1x128xf32, #tpu.memory_space<vmem_shared>>
    tpu.wait_indirect_dma semaphore(%arg24 : memref<!tpu.dma_semaphore, #tpu.memory_space<semaphore_mem>>) src(%arg17 : memref<48x1x128xf32, #tpu.memory_space<vmem>>) dst(%dma_wait3A_36 : memref<10240x1x128xf32, #tpu.memory_space<vmem_shared>>)
    %dma_wait3A_37 = arith.constant 0 : i32
    %dma_wait3A_38 = arith.constant 0 : i32
    %dma_wait3A_39 = arith.constant 0 : i32
    %dma_wait3A_40 = tpu.memref_slice %arg21[%dma_wait3A_37, %dma_wait3A_38, %dma_wait3A_39] : memref<320x1x128xf32, #tpu.memory_space<vmem_shared>> -> memref<320x1x128xf32, #tpu.memory_space<vmem_shared>>
    tpu.wait_indirect_dma semaphore(%arg24 : memref<!tpu.dma_semaphore, #tpu.memory_space<semaphore_mem>>) src(%arg18 : memref<48x1x128xf32, #tpu.memory_space<vmem>>) dst(%dma_wait3A_40 : memref<320x1x128xf32, #tpu.memory_space<vmem_shared>>)
    %barrier3A_41 = arith.constant 0 : index
    tpu.barrier barrier_id(%barrier3A_41)
    %scan3A_42 = arith.constant 0 : i32
    %scan3A_43 = arith.constant 0 : i32
    %scan3A_44 = arith.constant 13 : i32
    %scan3A_45 = arith.addi %scan3A_43, %scan3A_44 : i32
    %scan3A_46 = arith.constant 1 : i32
    scf.for %scan3A_60 = %scan3A_43 to %scan3A_45 step %scan3A_46  : i32 {
      %mul3A_61 = arith.constant 640 : i32
      %mul3A_62 = arith.muli %arg1, %mul3A_61 : i32
      %mul3A_63 = arith.constant 48 : i32
      %mul3A_64 = arith.muli %scan3A_60, %mul3A_63 : i32
      %add3A_65 = arith.addi %mul3A_62, %mul3A_64 : i32
      "tpu.region"() ({
        %run_scoped3A = tpu.sem_alloc : memref<!tpu.dma_semaphore, #tpu.memory_space<semaphore_mem>>
        %dma_start3A_71 = arith.constant 0 : i32
        %dma_start3A_72 = arith.constant 0 : i32
        %dma_start3A_73 = tpu.memref_slice %arg20[%add3A_65, %dma_start3A_71, %dma_start3A_72] : memref<10240x1x128xf32, #tpu.memory_space<vmem_shared>> -> memref<48x1x128xf32, #tpu.memory_space<vmem_shared>>
        %dma_start3A_74 = arith.constant 0 : i32
        %dma_start3A_75 = arith.constant 0 : i32
        %dma_start3A_76 = tpu.memref_slice %arg20[%add3A_65, %dma_start3A_74, %dma_start3A_75] : memref<10240x1x128xf32, #tpu.memory_space<vmem_shared>> -> memref<48x1x128xf32, #tpu.memory_space<vmem_shared>>
        tpu.enqueue_dma source(%dma_start3A_76 : memref<48x1x128xf32, #tpu.memory_space<vmem_shared>>) target(%arg17 : memref<48x1x128xf32, #tpu.memory_space<vmem>>) target_semaphore(%run_scoped3A : memref<!tpu.dma_semaphore, #tpu.memory_space<semaphore_mem>>)
        %dma_wait3A_77 = arith.constant 0 : i32
        %dma_wait3A_78 = arith.constant 0 : i32
        %dma_wait3A_79 = tpu.memref_slice %arg20[%add3A_65, %dma_wait3A_77, %dma_wait3A_78] : memref<10240x1x128xf32, #tpu.memory_space<vmem_shared>> -> memref<48x1x128xf32, #tpu.memory_space<vmem_shared>>
        %dma_wait3A_80 = arith.constant 0 : i32
        %dma_wait3A_81 = arith.constant 0 : i32
        %dma_wait3A_82 = tpu.memref_slice %arg20[%add3A_65, %dma_wait3A_80, %dma_wait3A_81] : memref<10240x1x128xf32, #tpu.memory_space<vmem_shared>> -> memref<48x1x128xf32, #tpu.memory_space<vmem_shared>>
        tpu.wait_dma2 semaphore(%run_scoped3A : memref<!tpu.dma_semaphore, #tpu.memory_space<semaphore_mem>>) src(%dma_wait3A_82 : memref<48x1x128xf32, #tpu.memory_space<vmem_shared>>) dst(%arg17 : memref<48x1x128xf32, #tpu.memory_space<vmem>>)
        tpu.yield
      }) : () -> ()
      %mul3A_66 = arith.constant 640 : i32
      %mul3A_67 = arith.muli %arg1, %mul3A_66 : i32
      %mul3A_68 = arith.constant 48 : i32
      %mul3A_69 = arith.muli %scan3A_60, %mul3A_68 : i32
      %add3A_70 = arith.addi %mul3A_67, %mul3A_69 : i32
      "tpu.region"() ({
        %run_scoped3A = tpu.sem_alloc : memref<!tpu.dma_semaphore, #tpu.memory_space<semaphore_mem>>
        %dma_start3A_71 = arith.constant 0 : i32
        %dma_start3A_72 = arith.constant 0 : i32
        %dma_start3A_73 = tpu.memref_slice %arg7[%arg0, %add3A_70, %dma_start3A_71, %dma_start3A_72] : memref<2x10240x1x128xf32, #tpu.memory_space<hbm>> -> memref<1x48x1x128xf32, #tpu.memory_space<hbm>>
        %dma_start3A_74 = tpu.memref_squeeze %dma_start3A_73 : memref<1x48x1x128xf32, #tpu.memory_space<hbm>> -> memref<48x1x128xf32, #tpu.memory_space<hbm>>
        %dma_start3A_75 = arith.constant 0 : i32
        %dma_start3A_76 = arith.constant 0 : i32
        %dma_start3A_77 = tpu.memref_slice %arg7[%arg0, %add3A_70, %dma_start3A_75, %dma_start3A_76] : memref<2x10240x1x128xf32, #tpu.memory_space<hbm>> -> memref<1x48x1x128xf32, #tpu.memory_space<hbm>>
        %dma_start3A_78 = tpu.memref_squeeze %dma_start3A_77 : memref<1x48x1x128xf32, #tpu.memory_space<hbm>> -> memref<48x1x128xf32, #tpu.memory_space<hbm>>
        tpu.enqueue_dma source(%arg17 : memref<48x1x128xf32, #tpu.memory_space<vmem>>) target(%dma_start3A_78 : memref<48x1x128xf32, #tpu.memory_space<hbm>>) target_semaphore(%run_scoped3A : memref<!tpu.dma_semaphore, #tpu.memory_space<semaphore_mem>>)
        %dma_wait3A_79 = arith.constant 0 : i32
        %dma_wait3A_80 = arith.constant 0 : i32
        %dma_wait3A_81 = tpu.memref_slice %arg7[%arg0, %add3A_70, %dma_wait3A_79, %dma_wait3A_80] : memref<2x10240x1x128xf32, #tpu.memory_space<hbm>> -> memref<1x48x1x128xf32, #tpu.memory_space<hbm>>
        %dma_wait3A_82 = tpu.memref_squeeze %dma_wait3A_81 : memref<1x48x1x128xf32, #tpu.memory_space<hbm>> -> memref<48x1x128xf32, #tpu.memory_space<hbm>>
        %dma_wait3A_83 = arith.constant 0 : i32
        %dma_wait3A_84 = arith.constant 0 : i32
        %dma_wait3A_85 = tpu.memref_slice %arg7[%arg0, %add3A_70, %dma_wait3A_83, %dma_wait3A_84] : memref<2x10240x1x128xf32, #tpu.memory_space<hbm>> -> memref<1x48x1x128xf32, #tpu.memory_space<hbm>>
        %dma_wait3A_86 = tpu.memref_squeeze %dma_wait3A_85 : memref<1x48x1x128xf32, #tpu.memory_space<hbm>> -> memref<48x1x128xf32, #tpu.memory_space<hbm>>
        tpu.wait_dma2 semaphore(%run_scoped3A : memref<!tpu.dma_semaphore, #tpu.memory_space<semaphore_mem>>) src(%arg17 : memref<48x1x128xf32, #tpu.memory_space<vmem>>) dst(%dma_wait3A_86 : memref<48x1x128xf32, #tpu.memory_space<hbm>>)
        tpu.yield
      }) : () -> ()
    }
    %scan3A_47 = arith.constant 13 : i32
    %mul3A_48 = arith.constant 640 : i32
    %mul3A_49 = arith.muli %arg1, %mul3A_48 : i32
    %add3A_50 = arith.constant 624 : i32
    %add3A_51 = arith.addi %mul3A_49, %add3A_50 : i32
    "tpu.region"() ({
      %run_scoped3A = tpu.sem_alloc : memref<!tpu.dma_semaphore, #tpu.memory_space<semaphore_mem>>
      %dma_start3A_60 = arith.constant 0 : i32
      %dma_start3A_61 = arith.constant 0 : i32
      %dma_start3A_62 = arith.constant 0 : i32
      %dma_start3A_63 = tpu.memref_slice %arg17[%dma_start3A_60, %dma_start3A_61, %dma_start3A_62] : memref<48x1x128xf32, #tpu.memory_space<vmem>> -> memref<16x1x128xf32, #tpu.memory_space<vmem>>
      %dma_start3A_64 = arith.constant 0 : i32
      %dma_start3A_65 = arith.constant 0 : i32
      %dma_start3A_66 = tpu.memref_slice %arg20[%add3A_51, %dma_start3A_64, %dma_start3A_65] : memref<10240x1x128xf32, #tpu.memory_space<vmem_shared>> -> memref<16x1x128xf32, #tpu.memory_space<vmem_shared>>
      %dma_start3A_67 = arith.constant 0 : i32
      %dma_start3A_68 = arith.constant 0 : i32
      %dma_start3A_69 = arith.constant 0 : i32
      %dma_start3A_70 = tpu.memref_slice %arg17[%dma_start3A_67, %dma_start3A_68, %dma_start3A_69] : memref<48x1x128xf32, #tpu.memory_space<vmem>> -> memref<16x1x128xf32, #tpu.memory_space<vmem>>
      %dma_start3A_71 = arith.constant 0 : i32
      %dma_start3A_72 = arith.constant 0 : i32
      %dma_start3A_73 = tpu.memref_slice %arg20[%add3A_51, %dma_start3A_71, %dma_start3A_72] : memref<10240x1x128xf32, #tpu.memory_space<vmem_shared>> -> memref<16x1x128xf32, #tpu.memory_space<vmem_shared>>
      tpu.enqueue_dma source(%dma_start3A_73 : memref<16x1x128xf32, #tpu.memory_space<vmem_shared>>) target(%dma_start3A_70 : memref<16x1x128xf32, #tpu.memory_space<vmem>>) target_semaphore(%run_scoped3A : memref<!tpu.dma_semaphore, #tpu.memory_space<semaphore_mem>>)
      %dma_wait3A_74 = arith.constant 0 : i32
      %dma_wait3A_75 = arith.constant 0 : i32
      %dma_wait3A_76 = arith.constant 0 : i32
      %dma_wait3A_77 = tpu.memref_slice %arg17[%dma_wait3A_74, %dma_wait3A_75, %dma_wait3A_76] : memref<48x1x128xf32, #tpu.memory_space<vmem>> -> memref<16x1x128xf32, #tpu.memory_space<vmem>>
      %dma_wait3A_78 = arith.constant 0 : i32
      %dma_wait3A_79 = arith.constant 0 : i32
      %dma_wait3A_80 = tpu.memref_slice %arg20[%add3A_51, %dma_wait3A_78, %dma_wait3A_79] : memref<10240x1x128xf32, #tpu.memory_space<vmem_shared>> -> memref<16x1x128xf32, #tpu.memory_space<vmem_shared>>
      %dma_wait3A_81 = arith.constant 0 : i32
      %dma_wait3A_82 = arith.constant 0 : i32
      %dma_wait3A_83 = arith.constant 0 : i32
      %dma_wait3A_84 = tpu.memref_slice %arg17[%dma_wait3A_81, %dma_wait3A_82, %dma_wait3A_83] : memref<48x1x128xf32, #tpu.memory_space<vmem>> -> memref<16x1x128xf32, #tpu.memory_space<vmem>>
      %dma_wait3A_85 = arith.constant 0 : i32
      %dma_wait3A_86 = arith.constant 0 : i32
      %dma_wait3A_87 = tpu.memref_slice %arg20[%add3A_51, %dma_wait3A_85, %dma_wait3A_86] : memref<10240x1x128xf32, #tpu.memory_space<vmem_shared>> -> memref<16x1x128xf32, #tpu.memory_space<vmem_shared>>
      tpu.wait_dma2 semaphore(%run_scoped3A : memref<!tpu.dma_semaphore, #tpu.memory_space<semaphore_mem>>) src(%dma_wait3A_87 : memref<16x1x128xf32, #tpu.memory_space<vmem_shared>>) dst(%dma_wait3A_84 : memref<16x1x128xf32, #tpu.memory_space<vmem>>)
      tpu.yield
    }) : () -> ()
    %mul3A_52 = arith.constant 640 : i32
    %mul3A_53 = arith.muli %arg1, %mul3A_52 : i32
    %add3A_54 = arith.constant 624 : i32
    %add3A_55 = arith.addi %mul3A_53, %add3A_54 : i32
    "tpu.region"() ({
      %run_scoped3A = tpu.sem_alloc : memref<!tpu.dma_semaphore, #tpu.memory_space<semaphore_mem>>
      %dma_start3A_60 = arith.constant 0 : i32
      %dma_start3A_61 = arith.constant 0 : i32
      %dma_start3A_62 = arith.constant 0 : i32
      %dma_start3A_63 = tpu.memref_slice %arg17[%dma_start3A_60, %dma_start3A_61, %dma_start3A_62] : memref<48x1x128xf32, #tpu.memory_space<vmem>> -> memref<16x1x128xf32, #tpu.memory_space<vmem>>
      %dma_start3A_64 = arith.constant 0 : i32
      %dma_start3A_65 = arith.constant 0 : i32
      %dma_start3A_66 = tpu.memref_slice %arg7[%arg0, %add3A_55, %dma_start3A_64, %dma_start3A_65] : memref<2x10240x1x128xf32, #tpu.memory_space<hbm>> -> memref<1x16x1x128xf32, #tpu.memory_space<hbm>>
      %dma_start3A_67 = tpu.memref_squeeze %dma_start3A_66 : memref<1x16x1x128xf32, #tpu.memory_space<hbm>> -> memref<16x1x128xf32, #tpu.memory_space<hbm>>
      %dma_start3A_68 = arith.constant 0 : i32
      %dma_start3A_69 = arith.constant 0 : i32
      %dma_start3A_70 = tpu.memref_slice %arg7[%arg0, %add3A_55, %dma_start3A_68, %dma_start3A_69] : memref<2x10240x1x128xf32, #tpu.memory_space<hbm>> -> memref<1x16x1x128xf32, #tpu.memory_space<hbm>>
      %dma_start3A_71 = tpu.memref_squeeze %dma_start3A_70 : memref<1x16x1x128xf32, #tpu.memory_space<hbm>> -> memref<16x1x128xf32, #tpu.memory_space<hbm>>
      %dma_start3A_72 = arith.constant 0 : i32
      %dma_start3A_73 = arith.constant 0 : i32
      %dma_start3A_74 = arith.constant 0 : i32
      %dma_start3A_75 = tpu.memref_slice %arg17[%dma_start3A_72, %dma_start3A_73, %dma_start3A_74] : memref<48x1x128xf32, #tpu.memory_space<vmem>> -> memref<16x1x128xf32, #tpu.memory_space<vmem>>
      tpu.enqueue_dma source(%dma_start3A_75 : memref<16x1x128xf32, #tpu.memory_space<vmem>>) target(%dma_start3A_71 : memref<16x1x128xf32, #tpu.memory_space<hbm>>) target_semaphore(%run_scoped3A : memref<!tpu.dma_semaphore, #tpu.memory_space<semaphore_mem>>)
      %dma_wait3A_76 = arith.constant 0 : i32
      %dma_wait3A_77 = arith.constant 0 : i32
      %dma_wait3A_78 = arith.constant 0 : i32
      %dma_wait3A_79 = tpu.memref_slice %arg17[%dma_wait3A_76, %dma_wait3A_77, %dma_wait3A_78] : memref<48x1x128xf32, #tpu.memory_space<vmem>> -> memref<16x1x128xf32, #tpu.memory_space<vmem>>
      %dma_wait3A_80 = arith.constant 0 : i32
      %dma_wait3A_81 = arith.constant 0 : i32
      %dma_wait3A_82 = tpu.memref_slice %arg7[%arg0, %add3A_55, %dma_wait3A_80, %dma_wait3A_81] : memref<2x10240x1x128xf32, #tpu.memory_space<hbm>> -> memref<1x16x1x128xf32, #tpu.memory_space<hbm>>
      %dma_wait3A_83 = tpu.memref_squeeze %dma_wait3A_82 : memref<1x16x1x128xf32, #tpu.memory_space<hbm>> -> memref<16x1x128xf32, #tpu.memory_space<hbm>>
      %dma_wait3A_84 = arith.constant 0 : i32
      %dma_wait3A_85 = arith.constant 0 : i32
      %dma_wait3A_86 = tpu.memref_slice %arg7[%arg0, %add3A_55, %dma_wait3A_84, %dma_wait3A_85] : memref<2x10240x1x128xf32, #tpu.memory_space<hbm>> -> memref<1x16x1x128xf32, #tpu.memory_space<hbm>>
      %dma_wait3A_87 = tpu.memref_squeeze %dma_wait3A_86 : memref<1x16x1x128xf32, #tpu.memory_space<hbm>> -> memref<16x1x128xf32, #tpu.memory_space<hbm>>
      %dma_wait3A_88 = arith.constant 0 : i32
      %dma_wait3A_89 = arith.constant 0 : i32
      %dma_wait3A_90 = arith.constant 0 : i32
      %dma_wait3A_91 = tpu.memref_slice %arg17[%dma_wait3A_88, %dma_wait3A_89, %dma_wait3A_90] : memref<48x1x128xf32, #tpu.memory_space<vmem>> -> memref<16x1x128xf32, #tpu.memory_space<vmem>>
      tpu.wait_dma2 semaphore(%run_scoped3A : memref<!tpu.dma_semaphore, #tpu.memory_space<semaphore_mem>>) src(%dma_wait3A_91 : memref<16x1x128xf32, #tpu.memory_space<vmem>>) dst(%dma_wait3A_87 : memref<16x1x128xf32, #tpu.memory_space<hbm>>)
      tpu.yield
    }) : () -> ()
    %mul3A_56 = arith.constant 20 : i32
    %mul3A_57 = arith.muli %arg1, %mul3A_56 : i32
    "tpu.region"() ({
      %run_scoped3A = tpu.sem_alloc : memref<!tpu.dma_semaphore, #tpu.memory_space<semaphore_mem>>
      %dma_start3A_60 = arith.constant 0 : i32
      %dma_start3A_61 = arith.constant 0 : i32
      %dma_start3A_62 = arith.constant 0 : i32
      %dma_start3A_63 = tpu.memref_slice %arg18[%dma_start3A_60, %dma_start3A_61, %dma_start3A_62] : memref<48x1x128xf32, #tpu.memory_space<vmem>> -> memref<20x1x128xf32, #tpu.memory_space<vmem>>
      %dma_start3A_64 = arith.constant 0 : i32
      %dma_start3A_65 = arith.constant 0 : i32
      %dma_start3A_66 = tpu.memref_slice %arg21[%mul3A_57, %dma_start3A_64, %dma_start3A_65] : memref<320x1x128xf32, #tpu.memory_space<vmem_shared>> -> memref<20x1x128xf32, #tpu.memory_space<vmem_shared>>
      %dma_start3A_67 = arith.constant 0 : i32
      %dma_start3A_68 = arith.constant 0 : i32
      %dma_start3A_69 = arith.constant 0 : i32
      %dma_start3A_70 = tpu.memref_slice %arg18[%dma_start3A_67, %dma_start3A_68, %dma_start3A_69] : memref<48x1x128xf32, #tpu.memory_space<vmem>> -> memref<20x1x128xf32, #tpu.memory_space<vmem>>
      %dma_start3A_71 = arith.constant 0 : i32
      %dma_start3A_72 = arith.constant 0 : i32
      %dma_start3A_73 = tpu.memref_slice %arg21[%mul3A_57, %dma_start3A_71, %dma_start3A_72] : memref<320x1x128xf32, #tpu.memory_space<vmem_shared>> -> memref<20x1x128xf32, #tpu.memory_space<vmem_shared>>
      tpu.enqueue_dma source(%dma_start3A_73 : memref<20x1x128xf32, #tpu.memory_space<vmem_shared>>) target(%dma_start3A_70 : memref<20x1x128xf32, #tpu.memory_space<vmem>>) target_semaphore(%run_scoped3A : memref<!tpu.dma_semaphore, #tpu.memory_space<semaphore_mem>>)
      %dma_wait3A_74 = arith.constant 0 : i32
      %dma_wait3A_75 = arith.constant 0 : i32
      %dma_wait3A_76 = arith.constant 0 : i32
      %dma_wait3A_77 = tpu.memref_slice %arg18[%dma_wait3A_74, %dma_wait3A_75, %dma_wait3A_76] : memref<48x1x128xf32, #tpu.memory_space<vmem>> -> memref<20x1x128xf32, #tpu.memory_space<vmem>>
      %dma_wait3A_78 = arith.constant 0 : i32
      %dma_wait3A_79 = arith.constant 0 : i32
      %dma_wait3A_80 = tpu.memref_slice %arg21[%mul3A_57, %dma_wait3A_78, %dma_wait3A_79] : memref<320x1x128xf32, #tpu.memory_space<vmem_shared>> -> memref<20x1x128xf32, #tpu.memory_space<vmem_shared>>
      %dma_wait3A_81 = arith.constant 0 : i32
      %dma_wait3A_82 = arith.constant 0 : i32
      %dma_wait3A_83 = arith.constant 0 : i32
      %dma_wait3A_84 = tpu.memref_slice %arg18[%dma_wait3A_81, %dma_wait3A_82, %dma_wait3A_83] : memref<48x1x128xf32, #tpu.memory_space<vmem>> -> memref<20x1x128xf32, #tpu.memory_space<vmem>>
      %dma_wait3A_85 = arith.constant 0 : i32
      %dma_wait3A_86 = arith.constant 0 : i32
      %dma_wait3A_87 = tpu.memref_slice %arg21[%mul3A_57, %dma_wait3A_85, %dma_wait3A_86] : memref<320x1x128xf32, #tpu.memory_space<vmem_shared>> -> memref<20x1x128xf32, #tpu.memory_space<vmem_shared>>
      tpu.wait_dma2 semaphore(%run_scoped3A : memref<!tpu.dma_semaphore, #tpu.memory_space<semaphore_mem>>) src(%dma_wait3A_87 : memref<20x1x128xf32, #tpu.memory_space<vmem_shared>>) dst(%dma_wait3A_84 : memref<20x1x128xf32, #tpu.memory_space<vmem>>)
      tpu.yield
    }) : () -> ()
    %mul3A_58 = arith.constant 20 : i32
    %mul3A_59 = arith.muli %arg1, %mul3A_58 : i32
    "tpu.region"() ({
      %run_scoped3A = tpu.sem_alloc : memref<!tpu.dma_semaphore, #tpu.memory_space<semaphore_mem>>
      %dma_start3A_60 = arith.constant 0 : i32
      %dma_start3A_61 = arith.constant 0 : i32
      %dma_start3A_62 = arith.constant 0 : i32
      %dma_start3A_63 = tpu.memref_slice %arg18[%dma_start3A_60, %dma_start3A_61, %dma_start3A_62] : memref<48x1x128xf32, #tpu.memory_space<vmem>> -> memref<20x1x128xf32, #tpu.memory_space<vmem>>
      %dma_start3A_64 = arith.constant 0 : i32
      %dma_start3A_65 = arith.constant 0 : i32
      %dma_start3A_66 = tpu.memref_slice %arg8[%arg0, %mul3A_59, %dma_start3A_64, %dma_start3A_65] : memref<2x320x1x128xf32, #tpu.memory_space<hbm>> -> memref<1x20x1x128xf32, #tpu.memory_space<hbm>>
      %dma_start3A_67 = tpu.memref_squeeze %dma_start3A_66 : memref<1x20x1x128xf32, #tpu.memory_space<hbm>> -> memref<20x1x128xf32, #tpu.memory_space<hbm>>
      %dma_start3A_68 = arith.constant 0 : i32
      %dma_start3A_69 = arith.constant 0 : i32
      %dma_start3A_70 = tpu.memref_slice %arg8[%arg0, %mul3A_59, %dma_start3A_68, %dma_start3A_69] : memref<2x320x1x128xf32, #tpu.memory_space<hbm>> -> memref<1x20x1x128xf32, #tpu.memory_space<hbm>>
      %dma_start3A_71 = tpu.memref_squeeze %dma_start3A_70 : memref<1x20x1x128xf32, #tpu.memory_space<hbm>> -> memref<20x1x128xf32, #tpu.memory_space<hbm>>
      %dma_start3A_72 = arith.constant 0 : i32
      %dma_start3A_73 = arith.constant 0 : i32
      %dma_start3A_74 = arith.constant 0 : i32
      %dma_start3A_75 = tpu.memref_slice %arg18[%dma_start3A_72, %dma_start3A_73, %dma_start3A_74] : memref<48x1x128xf32, #tpu.memory_space<vmem>> -> memref<20x1x128xf32, #tpu.memory_space<vmem>>
      tpu.enqueue_dma source(%dma_start3A_75 : memref<20x1x128xf32, #tpu.memory_space<vmem>>) target(%dma_start3A_71 : memref<20x1x128xf32, #tpu.memory_space<hbm>>) target_semaphore(%run_scoped3A : memref<!tpu.dma_semaphore, #tpu.memory_space<semaphore_mem>>)
      %dma_wait3A_76 = arith.constant 0 : i32
      %dma_wait3A_77 = arith.constant 0 : i32
      %dma_wait3A_78 = arith.constant 0 : i32
      %dma_wait3A_79 = tpu.memref_slice %arg18[%dma_wait3A_76, %dma_wait3A_77, %dma_wait3A_78] : memref<48x1x128xf32, #tpu.memory_space<vmem>> -> memref<20x1x128xf32, #tpu.memory_space<vmem>>
      %dma_wait3A_80 = arith.constant 0 : i32
      %dma_wait3A_81 = arith.constant 0 : i32
      %dma_wait3A_82 = tpu.memref_slice %arg8[%arg0, %mul3A_59, %dma_wait3A_80, %dma_wait3A_81] : memref<2x320x1x128xf32, #tpu.memory_space<hbm>> -> memref<1x20x1x128xf32, #tpu.memory_space<hbm>>
      %dma_wait3A_83 = tpu.memref_squeeze %dma_wait3A_82 : memref<1x20x1x128xf32, #tpu.memory_space<hbm>> -> memref<20x1x128xf32, #tpu.memory_space<hbm>>
      %dma_wait3A_84 = arith.constant 0 : i32
      %dma_wait3A_85 = arith.constant 0 : i32
      %dma_wait3A_86 = tpu.memref_slice %arg8[%arg0, %mul3A_59, %dma_wait3A_84, %dma_wait3A_85] : memref<2x320x1x128xf32, #tpu.memory_space<hbm>> -> memref<1x20x1x128xf32, #tpu.memory_space<hbm>>
      %dma_wait3A_87 = tpu.memref_squeeze %dma_wait3A_86 : memref<1x20x1x128xf32, #tpu.memory_space<hbm>> -> memref<20x1x128xf32, #tpu.memory_space<hbm>>
      %dma_wait3A_88 = arith.constant 0 : i32
      %dma_wait3A_89 = arith.constant 0 : i32
      %dma_wait3A_90 = arith.constant 0 : i32
      %dma_wait3A_91 = tpu.memref_slice %arg18[%dma_wait3A_88, %dma_wait3A_89, %dma_wait3A_90] : memref<48x1x128xf32, #tpu.memory_space<vmem>> -> memref<20x1x128xf32, #tpu.memory_space<vmem>>
      tpu.wait_dma2 semaphore(%run_scoped3A : memref<!tpu.dma_semaphore, #tpu.memory_space<semaphore_mem>>) src(%dma_wait3A_91 : memref<20x1x128xf32, #tpu.memory_space<vmem>>) dst(%dma_wait3A_87 : memref<20x1x128xf32, #tpu.memory_space<hbm>>)
      tpu.yield
    }) : () -> ()
    return
  }
}

module attributes {stable_mosaic.version = 14 : i64} {
  func.func @_tables_body(%arg0: i32, %arg1: memref<1000x128xf32, #tpu.memory_space<vmem>>, %arg2: memref<128x128xf32, #tpu.memory_space<vmem>>, %arg3: memref<128x128xf32, #tpu.memory_space<vmem>>, %arg4: memref<128x128xf32, #tpu.memory_space<vmem>>, %arg5: memref<7x128x128xf32, #tpu.memory_space<vmem>>, %arg6: memref<7x128x128xf32, #tpu.memory_space<vmem>>, %arg7: memref<1000x128xf32, #tpu.memory_space<vmem>>, %arg8: memref<7x1000x128xf32, #tpu.memory_space<vmem>>, %arg9: memref<7x1000x128xf32, #tpu.memory_space<vmem>>) attributes {dimension_semantics = [#tpu.dimension_semantics<arbitrary>], iteration_bounds = array<i64: 10>, scalar_prefetch = 0 : i64, scratch_operands = 0 : i64, tpu.core_type = #tpu.core_type<tc>, window_params = [{transform_indices = @transform_0, window_bounds = array<i64: 1000, 128>}, {pipeline_mode = #tpu.pipeline_mode<synchronous>, transform_indices = @transform_1, window_bounds = array<i64: 128, 128>}, {pipeline_mode = #tpu.pipeline_mode<synchronous>, transform_indices = @transform_2, window_bounds = array<i64: 128, 128>}, {pipeline_mode = #tpu.pipeline_mode<synchronous>, transform_indices = @transform_3, window_bounds = array<i64: 128, 128>}, {pipeline_mode = #tpu.pipeline_mode<synchronous>, transform_indices = @transform_4, window_bounds = array<i64: 7, 128, 128>}, {pipeline_mode = #tpu.pipeline_mode<synchronous>, transform_indices = @transform_5, window_bounds = array<i64: 7, 128, 128>}, {transform_indices = @transform_6, window_bounds = array<i64: 1000, 128>}, {transform_indices = @transform_7, window_bounds = array<i64: 7, 1000, 128>}, {transform_indices = @transform_8, window_bounds = array<i64: 7, 1000, 128>}]} {
    %get3A = arith.constant 0 : index
    %get3A_0 = arith.constant 0 : index
    %get3A_1 = vector.load %arg1[%get3A, %get3A_0] : memref<1000x128xf32, #tpu.memory_space<vmem>>, vector<1000x128xf32>
    %get3A_2 = arith.constant 0 : index
    %get3A_3 = arith.constant 0 : index
    %get3A_4 = vector.load %arg2[%get3A_2, %get3A_3] : memref<128x128xf32, #tpu.memory_space<vmem>>, vector<128x128xf32>
    %dot_general3A = arith.constant dense<0.000000e+00> : vector<1000x128xf32>
    %dot_general3A_5 = tpu.matmul %get3A_1, %get3A_4, %dot_general3A {dimension_numbers = #tpu.dot_dimension_numbers<[1], [0], [0], [1], [0, 0, 1, 1], [], []>, transpose_lhs_hint = false} : vector<1000x128xf32>, vector<128x128xf32>, vector<1000x128xf32> -> vector<1000x128xf32>
    %swap3A = arith.constant 0 : index
    %swap3A_6 = arith.constant 0 : index
    %swap3A_7 = vector.load %arg7[%swap3A, %swap3A_6] : memref<1000x128xf32, #tpu.memory_space<vmem>>, vector<1000x128xf32>
    tpu.vector_store %arg7[%swap3A, %swap3A_6], %dot_general3A_5 {strides = array<i32>} : memref<1000x128xf32, #tpu.memory_space<vmem>>, vector<1000x128xf32>,
    %get3A_8 = arith.constant 0 : index
    %get3A_9 = arith.constant 0 : index
    %get3A_10 = vector.load %arg3[%get3A_8, %get3A_9] : memref<128x128xf32, #tpu.memory_space<vmem>>, vector<128x128xf32>
    %dot_general3A_11 = arith.constant dense<0.000000e+00> : vector<1000x128xf32>
    %dot_general3A_12 = tpu.matmul %get3A_1, %get3A_10, %dot_general3A_11 {dimension_numbers = #tpu.dot_dimension_numbers<[1], [0], [0], [1], [0, 0, 1, 1], [], []>, transpose_lhs_hint = false} : vector<1000x128xf32>, vector<128x128xf32>, vector<1000x128xf32> -> vector<1000x128xf32>
    %get3A_13 = arith.constant 0 : index
    %get3A_14 = arith.constant 0 : index
    %get3A_15 = vector.load %arg4[%get3A_13, %get3A_14] : memref<128x128xf32, #tpu.memory_space<vmem>>, vector<128x128xf32>
    %dot_general3A_16 = arith.constant dense<0.000000e+00> : vector<1000x128xf32>
    %dot_general3A_17 = tpu.matmul %get3A_1, %get3A_15, %dot_general3A_16 {dimension_numbers = #tpu.dot_dimension_numbers<[1], [0], [0], [1], [0, 0, 1, 1], [], []>, transpose_lhs_hint = false} : vector<1000x128xf32>, vector<128x128xf32>, vector<1000x128xf32> -> vector<1000x128xf32>
    %get3A_18 = arith.constant 0 : index
    %get3A_19 = arith.constant 0 : index
    %get3A_20 = arith.constant 0 : index
    %get3A_21 = vector.load %arg5[%get3A_18, %get3A_19, %get3A_20] : memref<7x128x128xf32, #tpu.memory_space<vmem>>, vector<1x128x128xf32>
    %get3A_22 = vector.shape_cast %get3A_21 : vector<1x128x128xf32> to vector<128x128xf32>
    %dot_general3A_23 = arith.constant dense<0.000000e+00> : vector<1000x128xf32>
    %dot_general3A_24 = tpu.matmul %dot_general3A_12, %get3A_22, %dot_general3A_23 {dimension_numbers = #tpu.dot_dimension_numbers<[1], [0], [0], [1], [0, 0, 1, 1], [], []>, transpose_lhs_hint = false} : vector<1000x128xf32>, vector<128x128xf32>, vector<1000x128xf32> -> vector<1000x128xf32>
    %swap3A_25 = arith.constant 0 : index
    %swap3A_26 = arith.constant 0 : index
    %swap3A_27 = arith.constant 0 : index
    %swap3A_28 = vector.load %arg8[%swap3A_25, %swap3A_26, %swap3A_27] : memref<7x1000x128xf32, #tpu.memory_space<vmem>>, vector<1x1000x128xf32>
    %swap3A_29 = vector.shape_cast %swap3A_28 : vector<1x1000x128xf32> to vector<1000x128xf32>
    %swap3A_30 = vector.shape_cast %dot_general3A_24 : vector<1000x128xf32> to vector<1x1000x128xf32>
    tpu.vector_store %arg8[%swap3A_25, %swap3A_26, %swap3A_27], %swap3A_30 {strides = array<i32>} : memref<7x1000x128xf32, #tpu.memory_space<vmem>>, vector<1x1000x128xf32>,
    %get3A_31 = arith.constant 0 : index
    %get3A_32 = arith.constant 0 : index
    %get3A_33 = arith.constant 0 : index
    %get3A_34 = vector.load %arg6[%get3A_31, %get3A_32, %get3A_33] : memref<7x128x128xf32, #tpu.memory_space<vmem>>, vector<1x128x128xf32>
    %get3A_35 = vector.shape_cast %get3A_34 : vector<1x128x128xf32> to vector<128x128xf32>
    %dot_general3A_36 = arith.constant dense<0.000000e+00> : vector<1000x128xf32>
    %dot_general3A_37 = tpu.matmul %dot_general3A_17, %get3A_35, %dot_general3A_36 {dimension_numbers = #tpu.dot_dimension_numbers<[1], [0], [0], [1], [0, 0, 1, 1], [], []>, transpose_lhs_hint = false} : vector<1000x128xf32>, vector<128x128xf32>, vector<1000x128xf32> -> vector<1000x128xf32>
    %swap3A_38 = arith.constant 0 : index
    %swap3A_39 = arith.constant 0 : index
    %swap3A_40 = arith.constant 0 : index
    %swap3A_41 = vector.load %arg9[%swap3A_38, %swap3A_39, %swap3A_40] : memref<7x1000x128xf32, #tpu.memory_space<vmem>>, vector<1x1000x128xf32>
    %swap3A_42 = vector.shape_cast %swap3A_41 : vector<1x1000x128xf32> to vector<1000x128xf32>
    %swap3A_43 = vector.shape_cast %dot_general3A_37 : vector<1000x128xf32> to vector<1x1000x128xf32>
    tpu.vector_store %arg9[%swap3A_38, %swap3A_39, %swap3A_40], %swap3A_43 {strides = array<i32>} : memref<7x1000x128xf32, #tpu.memory_space<vmem>>, vector<1x1000x128xf32>,
    %get3A_44 = arith.constant 1 : index
    %get3A_45 = arith.constant 0 : index
    %get3A_46 = arith.constant 0 : index
    %get3A_47 = vector.load %arg5[%get3A_44, %get3A_45, %get3A_46] : memref<7x128x128xf32, #tpu.memory_space<vmem>>, vector<1x128x128xf32>
    %get3A_48 = vector.shape_cast %get3A_47 : vector<1x128x128xf32> to vector<128x128xf32>
    %dot_general3A_49 = arith.constant dense<0.000000e+00> : vector<1000x128xf32>
    %dot_general3A_50 = tpu.matmul %dot_general3A_12, %get3A_48, %dot_general3A_49 {dimension_numbers = #tpu.dot_dimension_numbers<[1], [0], [0], [1], [0, 0, 1, 1], [], []>, transpose_lhs_hint = false} : vector<1000x128xf32>, vector<128x128xf32>, vector<1000x128xf32> -> vector<1000x128xf32>
    %swap3A_51 = arith.constant 1 : index
    %swap3A_52 = arith.constant 0 : index
    %swap3A_53 = arith.constant 0 : index
    %swap3A_54 = vector.load %arg8[%swap3A_51, %swap3A_52, %swap3A_53] : memref<7x1000x128xf32, #tpu.memory_space<vmem>>, vector<1x1000x128xf32>
    %swap3A_55 = vector.shape_cast %swap3A_54 : vector<1x1000x128xf32> to vector<1000x128xf32>
    %swap3A_56 = vector.shape_cast %dot_general3A_50 : vector<1000x128xf32> to vector<1x1000x128xf32>
    tpu.vector_store %arg8[%swap3A_51, %swap3A_52, %swap3A_53], %swap3A_56 {strides = array<i32>} : memref<7x1000x128xf32, #tpu.memory_space<vmem>>, vector<1x1000x128xf32>,
    %get3A_57 = arith.constant 1 : index
    %get3A_58 = arith.constant 0 : index
    %get3A_59 = arith.constant 0 : index
    %get3A_60 = vector.load %arg6[%get3A_57, %get3A_58, %get3A_59] : memref<7x128x128xf32, #tpu.memory_space<vmem>>, vector<1x128x128xf32>
    %get3A_61 = vector.shape_cast %get3A_60 : vector<1x128x128xf32> to vector<128x128xf32>
    %dot_general3A_62 = arith.constant dense<0.000000e+00> : vector<1000x128xf32>
    %dot_general3A_63 = tpu.matmul %dot_general3A_17, %get3A_61, %dot_general3A_62 {dimension_numbers = #tpu.dot_dimension_numbers<[1], [0], [0], [1], [0, 0, 1, 1], [], []>, transpose_lhs_hint = false} : vector<1000x128xf32>, vector<128x128xf32>, vector<1000x128xf32> -> vector<1000x128xf32>
    %swap3A_64 = arith.constant 1 : index
    %swap3A_65 = arith.constant 0 : index
    %swap3A_66 = arith.constant 0 : index
    %swap3A_67 = vector.load %arg9[%swap3A_64, %swap3A_65, %swap3A_66] : memref<7x1000x128xf32, #tpu.memory_space<vmem>>, vector<1x1000x128xf32>
    %swap3A_68 = vector.shape_cast %swap3A_67 : vector<1x1000x128xf32> to vector<1000x128xf32>
    %swap3A_69 = vector.shape_cast %dot_general3A_63 : vector<1000x128xf32> to vector<1x1000x128xf32>
    tpu.vector_store %arg9[%swap3A_64, %swap3A_65, %swap3A_66], %swap3A_69 {strides = array<i32>} : memref<7x1000x128xf32, #tpu.memory_space<vmem>>, vector<1x1000x128xf32>,
    %get3A_70 = arith.constant 2 : index
    %get3A_71 = arith.constant 0 : index
    %get3A_72 = arith.constant 0 : index
    %get3A_73 = vector.load %arg5[%get3A_70, %get3A_71, %get3A_72] : memref<7x128x128xf32, #tpu.memory_space<vmem>>, vector<1x128x128xf32>
    %get3A_74 = vector.shape_cast %get3A_73 : vector<1x128x128xf32> to vector<128x128xf32>
    %dot_general3A_75 = arith.constant dense<0.000000e+00> : vector<1000x128xf32>
    %dot_general3A_76 = tpu.matmul %dot_general3A_12, %get3A_74, %dot_general3A_75 {dimension_numbers = #tpu.dot_dimension_numbers<[1], [0], [0], [1], [0, 0, 1, 1], [], []>, transpose_lhs_hint = false} : vector<1000x128xf32>, vector<128x128xf32>, vector<1000x128xf32> -> vector<1000x128xf32>
    %swap3A_77 = arith.constant 2 : index
    %swap3A_78 = arith.constant 0 : index
    %swap3A_79 = arith.constant 0 : index
    %swap3A_80 = vector.load %arg8[%swap3A_77, %swap3A_78, %swap3A_79] : memref<7x1000x128xf32, #tpu.memory_space<vmem>>, vector<1x1000x128xf32>
    %swap3A_81 = vector.shape_cast %swap3A_80 : vector<1x1000x128xf32> to vector<1000x128xf32>
    %swap3A_82 = vector.shape_cast %dot_general3A_76 : vector<1000x128xf32> to vector<1x1000x128xf32>
    tpu.vector_store %arg8[%swap3A_77, %swap3A_78, %swap3A_79], %swap3A_82 {strides = array<i32>} : memref<7x1000x128xf32, #tpu.memory_space<vmem>>, vector<1x1000x128xf32>,
    %get3A_83 = arith.constant 2 : index
    %get3A_84 = arith.constant 0 : index
    %get3A_85 = arith.constant 0 : index
    %get3A_86 = vector.load %arg6[%get3A_83, %get3A_84, %get3A_85] : memref<7x128x128xf32, #tpu.memory_space<vmem>>, vector<1x128x128xf32>
    %get3A_87 = vector.shape_cast %get3A_86 : vector<1x128x128xf32> to vector<128x128xf32>
    %dot_general3A_88 = arith.constant dense<0.000000e+00> : vector<1000x128xf32>
    %dot_general3A_89 = tpu.matmul %dot_general3A_17, %get3A_87, %dot_general3A_88 {dimension_numbers = #tpu.dot_dimension_numbers<[1], [0], [0], [1], [0, 0, 1, 1], [], []>, transpose_lhs_hint = false} : vector<1000x128xf32>, vector<128x128xf32>, vector<1000x128xf32> -> vector<1000x128xf32>
    %swap3A_90 = arith.constant 2 : index
    %swap3A_91 = arith.constant 0 : index
    %swap3A_92 = arith.constant 0 : index
    %swap3A_93 = vector.load %arg9[%swap3A_90, %swap3A_91, %swap3A_92] : memref<7x1000x128xf32, #tpu.memory_space<vmem>>, vector<1x1000x128xf32>
    %swap3A_94 = vector.shape_cast %swap3A_93 : vector<1x1000x128xf32> to vector<1000x128xf32>
    %swap3A_95 = vector.shape_cast %dot_general3A_89 : vector<1000x128xf32> to vector<1x1000x128xf32>
    tpu.vector_store %arg9[%swap3A_90, %swap3A_91, %swap3A_92], %swap3A_95 {strides = array<i32>} : memref<7x1000x128xf32, #tpu.memory_space<vmem>>, vector<1x1000x128xf32>,
    %get3A_96 = arith.constant 3 : index
    %get3A_97 = arith.constant 0 : index
    %get3A_98 = arith.constant 0 : index
    %get3A_99 = vector.load %arg5[%get3A_96, %get3A_97, %get3A_98] : memref<7x128x128xf32, #tpu.memory_space<vmem>>, vector<1x128x128xf32>
    %get3A_100 = vector.shape_cast %get3A_99 : vector<1x128x128xf32> to vector<128x128xf32>
    %dot_general3A_101 = arith.constant dense<0.000000e+00> : vector<1000x128xf32>
    %dot_general3A_102 = tpu.matmul %dot_general3A_12, %get3A_100, %dot_general3A_101 {dimension_numbers = #tpu.dot_dimension_numbers<[1], [0], [0], [1], [0, 0, 1, 1], [], []>, transpose_lhs_hint = false} : vector<1000x128xf32>, vector<128x128xf32>, vector<1000x128xf32> -> vector<1000x128xf32>
    %swap3A_103 = arith.constant 3 : index
    %swap3A_104 = arith.constant 0 : index
    %swap3A_105 = arith.constant 0 : index
    %swap3A_106 = vector.load %arg8[%swap3A_103, %swap3A_104, %swap3A_105] : memref<7x1000x128xf32, #tpu.memory_space<vmem>>, vector<1x1000x128xf32>
    %swap3A_107 = vector.shape_cast %swap3A_106 : vector<1x1000x128xf32> to vector<1000x128xf32>
    %swap3A_108 = vector.shape_cast %dot_general3A_102 : vector<1000x128xf32> to vector<1x1000x128xf32>
    tpu.vector_store %arg8[%swap3A_103, %swap3A_104, %swap3A_105], %swap3A_108 {strides = array<i32>} : memref<7x1000x128xf32, #tpu.memory_space<vmem>>, vector<1x1000x128xf32>,
    %get3A_109 = arith.constant 3 : index
    %get3A_110 = arith.constant 0 : index
    %get3A_111 = arith.constant 0 : index
    %get3A_112 = vector.load %arg6[%get3A_109, %get3A_110, %get3A_111] : memref<7x128x128xf32, #tpu.memory_space<vmem>>, vector<1x128x128xf32>
    %get3A_113 = vector.shape_cast %get3A_112 : vector<1x128x128xf32> to vector<128x128xf32>
    %dot_general3A_114 = arith.constant dense<0.000000e+00> : vector<1000x128xf32>
    %dot_general3A_115 = tpu.matmul %dot_general3A_17, %get3A_113, %dot_general3A_114 {dimension_numbers = #tpu.dot_dimension_numbers<[1], [0], [0], [1], [0, 0, 1, 1], [], []>, transpose_lhs_hint = false} : vector<1000x128xf32>, vector<128x128xf32>, vector<1000x128xf32> -> vector<1000x128xf32>
    %swap3A_116 = arith.constant 3 : index
    %swap3A_117 = arith.constant 0 : index
    %swap3A_118 = arith.constant 0 : index
    %swap3A_119 = vector.load %arg9[%swap3A_116, %swap3A_117, %swap3A_118] : memref<7x1000x128xf32, #tpu.memory_space<vmem>>, vector<1x1000x128xf32>
    %swap3A_120 = vector.shape_cast %swap3A_119 : vector<1x1000x128xf32> to vector<1000x128xf32>
    %swap3A_121 = vector.shape_cast %dot_general3A_115 : vector<1000x128xf32> to vector<1x1000x128xf32>
    tpu.vector_store %arg9[%swap3A_116, %swap3A_117, %swap3A_118], %swap3A_121 {strides = array<i32>} : memref<7x1000x128xf32, #tpu.memory_space<vmem>>, vector<1x1000x128xf32>,
    %get3A_122 = arith.constant 4 : index
    %get3A_123 = arith.constant 0 : index
    %get3A_124 = arith.constant 0 : index
    %get3A_125 = vector.load %arg5[%get3A_122, %get3A_123, %get3A_124] : memref<7x128x128xf32, #tpu.memory_space<vmem>>, vector<1x128x128xf32>
    %get3A_126 = vector.shape_cast %get3A_125 : vector<1x128x128xf32> to vector<128x128xf32>
    %dot_general3A_127 = arith.constant dense<0.000000e+00> : vector<1000x128xf32>
    %dot_general3A_128 = tpu.matmul %dot_general3A_12, %get3A_126, %dot_general3A_127 {dimension_numbers = #tpu.dot_dimension_numbers<[1], [0], [0], [1], [0, 0, 1, 1], [], []>, transpose_lhs_hint = false} : vector<1000x128xf32>, vector<128x128xf32>, vector<1000x128xf32> -> vector<1000x128xf32>
    %swap3A_129 = arith.constant 4 : index
    %swap3A_130 = arith.constant 0 : index
    %swap3A_131 = arith.constant 0 : index
    %swap3A_132 = vector.load %arg8[%swap3A_129, %swap3A_130, %swap3A_131] : memref<7x1000x128xf32, #tpu.memory_space<vmem>>, vector<1x1000x128xf32>
    %swap3A_133 = vector.shape_cast %swap3A_132 : vector<1x1000x128xf32> to vector<1000x128xf32>
    %swap3A_134 = vector.shape_cast %dot_general3A_128 : vector<1000x128xf32> to vector<1x1000x128xf32>
    tpu.vector_store %arg8[%swap3A_129, %swap3A_130, %swap3A_131], %swap3A_134 {strides = array<i32>} : memref<7x1000x128xf32, #tpu.memory_space<vmem>>, vector<1x1000x128xf32>,
    %get3A_135 = arith.constant 4 : index
    %get3A_136 = arith.constant 0 : index
    %get3A_137 = arith.constant 0 : index
    %get3A_138 = vector.load %arg6[%get3A_135, %get3A_136, %get3A_137] : memref<7x128x128xf32, #tpu.memory_space<vmem>>, vector<1x128x128xf32>
    %get3A_139 = vector.shape_cast %get3A_138 : vector<1x128x128xf32> to vector<128x128xf32>
    %dot_general3A_140 = arith.constant dense<0.000000e+00> : vector<1000x128xf32>
    %dot_general3A_141 = tpu.matmul %dot_general3A_17, %get3A_139, %dot_general3A_140 {dimension_numbers = #tpu.dot_dimension_numbers<[1], [0], [0], [1], [0, 0, 1, 1], [], []>, transpose_lhs_hint = false} : vector<1000x128xf32>, vector<128x128xf32>, vector<1000x128xf32> -> vector<1000x128xf32>
    %swap3A_142 = arith.constant 4 : index
    %swap3A_143 = arith.constant 0 : index
    %swap3A_144 = arith.constant 0 : index
    %swap3A_145 = vector.load %arg9[%swap3A_142, %swap3A_143, %swap3A_144] : memref<7x1000x128xf32, #tpu.memory_space<vmem>>, vector<1x1000x128xf32>
    %swap3A_146 = vector.shape_cast %swap3A_145 : vector<1x1000x128xf32> to vector<1000x128xf32>
    %swap3A_147 = vector.shape_cast %dot_general3A_141 : vector<1000x128xf32> to vector<1x1000x128xf32>
    tpu.vector_store %arg9[%swap3A_142, %swap3A_143, %swap3A_144], %swap3A_147 {strides = array<i32>} : memref<7x1000x128xf32, #tpu.memory_space<vmem>>, vector<1x1000x128xf32>,
    %get3A_148 = arith.constant 5 : index
    %get3A_149 = arith.constant 0 : index
    %get3A_150 = arith.constant 0 : index
    %get3A_151 = vector.load %arg5[%get3A_148, %get3A_149, %get3A_150] : memref<7x128x128xf32, #tpu.memory_space<vmem>>, vector<1x128x128xf32>
    %get3A_152 = vector.shape_cast %get3A_151 : vector<1x128x128xf32> to vector<128x128xf32>
    %dot_general3A_153 = arith.constant dense<0.000000e+00> : vector<1000x128xf32>
    %dot_general3A_154 = tpu.matmul %dot_general3A_12, %get3A_152, %dot_general3A_153 {dimension_numbers = #tpu.dot_dimension_numbers<[1], [0], [0], [1], [0, 0, 1, 1], [], []>, transpose_lhs_hint = false} : vector<1000x128xf32>, vector<128x128xf32>, vector<1000x128xf32> -> vector<1000x128xf32>
    %swap3A_155 = arith.constant 5 : index
    %swap3A_156 = arith.constant 0 : index
    %swap3A_157 = arith.constant 0 : index
    %swap3A_158 = vector.load %arg8[%swap3A_155, %swap3A_156, %swap3A_157] : memref<7x1000x128xf32, #tpu.memory_space<vmem>>, vector<1x1000x128xf32>
    %swap3A_159 = vector.shape_cast %swap3A_158 : vector<1x1000x128xf32> to vector<1000x128xf32>
    %swap3A_160 = vector.shape_cast %dot_general3A_154 : vector<1000x128xf32> to vector<1x1000x128xf32>
    tpu.vector_store %arg8[%swap3A_155, %swap3A_156, %swap3A_157], %swap3A_160 {strides = array<i32>} : memref<7x1000x128xf32, #tpu.memory_space<vmem>>, vector<1x1000x128xf32>,
    %get3A_161 = arith.constant 5 : index
    %get3A_162 = arith.constant 0 : index
    %get3A_163 = arith.constant 0 : index
    %get3A_164 = vector.load %arg6[%get3A_161, %get3A_162, %get3A_163] : memref<7x128x128xf32, #tpu.memory_space<vmem>>, vector<1x128x128xf32>
    %get3A_165 = vector.shape_cast %get3A_164 : vector<1x128x128xf32> to vector<128x128xf32>
    %dot_general3A_166 = arith.constant dense<0.000000e+00> : vector<1000x128xf32>
    %dot_general3A_167 = tpu.matmul %dot_general3A_17, %get3A_165, %dot_general3A_166 {dimension_numbers = #tpu.dot_dimension_numbers<[1], [0], [0], [1], [0, 0, 1, 1], [], []>, transpose_lhs_hint = false} : vector<1000x128xf32>, vector<128x128xf32>, vector<1000x128xf32> -> vector<1000x128xf32>
    %swap3A_168 = arith.constant 5 : index
    %swap3A_169 = arith.constant 0 : index
    %swap3A_170 = arith.constant 0 : index
    %swap3A_171 = vector.load %arg9[%swap3A_168, %swap3A_169, %swap3A_170] : memref<7x1000x128xf32, #tpu.memory_space<vmem>>, vector<1x1000x128xf32>
    %swap3A_172 = vector.shape_cast %swap3A_171 : vector<1x1000x128xf32> to vector<1000x128xf32>
    %swap3A_173 = vector.shape_cast %dot_general3A_167 : vector<1000x128xf32> to vector<1x1000x128xf32>
    tpu.vector_store %arg9[%swap3A_168, %swap3A_169, %swap3A_170], %swap3A_173 {strides = array<i32>} : memref<7x1000x128xf32, #tpu.memory_space<vmem>>, vector<1x1000x128xf32>,
    %get3A_174 = arith.constant 6 : index
    %get3A_175 = arith.constant 0 : index
    %get3A_176 = arith.constant 0 : index
    %get3A_177 = vector.load %arg5[%get3A_174, %get3A_175, %get3A_176] : memref<7x128x128xf32, #tpu.memory_space<vmem>>, vector<1x128x128xf32>
    %get3A_178 = vector.shape_cast %get3A_177 : vector<1x128x128xf32> to vector<128x128xf32>
    %dot_general3A_179 = arith.constant dense<0.000000e+00> : vector<1000x128xf32>
    %dot_general3A_180 = tpu.matmul %dot_general3A_12, %get3A_178, %dot_general3A_179 {dimension_numbers = #tpu.dot_dimension_numbers<[1], [0], [0], [1], [0, 0, 1, 1], [], []>, transpose_lhs_hint = false} : vector<1000x128xf32>, vector<128x128xf32>, vector<1000x128xf32> -> vector<1000x128xf32>
    %swap3A_181 = arith.constant 6 : index
    %swap3A_182 = arith.constant 0 : index
    %swap3A_183 = arith.constant 0 : index
    %swap3A_184 = vector.load %arg8[%swap3A_181, %swap3A_182, %swap3A_183] : memref<7x1000x128xf32, #tpu.memory_space<vmem>>, vector<1x1000x128xf32>
    %swap3A_185 = vector.shape_cast %swap3A_184 : vector<1x1000x128xf32> to vector<1000x128xf32>
    %swap3A_186 = vector.shape_cast %dot_general3A_180 : vector<1000x128xf32> to vector<1x1000x128xf32>
    tpu.vector_store %arg8[%swap3A_181, %swap3A_182, %swap3A_183], %swap3A_186 {strides = array<i32>} : memref<7x1000x128xf32, #tpu.memory_space<vmem>>, vector<1x1000x128xf32>,
    %get3A_187 = arith.constant 6 : index
    %get3A_188 = arith.constant 0 : index
    %get3A_189 = arith.constant 0 : index
    %get3A_190 = vector.load %arg6[%get3A_187, %get3A_188, %get3A_189] : memref<7x128x128xf32, #tpu.memory_space<vmem>>, vector<1x128x128xf32>
    %get3A_191 = vector.shape_cast %get3A_190 : vector<1x128x128xf32> to vector<128x128xf32>
    %dot_general3A_192 = arith.constant dense<0.000000e+00> : vector<1000x128xf32>
    %dot_general3A_193 = tpu.matmul %dot_general3A_17, %get3A_191, %dot_general3A_192 {dimension_numbers = #tpu.dot_dimension_numbers<[1], [0], [0], [1], [0, 0, 1, 1], [], []>, transpose_lhs_hint = false} : vector<1000x128xf32>, vector<128x128xf32>, vector<1000x128xf32> -> vector<1000x128xf32>
    %swap3A_194 = arith.constant 6 : index
    %swap3A_195 = arith.constant 0 : index
    %swap3A_196 = arith.constant 0 : index
    %swap3A_197 = vector.load %arg9[%swap3A_194, %swap3A_195, %swap3A_196] : memref<7x1000x128xf32, #tpu.memory_space<vmem>>, vector<1x1000x128xf32>
    %swap3A_198 = vector.shape_cast %swap3A_197 : vector<1x1000x128xf32> to vector<1000x128xf32>
    %swap3A_199 = vector.shape_cast %dot_general3A_193 : vector<1000x128xf32> to vector<1x1000x128xf32>
    tpu.vector_store %arg9[%swap3A_194, %swap3A_195, %swap3A_196], %swap3A_199 {strides = array<i32>} : memref<7x1000x128xf32, #tpu.memory_space<vmem>>, vector<1x1000x128xf32>,
    return
  }
  func.func @transform_0(%arg0: i32) -> (i32, i32) {
    %c0_i32 = arith.constant 0 : i32
    %c0_i32_0 = arith.constant 0 : i32
    return %arg0, %c0_i32 : i32, i32
  }
  func.func @transform_1(%arg0: i32) -> (i32, i32) {
    %c0_i32 = arith.constant 0 : i32
    %c0_i32_0 = arith.constant 0 : i32
    %c0_i32_1 = arith.constant 0 : i32
    return %c0_i32, %c0_i32_0 : i32, i32
  }
  func.func @transform_2(%arg0: i32) -> (i32, i32) {
    %c0_i32 = arith.constant 0 : i32
    %c0_i32_0 = arith.constant 0 : i32
    %c0_i32_1 = arith.constant 0 : i32
    return %c0_i32, %c0_i32_0 : i32, i32
  }
  func.func @transform_3(%arg0: i32) -> (i32, i32) {
    %c0_i32 = arith.constant 0 : i32
    %c0_i32_0 = arith.constant 0 : i32
    %c0_i32_1 = arith.constant 0 : i32
    return %c0_i32, %c0_i32_0 : i32, i32
  }
  func.func @transform_4(%arg0: i32) -> (i32, i32, i32) {
    %c0_i32 = arith.constant 0 : i32
    %c0_i32_0 = arith.constant 0 : i32
    %c0_i32_1 = arith.constant 0 : i32
    %c0_i32_2 = arith.constant 0 : i32
    return %c0_i32, %c0_i32_0, %c0_i32_1 : i32, i32, i32
  }
  func.func @transform_5(%arg0: i32) -> (i32, i32, i32) {
    %c0_i32 = arith.constant 0 : i32
    %c0_i32_0 = arith.constant 0 : i32
    %c0_i32_1 = arith.constant 0 : i32
    %c0_i32_2 = arith.constant 0 : i32
    return %c0_i32, %c0_i32_0, %c0_i32_1 : i32, i32, i32
  }
  func.func @transform_6(%arg0: i32) -> (i32, i32) {
    %c0_i32 = arith.constant 0 : i32
    %c0_i32_0 = arith.constant 0 : i32
    return %arg0, %c0_i32 : i32, i32
  }
  func.func @transform_7(%arg0: i32) -> (i32, i32, i32) {
    %c0_i32 = arith.constant 0 : i32
    %c0_i32_0 = arith.constant 0 : i32
    %c0_i32_1 = arith.constant 0 : i32
    return %c0_i32, %arg0, %c0_i32_0 : i32, i32, i32
  }
  func.func @transform_8(%arg0: i32) -> (i32, i32, i32) {
    %c0_i32 = arith.constant 0 : i32
    %c0_i32_0 = arith.constant 0 : i32
    %c0_i32_1 = arith.constant 0 : i32
    return %c0_i32, %arg0, %c0_i32_0 : i32, i32, i32
  }
}

module attributes {stable_mosaic.version = 14 : i64} {
  func.func @_uagg_body(%arg0: i32, %arg1: memref<256x10000xf32, #tpu.memory_space<vmem>>, %arg2: memref<10000x128xf32, #tpu.memory_space<vmem>>, %arg3: memref<256x128xf32, #tpu.memory_space<vmem>>) attributes {dimension_semantics = [#tpu.dimension_semantics<arbitrary>], iteration_bounds = array<i64: 8>, scalar_prefetch = 0 : i64, scratch_operands = 0 : i64, tpu.core_type = #tpu.core_type<tc>, window_params = [{transform_indices = @transform_0, window_bounds = array<i64: 256, 10000>}, {pipeline_mode = #tpu.pipeline_mode<synchronous>, transform_indices = @transform_1, window_bounds = array<i64: 10000, 128>}, {transform_indices = @transform_2, window_bounds = array<i64: 256, 128>}]} {
    %get3A = arith.constant 0 : index
    %get3A_0 = arith.constant 0 : index
    %get3A_1 = vector.load %arg1[%get3A, %get3A_0] : memref<256x10000xf32, #tpu.memory_space<vmem>>, vector<256x10000xf32>
    %get3A_2 = arith.constant 0 : index
    %get3A_3 = arith.constant 0 : index
    %get3A_4 = vector.load %arg2[%get3A_2, %get3A_3] : memref<10000x128xf32, #tpu.memory_space<vmem>>, vector<10000x128xf32>
    %dot_general3A = arith.constant dense<0.000000e+00> : vector<256x128xf32>
    %dot_general3A_5 = tpu.matmul %get3A_1, %get3A_4, %dot_general3A {dimension_numbers = #tpu.dot_dimension_numbers<[1], [0], [0], [1], [0, 0, 1, 1], [], []>, transpose_lhs_hint = false} : vector<256x10000xf32>, vector<10000x128xf32>, vector<256x128xf32> -> vector<256x128xf32>
    %swap3A = arith.constant 0 : index
    %swap3A_6 = arith.constant 0 : index
    %swap3A_7 = vector.load %arg3[%swap3A, %swap3A_6] : memref<256x128xf32, #tpu.memory_space<vmem>>, vector<256x128xf32>
    tpu.vector_store %arg3[%swap3A, %swap3A_6], %dot_general3A_5 {strides = array<i32>} : memref<256x128xf32, #tpu.memory_space<vmem>>, vector<256x128xf32>,
    return
  }
  func.func @transform_0(%arg0: i32) -> (i32, i32) {
    %c0_i32 = arith.constant 0 : i32
    %c0_i32_0 = arith.constant 0 : i32
    return %arg0, %c0_i32 : i32, i32
  }
  func.func @transform_1(%arg0: i32) -> (i32, i32) {
    %c0_i32 = arith.constant 0 : i32
    %c0_i32_0 = arith.constant 0 : i32
    %c0_i32_1 = arith.constant 0 : i32
    return %c0_i32, %c0_i32_0 : i32, i32
  }
  func.func @transform_2(%arg0: i32) -> (i32, i32) {
    %c0_i32 = arith.constant 0 : i32
    %c0_i32_0 = arith.constant 0 : i32
    return %arg0, %c0_i32 : i32, i32
  }
}

module attributes {stable_mosaic.version = 14 : i64} {
  func.func @_final_body(%arg0: i32, %arg1: memref<2x1000x128xf32, #tpu.memory_space<vmem>>, %arg2: memref<2x1000x4xf32, #tpu.memory_space<vmem>>, %arg3: memref<128x128xf32, #tpu.memory_space<vmem>>, %arg4: memref<1000x128xf32, #tpu.memory_space<vmem>>) attributes {dimension_semantics = [#tpu.dimension_semantics<arbitrary>], iteration_bounds = array<i64: 10>, scalar_prefetch = 0 : i64, scratch_operands = 0 : i64, tpu.core_type = #tpu.core_type<tc>, window_params = [{transform_indices = @transform_0, window_bounds = array<i64: 2, 1000, 128>}, {transform_indices = @transform_1, window_bounds = array<i64: 2, 1000, 4>}, {pipeline_mode = #tpu.pipeline_mode<synchronous>, transform_indices = @transform_2, window_bounds = array<i64: 128, 128>}, {transform_indices = @transform_3, window_bounds = array<i64: 1000, 128>}]} {
    %get3A = arith.constant 0 : index
    %get3A_0 = arith.constant 0 : index
    %get3A_1 = arith.constant 0 : index
    %get3A_2 = vector.load %arg1[%get3A, %get3A_0, %get3A_1] : memref<2x1000x128xf32, #tpu.memory_space<vmem>>, vector<1x1000x128xf32>
    %get3A_3 = vector.shape_cast %get3A_2 : vector<1x1000x128xf32> to vector<1000x128xf32>
    %get3A_4 = arith.constant 1 : index
    %get3A_5 = arith.constant 0 : index
    %get3A_6 = arith.constant 0 : index
    %get3A_7 = vector.load %arg1[%get3A_4, %get3A_5, %get3A_6] : memref<2x1000x128xf32, #tpu.memory_space<vmem>>, vector<1x1000x128xf32>
    %get3A_8 = vector.shape_cast %get3A_7 : vector<1x1000x128xf32> to vector<1000x128xf32>
    %add3A = arith.addf %get3A_3, %get3A_8 : vector<1000x128xf32>
    %get3A_9 = arith.constant 0 : index
    %get3A_10 = arith.constant 0 : index
    %get3A_11 = arith.constant 0 : index
    %get3A_12 = vector.load %arg2[%get3A_9, %get3A_10, %get3A_11] : memref<2x1000x4xf32, #tpu.memory_space<vmem>>, vector<1x1000x4xf32>
    %get3A_13 = vector.shape_cast %get3A_12 : vector<1x1000x4xf32> to vector<1000x4xf32>
    %get3A_14 = arith.constant 1 : index
    %get3A_15 = arith.constant 0 : index
    %get3A_16 = arith.constant 0 : index
    %get3A_17 = vector.load %arg2[%get3A_14, %get3A_15, %get3A_16] : memref<2x1000x4xf32, #tpu.memory_space<vmem>>, vector<1x1000x4xf32>
    %get3A_18 = vector.shape_cast %get3A_17 : vector<1x1000x4xf32> to vector<1000x4xf32>
    %add3A_19 = arith.addf %get3A_13, %get3A_18 : vector<1000x4xf32>
    %eq3A = arith.constant 0.000000e+00 : f32
    %eq3A_20 = vector.broadcast %eq3A : f32 to vector<1000x4xf32>
    %eq3A_21 = arith.cmpf oeq, %add3A_19, %eq3A_20 : vector<1000x4xf32>
    %jit3A = arith.constant 1.000000e+00 : f32
    %broadcast_in_dim3A = vector.broadcast %jit3A : f32 to vector<1000x4xf32>
    %select_n3A = arith.select %eq3A_21, %broadcast_in_dim3A, %add3A_19 : vector<1000x4xi1>, vector<1000x4xf32>
    %iota3A = tpu.iota {dimensions = array<i32: 1>} : vector<4x128xi32>
    %jit3A_22 = arith.constant 32 : i32
    %div3A = vector.broadcast %jit3A_22 : i32 to vector<4x128xi32>
    %div3A_23 = arith.divsi %iota3A, %div3A : vector<4x128xi32>
    %sign3A = arith.constant 0 : i32
    %sign3A_24 = vector.broadcast %sign3A : i32 to vector<4x128xi32>
    %sign3A_25 = arith.cmpi sgt, %iota3A, %sign3A_24 : vector<4x128xi32>
    %sign3A_26 = arith.extui %sign3A_25 : vector<4x128xi1> to vector<4x128xi32>
    %sign3A_27 = arith.constant 0 : i32
    %sign3A_28 = vector.broadcast %sign3A_27 : i32 to vector<4x128xi32>
    %sign3A_29 = arith.cmpi slt, %iota3A, %sign3A_28 : vector<4x128xi32>
    %sign3A_30 = arith.extui %sign3A_29 : vector<4x128xi1> to vector<4x128xi32>
    %sign3A_31 = arith.subi %sign3A_26, %sign3A_30 : vector<4x128xi32>
    %sign3A_32 = arith.constant 0 : i32
    %sign3A_33 = arith.cmpi sgt, %jit3A_22, %sign3A_32 : i32
    %sign3A_34 = arith.extui %sign3A_33 : i1 to i32
    %sign3A_35 = arith.constant 0 : i32
    %sign3A_36 = arith.cmpi slt, %jit3A_22, %sign3A_35 : i32
    %sign3A_37 = arith.extui %sign3A_36 : i1 to i32
    %sign3A_38 = arith.subi %sign3A_34, %sign3A_37 : i32
    %ne3A = vector.broadcast %sign3A_38 : i32 to vector<4x128xi32>
    %ne3A_39 = arith.cmpi ne, %sign3A_31, %ne3A : vector<4x128xi32>
    %rem3A = vector.broadcast %jit3A_22 : i32 to vector<4x128xi32>
    %rem3A_40 = arith.remsi %iota3A, %rem3A : vector<4x128xi32>
    %ne3A_41 = arith.constant 0 : i32
    %ne3A_42 = vector.broadcast %ne3A_41 : i32 to vector<4x128xi32>
    %ne3A_43 = arith.cmpi ne, %rem3A_40, %ne3A_42 : vector<4x128xi32>
    %and3A = arith.andi %ne3A_39, %ne3A_43 : vector<4x128xi1>
    %sub3A = arith.constant 1 : i32
    %sub3A_44 = vector.broadcast %sub3A : i32 to vector<4x128xi32>
    %sub3A_45 = arith.subi %div3A_23, %sub3A_44 : vector<4x128xi32>
    %select_n3A_46 = arith.select %and3A, %sub3A_45, %div3A_23 : vector<4x128xi1>, vector<4x128xi32>
    %iota3A_47 = tpu.iota {dimensions = array<i32: 0>} : vector<4x128xi32>
    %eq3A_48 = arith.cmpi eq, %select_n3A_46, %iota3A_47 : vector<4x128xi32>
    %convert_element_type3A = arith.extui %eq3A_48 : vector<4x128xi1> to vector<4x128xi32>
    %convert_element_type3A_49 = arith.sitofp %convert_element_type3A : vector<4x128xi32> to vector<4x128xf32>
    %div3A_50 = arith.constant 1.000000e+00 : f32
    %div3A_51 = vector.broadcast %div3A_50 : f32 to vector<1000x4xf32>
    %div3A_52 = arith.divf %div3A_51, %select_n3A : vector<1000x4xf32>
    %dot_general3A = arith.constant dense<0.000000e+00> : vector<1000x128xf32>
    %dot_general3A_53 = tpu.matmul %div3A_52, %convert_element_type3A_49, %dot_general3A {dimension_numbers = #tpu.dot_dimension_numbers<[1], [0], [0], [1], [0, 0, 1, 1], [], []>, transpose_lhs_hint = false} : vector<1000x4xf32>, vector<4x128xf32>, vector<1000x128xf32> -> vector<1000x128xf32>
    %mul3A = arith.mulf %add3A, %dot_general3A_53 : vector<1000x128xf32>
    %get3A_54 = arith.constant 0 : index
    %get3A_55 = arith.constant 0 : index
    %get3A_56 = vector.load %arg3[%get3A_54, %get3A_55] : memref<128x128xf32, #tpu.memory_space<vmem>>, vector<128x128xf32>
    %dot_general3A_57 = arith.constant dense<0.000000e+00> : vector<1000x128xf32>
    %dot_general3A_58 = tpu.matmul %mul3A, %get3A_56, %dot_general3A_57 {dimension_numbers = #tpu.dot_dimension_numbers<[1], [0], [0], [1], [0, 0, 1, 1], [], []>, transpose_lhs_hint = false} : vector<1000x128xf32>, vector<128x128xf32>, vector<1000x128xf32> -> vector<1000x128xf32>
    %swap3A = arith.constant 0 : index
    %swap3A_59 = arith.constant 0 : index
    %swap3A_60 = vector.load %arg4[%swap3A, %swap3A_59] : memref<1000x128xf32, #tpu.memory_space<vmem>>, vector<1000x128xf32>
    tpu.vector_store %arg4[%swap3A, %swap3A_59], %dot_general3A_58 {strides = array<i32>} : memref<1000x128xf32, #tpu.memory_space<vmem>>, vector<1000x128xf32>,
    return
  }
  func.func @transform_0(%arg0: i32) -> (i32, i32, i32) {
    %c0_i32 = arith.constant 0 : i32
    %c0_i32_0 = arith.constant 0 : i32
    %c0_i32_1 = arith.constant 0 : i32
    return %c0_i32, %arg0, %c0_i32_0 : i32, i32, i32
  }
  func.func @transform_1(%arg0: i32) -> (i32, i32, i32) {
    %c0_i32 = arith.constant 0 : i32
    %c0_i32_0 = arith.constant 0 : i32
    %c0_i32_1 = arith.constant 0 : i32
    return %c0_i32, %arg0, %c0_i32_0 : i32, i32, i32
  }
  func.func @transform_2(%arg0: i32) -> (i32, i32) {
    %c0_i32 = arith.constant 0 : i32
    %c0_i32_0 = arith.constant 0 : i32
    %c0_i32_1 = arith.constant 0 : i32
    return %c0_i32, %c0_i32_0 : i32, i32
  }
  func.func @transform_3(%arg0: i32) -> (i32, i32) {
    %c0_i32 = arith.constant 0 : i32
    %c0_i32_0 = arith.constant 0 : i32
    return %arg0, %c0_i32 : i32, i32
  }
}

</mosaic_0001>

<sc_bundles>
// kernel: kernel.6.cloned.1.call-start
scs
__scs_entry_jumppad:
0x0: {  	(pc) =	sbr.rel $0x88, $3  }
0x1: {  	(tag) =	ssettag $0x0;
	lr =	simm.s32 $0x1  }
0x2: {  	[smem:$0x3F97] =	sst lr;
	_ =	strace $0xD0000000  }
0x3: {  	_ = 	snop  }
0x4: {  	_ = 	snop  }
0x5: {  	_ = 	snop  }
0x6: {  	_ = 	snop  }
0x7: {  	_ = 	snop  }
__scs_overlays_trampoline_lowered:
0x8: {  	[smem:$0x3FA6] =	sst s0  }
0x9: {  	[smem:$0x3FA7] =	sst s1  }
0xa: {  	[smem:$0x3FA8] =	sst s2  }
0xb: {  	[smem:$0x3FA9] =	sst s3  }
0xc: {  	[smem:$0x3FAA] =	sst s4  }
0xd: {  	[smem:$0x3FAB] =	sst s5  }
0xe: {  	[smem:$0x3FAC] =	sst s6  }
0xf: {  	[smem:$0x3FAD] =	sst s7  }
0x10: {  	[smem:$0x3FAE] =	sst s8  }
0x11: {  	[smem:$0x3FAF] =	sst s9;
	s0 =	simm.s32 @!p0 $0x0  }
0x12: {  	s1 =	sld [smem:$0x3F95];
	s0 =	simm.s32 @p0 $0x1  }
0x13: {  	[smem:$0x3FB0] =	sst s0;
	s0 =	simm.s32 @!p1 $0x0  }
0x14: {  	s2 =	sld [smem:$0x3F94];
	s0 =	simm.s32 @p1 $0x1  }
0x15: {  	[smem:$0x3FB1] =	sst s0;
	s0 =	simm.s32 @!p2 $0x0  }
0x16: {  	s3 =	sld [smem:$0x3FDB];
	s0 =	simm.s32 @p2 $0x1  }
0x17: {  	s4 =	simm.s32 $0x1BF5;
	[smem:$0x3FB3] =	sst s0  }
0x18: {  	s0 =	sld [smem:$0x3F96];
	_ =	swait.ge [sflag:s4], $0x0  }
0x19: {  	s7 =	sld [smem:$0x3F97]  }
0x1a: {  	s8 =	sadd.s32 $0xFFFFE003, lr  }
0x1b: {  	s9 =	sadd.s32 $0xFFFFFEF7, lr;
	s5 =	simm.s32 $0xFFFFFFFF;
	p2 =	slt.u32 s8, $0xFFFFF086  }
0x1c: {  	p1 =	slt.u32 s9, $0xF7A;
	s5 =	simm.s32 @!p2 $0x0  }
0x1d: {  	s5 =	simm.s32 @p1 $0x1;
	p0 =	seq.s32 s7, s2  }
0x1e: {  	s7 =	smul.u32 @!p0 $0xF7A, s2;
	p2 =	seq.s32 @!p0 s5, $0x0  }
0x1f: {  	s9 =	smul.u32 $0xF7A, s1;
	s8 =	simm.s32 @!p0 $0x1BF5;
	p2 =	por !p2, p0  }
0x20: {  	[sflag:s8] =	ssyncset.s32 @!p0 $0xFFFFF086;
	s6 =	sadd.s32 @!p0 s3, s7;
	s7 =	simm.s32 @!p0 $0x108  }
0x21: {  	s3 =	sadd.s32 s3, s9;
	s6 =	sadd.s32 @!p0 $0x88, s6;
	s7 =	simm.s32 @p2 $0x1082  }
0x22: {  	[simem:s7], [sflag:s8] =	dma.local @!p0 [hbm:s6], $0xF7A  }
0x23: {  	s9 =	sor.u32 $0xD0000000, s2;
	s6 =	simm.s32 $0x108;
	_ =	swait.ge @!p0 [sflag:s8], $0x0  }
0x24: {  	s3 =	sadd.s32 $0x88, s3;
	s6 =	simm.s32 @!p1 $0x1082;
	[sflag:s4] =	ssyncset.s32 $0xFFFFF086  }
0x25: {  	[simem:s6], [sflag:s4] =	dma.local [hbm:s3], $0xF7A  }
0x26: {  	[smem:$0x3F97] =	sst s1;
	(tag) =	ssettag s2;
	_ =	strace s9  }
0x27: {  	s1 =	sld [smem:$0x3FA7]  }
0x28: {  	s2 =	sld [smem:$0x3FA8]  }
0x29: {  	s4 =	sld [smem:$0x3FAA]  }
0x2a: {  	p0 =	seq.s32 s5, $0x0;
	s5 =	sld [smem:$0x3FAB]  }
0x2b: {  	s6 =	sld [smem:$0x3FAC]  }
0x2c: {  	s7 =	sld [smem:$0x3FAD]  }
0x2d: {  	s3 =	simm.s32 $0x108;
	s8 =	sld [smem:$0x3FAE]  }
0x2e: {  	s3 =	simm.s32 @!p0 $0x1082;
	s9 =	sld [smem:$0x3FAF]  }
0x2f: {  	lr =	sadd.s32 s0, s3;
	s0 =	sld [smem:$0x3FA6]  }
0x30: {  	s3 =	sld [smem:$0x3FA9]  }
0x31: {  	[smem:$0x3FB2] =	sst s10  }
0x32: {  	s10 =	sld [smem:$0x3FB0];
	_ =	sdelay $0x3  }
0x33: {  	p0 =	seq.s32 s10, $0x1;
	s10 =	sld [smem:$0x3FB2];
	_ =	sdelay $0x3  }
0x34: {  	[smem:$0x3FB2] =	sst s10  }
0x35: {  	s10 =	sld [smem:$0x3FB1];
	_ =	sdelay $0x3  }
0x36: {  	p1 =	seq.s32 s10, $0x1;
	s10 =	sld [smem:$0x3FB2];
	_ =	sdelay $0x3  }
0x37: {  	[smem:$0x3FB2] =	sst s10  }
0x38: {  	s10 =	sld [smem:$0x3FB3]  }
0x39: {  	_ = 	snop;
	(pc) =	sbr.ind lr, $3  }
0x3a: {  	_ = 	snop  }
0x3b: {  	_ = 	snop  }
0x3c: {  	p2 =	seq.s32 s10, $0x1;
	s10 =	sld [smem:$0x3FB2]  }
0x3d: {  	_ =	shalt  }
0x3e: {  	_ =	shalt  }
0x3f: {  	_ =	shalt  }
0x40: {  	_ =	shalt  }
0x41: {  	_ =	shalt  }
0x42: {  	_ =	shalt  }
0x43: {  	_ =	shalt  }
0x44: {  	_ =	shalt  }
0x45: {  	_ =	shalt  }
0x46: {  	_ =	shalt  }
0x47: {  	_ =	shalt  }
0x48: {  	_ =	shalt  }
0x49: {  	_ =	shalt  }
0x4a: {  	_ =	shalt  }
0x4b: {  	_ =	shalt  }
0x4c: {  	_ =	shalt  }
0x4d: {  	_ =	shalt  }
0x4e: {  	_ =	shalt  }
0x4f: {  	_ =	shalt  }
0x50: {  	_ =	shalt  }
0x51: {  	_ =	shalt  }
0x52: {  	_ =	shalt  }
0x53: {  	_ =	shalt  }
0x54: {  	_ =	shalt  }
0x55: {  	_ =	shalt  }
0x56: {  	_ =	shalt  }
0x57: {  	_ =	shalt  }
0x58: {  	_ =	shalt  }
0x59: {  	_ =	shalt  }
0x5a: {  	_ =	shalt  }
0x5b: {  	_ =	shalt  }
0x5c: {  	_ =	shalt  }
0x5d: {  	_ =	shalt  }
0x5e: {  	_ =	shalt  }
0x5f: {  	_ =	shalt  }
0x60: {  	_ =	shalt  }
0x61: {  	_ =	shalt  }
0x62: {  	_ =	shalt  }
0x63: {  	_ =	shalt  }
0x64: {  	_ =	shalt  }
0x65: {  	_ =	shalt  }
0x66: {  	_ =	shalt  }
0x67: {  	_ =	shalt  }
0x68: {  	_ =	shalt  }
0x69: {  	_ =	shalt  }
0x6a: {  	_ =	shalt  }
0x6b: {  	_ =	shalt  }
0x6c: {  	_ =	shalt  }
0x6d: {  	_ =	shalt  }
0x6e: {  	_ =	shalt  }
0x6f: {  	_ =	shalt  }
0x70: {  	_ =	shalt  }
0x71: {  	_ =	shalt  }
0x72: {  	_ =	shalt  }
0x73: {  	_ =	shalt  }
0x74: {  	_ =	shalt  }
0x75: {  	_ =	shalt  }
0x76: {  	_ =	shalt  }
0x77: {  	_ =	shalt  }
0x78: {  	_ =	shalt  }
0x79: {  	_ =	shalt  }
0x7a: {  	_ =	shalt  }
0x7b: {  	_ =	shalt  }
0x7c: {  	_ =	shalt  }
0x7d: {  	_ =	shalt  }
0x7e: {  	_ =	shalt  }
0x7f: {  	_ =	shalt  }
0x80: {  	_ =	shalt  }
0x81: {  	_ =	shalt  }
0x82: {  	_ =	shalt  }
0x83: {  	_ =	shalt  }
0x84: {  	_ =	shalt  }
0x85: {  	_ =	shalt  }
0x86: {  	_ =	shalt  }
0x87: {  	_ =	shalt  }
.Lfunc_end0:
.L_simem_size_0:
called_computation_lowered:
.L_overlay_start_0:
0x88: {  	s2 =	sld [smem:$0x3FD9]  }
0x89: {  	s3 =	sld [smem:$0x3FFE];
	_ =	sdelay $0x1  }
0x8a: {  	s1 =	srdreg.scid  }
0x8b: {  	s0 =	sand.u32 $0x1, s1  }
0x8c: {  	s14 =	sshll.u32 s0, $0xA;
	s2 =	sadd.s32 s3, s2  }
0x8d: {  	s2 =	sadd.s32 s2, s14  }
0x8e: {  	[smem:$0x3FBE] =	sst s2  }
0x8f: {  	_ = 	snop  }
0x90: {  	s2 =	sld [smem:$0x3FD0];
	_ =	sdelay $0x2  }
0x91: {  	s15 =	simm.s32 $0xA;
	s4 =	simm.s32 $0x10  }
0x92: {  	[smem:s4], [sflag:s15] =	dma.local [hbm:s2], $0x1  }
0x93: {  	_ =	swait.eq [sflag:s15], $0x1  }
0x94: {  	[sflag:s15] =	ssyncset.done $0x0  }
0x95: {  	[sflag:s15] =	ssyncadd.s32 $0xFFFFFFFF  }
0x96: {  	s16 =	sld [smem:$0x10];
	(tm) =	ssettm $0x1  }
0x97: {  	s17 =	sld [smem:$0x3FFB];
	_ =	sdelay $0x3  }
0x98: {  	_ =	strace s17  }
0x99: {  	s3 =	sld [smem:$0x3FFC];
	_ =	sdelay $0x3  }
0x9a: {  	_ =	strace s3  }
0x9b: {  	s3 =	sld [smem:$0x3FFD];
	_ =	sdelay $0x3  }
0x9c: {  	_ =	strace s3  }
0x9d: {  	_ =	strace $0x8FFFFFFF  }
0x9e: {  	s18 =	sld [smem:$0x3FDB];
	_ =	sdelay $0x1  }
0x9f: {  	s19 =	simm.s32 $_scs_section_size  }
0xa0: {  	s5 =	simm.s32 $_size__tile_overlayer_lowered;
	s6 =	simm.s32 $_tile_overlayer_lowered  }
0xa1: {  	s22 =	simm.s32 $0x1BFF;
	s21 =	sshll.u32 s6, $0x1;
	s3 =	sadd.s32 s19, s18  }
0xa2: {  	s7 =	simm.s32 $0x0;
	s20 =	sshll.u32 s5, $0x1;
	s5 =	sadd.s32 s21, s3  }
0xa3: {  	[timem:s7], [sflag:s22] =	dma.local [hbm:s5], s20  }
0xa4: {  	_ =	swait.ge [sflag:s22], s20  }
0xa5: {  	s4 =	ssub.s32 $0x0, s20;
	[sflag:s22] =	ssyncset.done $0x0  }
0xa6: {  	[sflag:s22] =	ssyncadd.s32 s4;
	_ =	sdelay $0x1  }
0xa7: {  	s23 =	simm.s32 $0x1B8B  }
0xa8: {  	_ =	swait.ge [sflag:s23], $0x1  }
0xa9: {  	[sflag:s23] =	ssyncset.done $0x0  }
0xaa: {  	s25 =	simm.s32 $0x1B8E;
	s24 =	sld [smem:$0x3FFE];
	[sflag:s23] =	ssyncadd.s32 $0xFFFFFFFF  }
0xab: {  	s26 =	simm.s32 $execute0_lowered;
	[smem:$0x3FD2] =	sst s25  }
0xac: {  	s5 =	sshll.u32 s26, $0x1;
	_ =	strace $0x80000046;
	[dreg:$0x1] =	wrdreg $0xFFFFFFFF  }
0xad: {  	s28 =	simm.s32 $_size_execute0_lowered;
	s3 =	sadd.s32 s3, s5;
	[dreg:$0x0] =	wrdreg $0x0  }
0xae: {  	s5 =	sshll.u32 s28, $0x1;
	[dreg:$0x2] =	wrdreg s3  }
0xaf: {  	[dreg:$0x3] =	wrdreg s5  }
0xb0: {  	[dreg:$0x4] =	wrdreg $0xC0  }
0xb1: {  	_ =	task [dreg:s7], $0x5FFFF  }
0xb2: {  	[dreg:$0x1] =	wrdreg $0xFFFFFFFF  }
0xb3: {  	[dreg:$0x0] =	wrdreg $0x60  }
0xb4: {  	[dreg:$0x2] =	wrdreg s16  }
0xb5: {  	[dreg:$0x3] =	wrdreg s24  }
0xb6: {  	[dreg:$0x4] =	wrdreg $0x92800  }
0xb7: {  	[dreg:$0x5] =	wrdreg $0x1D2800  }
0xb8: {  	[dreg:$0x6] =	wrdreg $0x9  }
0xb9: {  	_ =	task.clear_ibuf [dreg:s7], $0x7FFFF;
	_ =	strace $0x90000046  }
0xba: {  	s29 =	simm.s32 $0x9;
	_ =	strace $0x80000048  }
0xbb: {  	_ =	swait.ge [sflag:s29], $0x1  }
0xbc: {  	[sflag:s29] =	ssyncadd.s32 $0xFFFFFFFF  }
0xbd: {  	_ =	strace $0x90000048  }
0xbe: {  	_ =	sfence  }
0xbf: {  	s30 =	sld [smem:$0x0];
	_ =	sdelay $0x2  }
0xc0: {  	s31 =	sshll.u32 s1, $0xD;
	s1 =	sshrl.u32 s1, $0x2  }
0xc1: {  	s3 =	sand.u32 $0x4000, s31;
	s1 =	sadd.s32 s1, s30  }
0xc2: {  	s0 =	sor.u32 s3, s0;
	s1 =	sshll.u32 s1, $0x11  }
0xc3: {  	s0 =	sor.u32 s1, s0  }
0xc4: {  	s0 =	sadd.s32 $0x8F2B, s0  }
0xc5: {  	[sflag:s0] =	ssyncadd.remote.s32 $0x1  }
0xc6: {  	_ =	sfence.sel $0xFFFF  }
0xc7: {  	[dreg:$0x0] =	wrdreg $0xFFFFFFFF;
	(pc) =	sbr.abs _section_cstart, $3  }
0xc8: {  	[dreg:$0x1] =	wrdreg $0xFFFFFFFF  }
0xc9: {  	_ =	task.clear_ibuf [dreg:s7], $0x2FFFF;
	_ =	strace $0x9FFFFFFF  }
0xca: {  	(tm) =	ssettm $0x7FFFFFFF  }
0xcb: {  	_ =	shalt  }
tec
execute0_lowered:
.L_overlay_start_1:
0x0: {  	(tag) =	ssettag $0x1  }
0x1: {  	s19 =	rddreg [dreg:$0x0]  }
0x2: {  	s0 =	rddreg [dreg:$0x1]  }
0x3: {  	s2 =	rddreg [dreg:$0x2]  }
0x4: {  	s3 =	rddreg [dreg:$0x3];
	s5 =	simm.s32 $0x0;
	s14 =	stileid.u32  }
0x5: {  	[smem:$0x7FF] =	sst s5;
	s6 =	sadd.s32 $0x24B400, s0;
	s4 =	smul.u32 $0xA00, s14  }
0x6: {  	s1 =	srdreg.scid;
	s7 =	sadd.s32 $0x224200, s0;
	s9 =	sadd.s32 $0x112A00, s0  }
0x7: {  	s1 =	sand.u32 $0x1, s1;
	s16 =	smul.u32 $0x14000, s14;
	s17 =	sadd.s32 $0x252C00, s0  }
0x8: {  	s8 =	sadd.s32 $0x1200, s0;
	s24 =	smul.u32 $0x50000, s14;
	_ =	strace $0x80000047  }
0x9: {  	s10 =	smul.u32 $0xA000, s1;
	s11 =	sshll.u32 s1, $0x4;
	s12 =	ssub.s32 $0x2, s1  }
0xa: {  	s1 =	smul.u32 $0x140000, s1;
	s11 =	sor.u32 s14, s11;
	s18 =	sadd.s32 $0x13800, s16  }
0xb: {  	s3 =	sadd.s32 s4, s3;
	s10 =	sadd.s32 s4, s10;
	s11 =	smul.u32 $0x13E0, s11  }
0xc: {  	s15 =	sadd.s32 s18, s2;
	s23 =	sadd.s32 s1, s18;
	[dreg:$0x6] =	wrdreg s3  }
0xd: {  	s4 =	sshrl.u32 s23, $0x3;
	[dreg:$0x5] =	wrdreg s15;
	s25 =	sadd.s32 $0x30, s11  }
0xe: {  	s20 =	sshrl.u32 s11, $0x3;
	s11 =	sadd.s32 $0x60, s11;
	[dreg:$0x9] =	wrdreg s25  }
0xf: {  	s13 =	sshrl.u32 s12, $0x1;
	s4 =	sadd.s32 s17, s4;
	[dreg:$0xa] =	wrdreg s11  }
0x10: {  	s10 =	sshrl.u32 s10, $0x3;
	s21 =	sadd.s32 s19, s20;
	[dreg:$0xb] =	wrdreg s4  }
0x11: {  	s0 =	sadd.s32 s10, s0;
	s22 =	sadd.s32 s6, s20;
	[dreg:$0x7] =	wrdreg s21  }
0x12: {  	s10 =	ssub.s32 s12, s13;
	s0 =	sadd.s32 $0x250400, s0;
	[dreg:$0x8] =	wrdreg s22  }
0x13: {  	s26 =	sshrl.u32 s24, $0x2;
	s10 =	smax.u32 s10, $0x1;
	[dreg:$0xc] =	wrdreg s0  }
0x14: {  	s4 =	sadd.s32 s26, s2;
	[dreg:$0xd] =	wrdreg s10  }
0x15: {  	s12 =	sadd.s32 $0x1800, s4;
	[dreg:$0xe] =	wrdreg s4  }
0x16: {  	s13 =	sadd.s32 $0x3000, s4;
	[dreg:$0xf] =	wrdreg s12  }
0x17: {  	s28 =	simm.s32 $0x7A80;
	s14 =	sadd.s32 $0x4800, s4;
	[dreg:$0x10] =	wrdreg s13  }
0x18: {  	s11 =	sadd.s32 s16, s1;
	s16 =	sadd.s32 $0x6000, s4;
	[dreg:$0x11] =	wrdreg s14  }
0x19: {  	s29 =	simm.s32 $0x4A80;
	s18 =	sadd.s32 $0x9000, s4;
	[dreg:$0x12] =	wrdreg s16  }
0x1a: {  	s30 =	simm.s32 $0x200;
	s20 =	sadd.s32 $0xA800, s4;
	[dreg:$0x14] =	wrdreg s18  }
0x1b: {  	s31 =	simm.s32 $0x3;
	s21 =	sadd.s32 $0xC000, s4;
	[dreg:$0x15] =	wrdreg s20  }
0x1c: {  	s1 =	simm.s32 $0x0;
	s22 =	sadd.s32 $0xD800, s4;
	[dreg:$0x16] =	wrdreg s21  }
0x1d: {  	v0 =	vlaneseq.u32;
	v2 =	vimm.f32 $0.0e+00;
	s0 =	sshrl.u32 s11, $0x3;
	s23 =	sadd.s32 $0xF000, s4;
	[dreg:$0x17] =	wrdreg s22  }
0x1e: {  	vm0 =	vmmov $0x1;
	vm1 =	vcmask $0x310;
	v1 =	vmul.u32 $0x80, v0;
	s25 =	sadd.s32 $0x10800, s4;
	s26 =	sadd.s32 $0x12000, s4;
	[dreg:$0x18] =	wrdreg s23  }
0x1f: {  	vm2 =	vcmask $0x710;
	vm3 =	vcmask $0xB10;
	v6 =	vor.u32 $0x10, v0;
	s24 =	sadd.s32 s0, s17;
	s17 =	sadd.s32 $0x7800, s4;
	[dreg:$0x19] =	wrdreg s25  }
0x20: {  	v11 =	vor.u32 $0x20, v0;
	v3 =	vor.u32 $0x1, v1;
	v4 =	vor.u32 $0x2, v1;
	[dreg:$0x1a] =	wrdreg s26;
	s12 =	simm.s32 $0x6280;
	s13 =	simm.s32 $0x4  }
0x21: {  	v5 =	vor.u32 $0x3, v1;
	v7 =	vor.u32 $0x800, v1;
	v8 =	vor.u32 $0x801, v1;
	s16 =	simm.s32 $0x100;
	s18 =	simm.s32 $0x30;
	s21 =	simm.s32 $0x1A80  }
0x22: {  	v9 =	vor.u32 $0x802, v1;
	v10 =	vor.u32 $0x803, v1;
	v12 =	vor.u32 $0x1000, v1;
	s22 =	simm.s32 $0x3280;
	s23 =	simm.s32 $0x2;
	s25 =	simm.s32 $0x80  }
0x23: {  	v13 =	vor.u32 $0x1001, v1;
	v14 =	vor.u32 $0x1002, v1;
	v15 =	vor.u32 $0x1003, v1;
	s26 =	simm.s32 $0x180;
	[dreg:$0x13] =	wrdreg s17;
	s17 =	simm.s32 $0x1  }
.LBB2_1:
0x24: {  	[dreg:$0x1b] =	wrdreg s1;
	s0 =	simm.s32 $0x0;
	s1 =	simm.s32 $0x200  }
.LBB2_2:
0x25: {  	p0 =	sne.s32 s1, $0x5E00;
	[tilespmem:s0+$0x62F0] =	vst v2  }
0x26: {  	[tilespmem:s0+$0x6280] =	vst v2  }
0x27: {  	[tilespmem:s0+$0x6290] =	vst v2  }
.Ltmp0:
0x28: {  	[tilespmem:s0+$0x62A0] =	vst v2;
	(pc) =	sbr.rel @p0 .LBB2_2-.Ltmp0, $4  }
0x29: {  	[tilespmem:s0+$0x62B0] =	vst v2  }
0x2a: {  	[tilespmem:s0+$0x62C0] =	vst v2  }
0x2b: {  	[tilespmem:s0+$0x62D0] =	vst v2  }
0x2c: {  	[tilespmem:s0+$0x62E0] =	vst v2;
	s0 =	sshra.s32 s1, $0x2;
	s1 =	sadd.s32 $0x200, s1  }
0x2d: {  	[tilespmem:s0+$0x62F0] =	vst v2  }
0x2e: {  	[tilespmem:s0+$0x6280] =	vst v2  }
0x2f: {  	[tilespmem:s0+$0x6290] =	vst v2  }
0x30: {  	[tilespmem:s0+$0x62A0] =	vst v2  }
0x31: {  	[tilespmem:s0+$0x62B0] =	vst v2  }
0x32: {  	[tilespmem:s0+$0x62C0] =	vst v2  }
0x33: {  	[tilespmem:s0+$0x62D0] =	vst v2  }
0x34: {  	[tilespmem:s0+$0x62E0] =	vst v2  }
0x35: {  	[spmem:s4] =	stream.linear.scatter [tilespmem:s12], [sflag:$0x4], $0x1800, $0x38;
	[tilespmem:$0x1DC80] =	vst v63  }
0x36: {  	_ =	swait.ge [sflag:s13], $0x1800  }
0x37: {  	[sflag:s13] =	ssyncset.done $0x0  }
0x38: {  	s2 =	rddreg [dreg:$0xf];
	[sflag:s13] =	ssyncadd.s32 $0xFFFFE800  }
0x39: {  	[spmem:s2] =	stream.linear.scatter [tilespmem:s12], [sflag:$0x4], $0x1800, $0x38;
	[tilespmem:$0x1DC80] =	vst v63  }
0x3a: {  	_ =	swait.ge [sflag:s13], $0x1800  }
0x3b: {  	[sflag:s13] =	ssyncset.done $0x0  }
0x3c: {  	s4 =	rddreg [dreg:$0x10];
	[sflag:s13] =	ssyncadd.s32 $0xFFFFE800  }
0x3d: {  	[spmem:s4] =	stream.linear.scatter [tilespmem:s12], [sflag:$0x4], $0x1800, $0x38;
	[tilespmem:$0x1DC80] =	vst v63  }
0x3e: {  	_ =	swait.ge [sflag:s13], $0x1800  }
0x3f: {  	[sflag:s13] =	ssyncset.done $0x0  }
0x40: {  	s10 =	rddreg [dreg:$0x11];
	[sflag:s13] =	ssyncadd.s32 $0xFFFFE800  }
0x41: {  	[spmem:s10] =	stream.linear.scatter [tilespmem:s12], [sflag:$0x4], $0x1800, $0x38;
	[tilespmem:$0x1DC80] =	vst v63  }
0x42: {  	_ =	swait.ge [sflag:s13], $0x1800  }
0x43: {  	[sflag:s13] =	ssyncset.done $0x0  }
0x44: {  	s11 =	rddreg [dreg:$0x12];
	[sflag:s13] =	ssyncadd.s32 $0xFFFFE800  }
0x45: {  	[spmem:s11] =	stream.linear.scatter [tilespmem:s12], [sflag:$0x4], $0x1800, $0x38;
	[tilespmem:$0x1DC80] =	vst v63  }
0x46: {  	_ =	swait.ge [sflag:s13], $0x1800  }
0x47: {  	[sflag:s13] =	ssyncset.done $0x0  }
0x48: {  	s14 =	rddreg [dreg:$0x13];
	[sflag:s13] =	ssyncadd.s32 $0xFFFFE800  }
0x49: {  	[spmem:s14] =	stream.linear.scatter [tilespmem:s12], [sflag:$0x4], $0x1800, $0x38;
	[tilespmem:$0x1DC80] =	vst v63  }
0x4a: {  	_ =	swait.ge [sflag:s13], $0x1800  }
0x4b: {  	[sflag:s13] =	ssyncset.done $0x0  }
0x4c: {  	s20 =	rddreg [dreg:$0x14];
	[sflag:s13] =	ssyncadd.s32 $0xFFFFE800  }
0x4d: {  	[spmem:s20] =	stream.linear.scatter [tilespmem:s12], [sflag:$0x4], $0x1800, $0x38;
	[tilespmem:$0x1DC80] =	vst v63  }
0x4e: {  	_ =	swait.ge [sflag:s13], $0x1800  }
0x4f: {  	[sflag:s13] =	ssyncset.done $0x0  }
0x50: {  	s1 =	rddreg [dreg:$0x15];
	[sflag:s13] =	ssyncadd.s32 $0xFFFFE800  }
0x51: {  	[spmem:s1] =	stream.linear.scatter [tilespmem:s12], [sflag:$0x4], $0x1800, $0x38;
	[tilespmem:$0x1DC80] =	vst v63  }
0x52: {  	_ =	swait.ge [sflag:s13], $0x1800  }
0x53: {  	[sflag:s13] =	ssyncset.done $0x0  }
0x54: {  	s2 =	rddreg [dreg:$0x16];
	[sflag:s13] =	ssyncadd.s32 $0xFFFFE800  }
0x55: {  	[spmem:s2] =	stream.linear.scatter [tilespmem:s12], [sflag:$0x4], $0x1800, $0x38;
	[tilespmem:$0x1DC80] =	vst v63  }
0x56: {  	_ =	swait.ge [sflag:s13], $0x1800  }
0x57: {  	[sflag:s13] =	ssyncset.done $0x0  }
0x58: {  	s4 =	rddreg [dreg:$0x17];
	[sflag:s13] =	ssyncadd.s32 $0xFFFFE800  }
0x59: {  	[spmem:s4] =	stream.linear.scatter [tilespmem:s12], [sflag:$0x4], $0x1800, $0x38;
	[tilespmem:$0x1DC80] =	vst v63  }
0x5a: {  	_ =	swait.ge [sflag:s13], $0x1800  }
0x5b: {  	[sflag:s13] =	ssyncset.done $0x0  }
0x5c: {  	s10 =	rddreg [dreg:$0x18];
	[sflag:s13] =	ssyncadd.s32 $0xFFFFE800  }
0x5d: {  	[spmem:s10] =	stream.linear.scatter [tilespmem:s12], [sflag:$0x4], $0x1800, $0x38;
	[tilespmem:$0x1DC80] =	vst v63  }
0x5e: {  	_ =	swait.ge [sflag:s13], $0x1800  }
0x5f: {  	[sflag:s13] =	ssyncset.done $0x0  }
0x60: {  	s11 =	rddreg [dreg:$0x19];
	[sflag:s13] =	ssyncadd.s32 $0xFFFFE800  }
0x61: {  	[spmem:s11] =	stream.linear.scatter [tilespmem:s12], [sflag:$0x4], $0x1800, $0x38;
	[tilespmem:$0x1DC80] =	vst v63  }
0x62: {  	_ =	swait.ge [sflag:s13], $0x1800  }
0x63: {  	[sflag:s13] =	ssyncset.done $0x0  }
0x64: {  	s14 =	rddreg [dreg:$0x1a];
	[sflag:s13] =	ssyncadd.s32 $0xFFFFE800  }
0x65: {  	[spmem:s14] =	stream.linear.scatter [tilespmem:s12], [sflag:$0x4], $0x1800, $0x38;
	[tilespmem:$0x1DC80] =	vst v63  }
0x66: {  	_ =	swait.ge [sflag:s13], $0x1800  }
0x67: {  	[sflag:s13] =	ssyncset.done $0x0  }
0x68: {  	[sflag:s13] =	ssyncadd.s32 $0xFFFFE800  }
0x69: {  	[spmem:s15] =	stream.linear.scatter [tilespmem:s12], [sflag:$0x4], $0x800, $0x38;
	[tilespmem:$0x1DC80] =	vst v63  }
0x6a: {  	_ =	swait.ge [sflag:s13], $0x800  }
0x6b: {  	[sflag:s13] =	ssyncset.done $0x0  }
0x6c: {  	[sflag:s13] =	ssyncadd.s32 $0xFFFFF800  }
0x6d: {  	[spmem:s3] =	stream.linear.scatter [tilespmem:s12], [sflag:$0x4], $0xA00, $0x38;
	[tilespmem:$0x1DC80] =	vst v63  }
0x6e: {  	_ =	swait.ge [sflag:s13], $0xA00  }
0x6f: {  	[sflag:s13] =	ssyncset.done $0x0  }
0x70: {  	[sflag:s13] =	ssyncadd.s32 $0xFFFFF600  }
0x71: {  	[bflag:$0x0] =	sbarrier.arrive $0xFFFF  }
0x72: {  	s4 =	simm.s32 $0x0;
	s15 =	rddreg [dreg:$0x7]  }
0x73: {  	[tilespmem:s4], [sflag:$0x1] =	stream.linear.gather [hbm4b:s15+s4], $0x30, $0x38;
	[tilespmem:$0x1DC80] =	vst v63  }
0x74: {  	s20 =	rddreg [dreg:$0x8]  }
0x75: {  	[tilespmem:s16], [sflag:$0x1] =	stream.linear.gather [hbm4b:s20+s4], $0x30, $0x38;
	[tilespmem:$0x1DC80] =	vst v63  }
.LBB2_4:
0x76: {  	_ =	swait.ge [sflag:s17], $0x30  }
0x77: {  	[sflag:s17] =	ssyncset.done $0x0  }
0x78: {  	[sflag:s17] =	ssyncadd.s32 $0xFFFFFFD0  }
0x79: {  	_ =	swait.ge [sflag:s17], $0x30  }
0x7a: {  	[sflag:s17] =	ssyncset.done $0x0  }
0x7b: {  	s0 =	simm.s32 $0x280;
	[sflag:s17] =	ssyncadd.s32 $0xFFFFFFD0  }
0x7c: {  	[tilespmem:s0], [sflag:$0x2] =	stream.indirect.gather [hbm4b:s7+s18], $0x80, s5, s18, $0xb8;
	[tilespmem:$0x1DC80] =	vst v63  }
0x7d: {  	p0 =	seq.s32 s4, $0x0  }
0x7e: {  	[tilespmem:s21], [sflag:$0x2] =	stream.indirect.gather [hbm4b:s8+s18], $0x80, s16, s18, $0xb8;
	[tilespmem:$0x1DC80] =	vst v63  }
0x7f: {  	s0 =	simm.s32 @!p0 $0x3  }
0x80: {  	[tilespmem:s22], [sflag:$0x2] =	stream.indirect.gather [hbm4b:s9+s18], $0x80, s16, s18, $0xb8;
	[tilespmem:$0x1DC80] =	vst v63  }
0x81: {  	_ =	swait.ge @!p0 [sflag:s0], $0x1800  }
0x82: {  	[sflag:s0] =	ssyncset.done @!p0 $0x0  }
0x83: {  	[sflag:s0] =	ssyncadd.s32 @!p0 $0xFFFFE800  }
0x84: {  	_ =	swait.ge @!p0 [sflag:s0], $0x1800  }
0x85: {  	[sflag:s0] =	ssyncset.done @!p0 $0x0  }
0x86: {  	s1 =	simm.s32 $0x200;
	[sflag:s0] =	ssyncadd.s32 @!p0 $0xFFFFE800;
	s0 =	simm.s32 $0x0  }
.LBB2_5:
0x87: {  	p0 =	sne.s32 s1, $0x5E00;
	[tilespmem:s0+$0x62F0] =	vst v2  }
0x88: {  	[tilespmem:s0+$0x6280] =	vst v2  }
0x89: {  	[tilespmem:s0+$0x6290] =	vst v2  }
.Ltmp1:
0x8a: {  	[tilespmem:s0+$0x62A0] =	vst v2;
	(pc) =	sbr.rel @p0 .LBB2_5-.Ltmp1, $4  }
0x8b: {  	[tilespmem:s0+$0x62B0] =	vst v2  }
0x8c: {  	[tilespmem:s0+$0x62C0] =	vst v2  }
0x8d: {  	[tilespmem:s0+$0x62D0] =	vst v2  }
0x8e: {  	[tilespmem:s0+$0x62E0] =	vst v2;
	s0 =	sshra.s32 s1, $0x2;
	s1 =	sadd.s32 $0x200, s1  }
0x8f: {  	[tilespmem:s0+$0x62F0] =	vst v2  }
0x90: {  	[tilespmem:s0+$0x6280] =	vst v2  }
0x91: {  	[tilespmem:s0+$0x6290] =	vst v2  }
0x92: {  	[tilespmem:s0+$0x62A0] =	vst v2  }
0x93: {  	[tilespmem:s0+$0x62B0] =	vst v2  }
0x94: {  	[tilespmem:s0+$0x62C0] =	vst v2  }
0x95: {  	[tilespmem:s0+$0x62D0] =	vst v2  }
0x96: {  	[tilespmem:s0+$0x62E0] =	vst v2  }
0x97: {  	_ =	swait.ge [sflag:s23], $0x1800  }
0x98: {  	[sflag:s23] =	ssyncset.done $0x0  }
0x99: {  	[sflag:s23] =	ssyncadd.s32 $0xFFFFE800  }
0x9a: {  	_ =	swait.ge [sflag:s23], $0x1800  }
0x9b: {  	[sflag:s23] =	ssyncset.done $0x0  }
0x9c: {  	[sflag:s23] =	ssyncadd.s32 $0xFFFFE800  }
0x9d: {  	s10 =	smul.u32 $0x60, s4;
	_ =	swait.ge [sflag:s23], $0x1800  }
0x9e: {  	s2 =	rddreg [dreg:$0x9]  }
0x9f: {  	s0 =	sadd.s32 s10, s2  }
0xa0: {  	[sflag:s23] =	ssyncset.done $0x0;
	s0 =	sshrl.u32 s0, $0x3  }
0xa1: {  	s11 =	simm.s32 $0x0;
	[sflag:s23] =	ssyncadd.s32 $0xFFFFE800;
	s1 =	sadd.s32 s19, s0  }
0xa2: {  	[tilespmem:s25], [sflag:$0x1] =	stream.linear.gather [hbm4b:s1+s11], $0x30, $0x38;
	[tilespmem:$0x1DC80] =	vst v63  }
0xa3: {  	s0 =	sadd.s32 s6, s0  }
0xa4: {  	[tilespmem:s26], [sflag:$0x1] =	stream.linear.gather [hbm4b:s0+s11], $0x30, $0x38;
	[tilespmem:$0x1DC80] =	vst v63  }
0xa5: {  	s11 =	simm.s32 $0x0  }
0xa6: {  	v16 =	vld [tilespmem:s11+$0x2C0]  }
0xa7: {  	v17 =	vld [tilespmem:s11+$0x1AC0]  }
0xa8: {  	v18 =	vld [tilespmem:s11+$0x2D0]  }
0xa9: {  	v19 =	vld [tilespmem:s11+$0x1AD0]  }
0xaa: {  	v20 =	vld [tilespmem:s11+$0x2E0]  }
0xab: {  	v21 =	vld [tilespmem:s11+$0x2A0]  }
0xac: {  	v22 =	vld [tilespmem:s11+$0x1AA0]  }
0xad: {  	v23 =	vld [tilespmem:s11+$0x2B0]  }
0xae: {  	v24 =	vld [tilespmem:s11+$0x1AB0]  }
0xaf: {  	v25 =	vld [tilespmem:s11+$0x280]  }
0xb0: {  	v26 =	vld [tilespmem:s11+$0x1A80]  }
0xb1: {  	v27 =	vld [tilespmem:s11+$0x290]  }
0xb2: {  	v28 =	vld [tilespmem:s11+$0x1A90]  }
0xb3: {  	v32 =	vld [tilespmem:s11+$0x1AE0]  }
0xb4: {  	v33 =	vld [tilespmem:s11+$0x2F0]  }
0xb5: {  	v16 =	vmul.f32 v17, v16;
	v17 =	vmul.f32 v19, v18;
	v18 =	vld [tilespmem:s11+$0x1AF0]  }
0xb6: {  	v30 =	vld [tilespmem:s11+$0x3280];
	v19 =	vmul.f32 v22, v21;
	v21 =	vmul.f32 v24, v23  }
0xb7: {  	v31 =	vld [tilespmem:s11+$0x3290];
	v22 =	vmul.f32 v28, v27;
	v16 =	vadd.f32 v17, v16;
	v17 =	vmul.f32 v26, v25  }
0xb8: {  	s20 =	smov.u32 s19;
	s19 =	simm.s32 $0x80;
	v29 =	vld [tilespmem:s11+$0x32A0];
	v19 =	vadd.f32 v21, v19  }
0xb9: {  	v49 =	vld [tilespmem:s19+$0x1AA0];
	(xrf2) =	vadd.scan.msk.f32 $0xffff, v16;
	v16 =	vadd.f32 v22, v17  }
0xba: {  	v50 =	vld [tilespmem:s19+$0x2B0];
	v17 =	vmul.f32 v32, v20;
	(xrf2) =	vadd.scan.msk.f32 $0xffff, v19;
	v18 =	vmul.f32 v18, v33  }
0xbb: {  	v35 =	vld [tilespmem:s19+$0x1AB0];
	(xrf2) =	vadd.scan.msk.f32 $0xffff, v16  }
0xbc: {  	v51 =	vld [tilespmem:s19+$0x280];
	v16 =	vadd.f32 v18, v17  }
0xbd: {  	v36 =	vld [tilespmem:s19+$0x1A80]  }
0xbe: {  	v37 =	vld [tilespmem:s19+$0x290];
	(xrf2) =	vadd.scan.msk.f32 $0xffff, v16  }
0xbf: {  	v38 =	vld [tilespmem:s19+$0x1AE0]  }
0xc0: {  	v39 =	vld [tilespmem:s19+$0x2F0]  }
0xc1: {  	s0 =	simm.s32 $0x100;
	v40 =	vld [tilespmem:s19+$0x1AF0]  }
0xc2: {  	v53 =	vld [tilespmem:s0+$0x2C0]  }
0xc3: {  	v41 =	vld [tilespmem:s0+$0x1AC0];
	v21, _, _ =	vpop (xrf2)  }
0xc4: {  	v42 =	vld [tilespmem:s0+$0x2D0];
	v23, _, _ =	vpop (xrf2)  }
0xc5: {  	v19 =	vld [tilespmem:s19+$0x1AD0];
	v34, _, _ =	vpop (xrf2)  }
0xc6: {  	v17 =	vld [tilespmem:s19+$0x2C0];
	(v2sf) =	vpush v34, $0xF  }
0xc7: {  	v18 =	vld [tilespmem:s19+$0x2D0];
	(v2sf) =	vpush v23, $0xF  }
0xc8: {  	v16 =	vld [tilespmem:s19+$0x1AC0];
	(v2sf) =	vpush v21, $0xF;
	v21, _, _ =	vpop (xrf2)  }
0xc9: {  	v22 =	vld [tilespmem:s19+$0x2A0];
	(v2sf) =	vpush v21, $0xF  }
0xca: {  	v21 =	vld [tilespmem:s19+$0x1A90]  }
0xcb: {  	v43 =	vld [tilespmem:s0+$0x1AD0]  }
0xcc: {  	v27 =	vld [tilespmem:s11+$0x32C0]  }
0xcd: {  	v20 =	vld [tilespmem:s19+$0x2E0];
	v16 =	vmul.f32 v16, v17;
	v17 =	vmul.f32 v19, v18  }
0xce: {  	v28 =	vld [tilespmem:s11+$0x32E0];
	v18 =	vmul.f32 v49, v22;
	v19 =	vmul.f32 v35, v50  }
0xcf: {  	v24 =	vld [tilespmem:s11+$0x32F0];
	v22 =	vmul.f32 v36, v51;
	v17 =	vadd.f32 v17, v16;
	v21 =	vmul.f32 v21, v37  }
0xd0: {  	v52 =	vmul.f32 v40, v39;
	v39 =	vld [tilespmem:s0+$0x290];
	v18 =	vadd.f32 v19, v18  }
0xd1: {  	v25 =	vld [tilespmem:s11+$0x32B0];
	(xrf2) =	vadd.scan.msk.f32 $0xffff, v17;
	v21 =	vadd.f32 v21, v22  }
0xd2: {  	v26 =	vld [tilespmem:s11+$0x32D0];
	(xrf2) =	vadd.scan.msk.f32 $0xffff, v18;
	v22 =	vmul.f32 v38, v20  }
0xd3: {  	v33 =	vld [tilespmem:s0+$0x2A0];
	(xrf2) =	vadd.scan.msk.f32 $0xffff, v21  }
0xd4: {  	v35 =	vld [tilespmem:s0+$0x2B0];
	v32 =	vadd.f32 v52, v22  }
0xd5: {  	v16 =	vld [tilespmem:s19+$0x3290];
	s3 =	spop (v2sf)  }
0xd6: {  	v19 =	vld [tilespmem:s19+$0x32A0];
	(xrf2) =	vadd.scan.msk.f32 $0xffff, v32;
	s1 =	smul.f32 $1.767766920e-01, s3;
	s2 =	spop (v2sf)  }
0xd7: {  	v34 =	vld [tilespmem:s0+$0x1AA0];
	s2 =	smul.f32 $1.767766920e-01, s2;
	s3 =	spop (v2sf)  }
0xd8: {  	v23 =	vld [tilespmem:s19+$0x3280];
	v54 =	vmov s1;
	s1 =	smul.f32 $1.767766920e-01, s3;
	s14 =	spop (v2sf)  }
0xd9: {  	v17 =	vld [tilespmem:s19+$0x32B0];
	v55 =	vmul.f32 $1.442695020e+00, v54;
	v56 =	vmov s2;
	s15 =	smul.f32 $1.767766920e-01, s14  }
0xda: {  	v18 =	vld [tilespmem:s19+$0x32C0];
	v57 =	vmul.f32 $1.442695020e+00, v56;
	v58 =	vmov s1  }
0xdb: {  	v37 =	vld [tilespmem:s0+$0x1AB0];
	v59, _, _ =	vpop (xrf2);
	v60 =	vbroadcast v55, $0x0;
	v36 =	vmul.f32 $1.442695020e+00, v58;
	v61 =	vmov s15  }
0xdc: {  	v20 =	vld [tilespmem:s19+$0x32D0];
	v44, _, _ =	vpop (xrf2);
	v45 =	vbroadcast v57, $0x0;
	v38 =	vmul.f32 $1.442695020e+00, v61  }
0xdd: {  	v21 =	vld [tilespmem:s19+$0x32E0];
	v46, _, _ =	vpop (xrf2);
	v47 =	vbroadcast v36, $0x0;
	(erf) = vpow2.f32 v60  }
0xde: {  	v22 =	vld [tilespmem:s19+$0x32F0];
	(v2sf) =	vpush v46, $0xF;
	v62 =	vbroadcast v38, $0x0;
	(erf) = vpow2.f32 v45  }
0xdf: {  	v32 =	vld [tilespmem:s0+$0x2E0];
	(v2sf) =	vpush v44, $0xF;
	(erf) = vpow2.f32 v47  }
0xe0: {  	v36 =	vld [tilespmem:s0+$0x280];
	v63, _, _ =	vpop (xrf2);
	(v2sf) =	vpush v59, $0xF;
	(erf) = vpow2.f32 v62  }
0xe1: {  	v40 =	vmul.f32 v41, v53;
	v41 =	vmul.f32 v43, v42;
	s1 =	simm.s32 $0x600;
	v38 =	vld [tilespmem:s0+$0x1A80];
	(v2sf) =	vpush v63, $0xF  }
.LBB2_7:
0xe2: {  	p0 =	sne.s32 s1, $0x5E00;
	v42 =	vld [tilespmem:s0+$0x1A90]  }
0xe3: {  	v40 =	vadd.f32 v41, v40;
	v41 =	vld [tilespmem:s0+$0x1AE0]  }
0xe4: {  	v33 =	vmul.f32 v34, v33;
	v44 =	vmul.f32 v37, v35;
	v35 =	vld [tilespmem:s0+$0x2F0]  }
0xe5: {  	v37 =	vld [tilespmem:s0+$0x1AF0];
	(xrf2) =	vadd.scan.msk.f32 $0xffff, v40  }
0xe6: {  	v33 =	vadd.f32 v44, v33;
	v40 =	vld [tilespmem:s0+$0x3280];
	v34 =	vpop (erf)  }
0xe7: {  	v36 =	vmul.f32 v38, v36;
	v38 =	vmul.f32 v42, v39;
	v39 =	vld [tilespmem:s0+$0x3290];
	v45 =	vnsel vm0, $0x0, v34;
	v43 =	vpop (erf)  }
0xe8: {  	v46 =	vmul.f32 v34, v30;
	v31 =	vmul.f32 v34, v31;
	v44 =	vld [tilespmem:s0+$0x32A0];
	(xrf2) =	vadd.scan.msk.f32 $0xffff, v33;
	v33 =	vsel vm1, v45, v43;
	v34 =	vpop (erf)  }
0xe9: {  	v29 =	vmul.f32 v43, v29;
	v36 =	vadd.f32 v38, v36;
	v38 =	vld [tilespmem:s0+$0x32B0];
	v33 =	vsel vm2, v33, v34;
	v42 =	vpop (erf)  }
0xea: {  	v32 =	vmul.f32 v41, v32;
	v45 =	vld [tilespmem:s0+$0x32C0];
	v35 =	vmul.f32 v37, v35;
	[tilespmem:s11+$0x4A80] =	vst v46;
	v37 =	vsel vm3, v33, v42  }
0xeb: {  	v30 =	vmovc v23;
	v43 =	vmul.f32 v43, v25;
	v27 =	vmul.f32 v34, v27;
	v33 =	vld [tilespmem:s0+$0x32D0];
	(xrf2) =	vadd.scan.msk.f32 $0xffff, v36;
	[tilespmem:s11+$0x7A80] =	vst v37  }
0xec: {  	v34 =	vmul.f32 v34, v26;
	v36 =	vmul.f32 v42, v28;
	v32 =	vadd.f32 v35, v32;
	v35 =	vld [tilespmem:s0+$0x32E0];
	[tilespmem:s11+$0x4A90] =	vst v31  }
0xed: {  	s2 =	sshra.s32 s1, $0x2;
	v41 =	vmul.f32 v42, v24;
	v23 =	vmovc v40;
	v31 =	vmovc v16;
	v16 =	vmov v39;
	v37 =	vld [tilespmem:s0+$0x32F0];
	s3 =	spop (v2sf);
	[tilespmem:s11+$0x4AA0] =	vst v29;
	v29 =	vmov v19  }
0xee: {  	v25 =	vmovc v17;
	v19 =	vmov v44;
	v40 =	vld [tilespmem:s2+$0x2C0];
	(xrf2) =	vadd.scan.msk.f32 $0xffff, v32;
	s3 =	smul.f32 $1.767766920e-01, s3;
	s14 =	spop (v2sf);
	[tilespmem:s11+$0x4AB0] =	vst v43;
	v17 =	vmov v38  }
0xef: {  	v26 =	vmov v20;
	v42 =	vld [tilespmem:s2+$0x1AC0];
	v39, _, _ =	vpop (xrf2);
	s14 =	smul.f32 $1.767766920e-01, s14;
	s15 =	spop (v2sf);
	[tilespmem:s11+$0x4AC0] =	vst v27;
	v27 =	vmov v18;
	v18 =	vmov v45  }
0xf0: {  	v24 =	vmovc v22;
	v28 =	vmov v21;
	v43 =	vld [tilespmem:s2+$0x2D0];
	v32 =	vmov s3;
	s3 =	smul.f32 $1.767766920e-01, s15;
	s15 =	spop (v2sf);
	[tilespmem:s11+$0x4AD0] =	vst v34;
	v20 =	vmov v33  }
0xf1: {  	v44 =	vld [tilespmem:s2+$0x1AD0];
	v34 =	vmul.f32 $1.442695020e+00, v32;
	v33 =	vmov s14;
	s14 =	smul.f32 $1.767766920e-01, s15;
	[tilespmem:s11+$0x4AE0] =	vst v36;
	v21 =	vmov v35  }
0xf2: {  	v32 =	vld [tilespmem:s2+$0x2E0];
	v38, _, _ =	vpop (xrf2);
	v35 =	vmul.f32 $1.442695020e+00, v33;
	v36 =	vmov s3;
	[tilespmem:s11+$0x4AF0] =	vst v41;
	v22 =	vmov v37;
	s11 =	smov.u32 s19;
	s19 =	smov.u32 s0;
	s0 =	smov.u32 s2  }
0xf3: {  	v33 =	vld [tilespmem:s0+$0x2A0];
	v37 =	vbroadcast v34, $0x0;
	v36 =	vmul.f32 $1.442695020e+00, v36;
	v41 =	vmov s14  }
0xf4: {  	v34 =	vld [tilespmem:s0+$0x1AA0];
	v45 =	vbroadcast v35, $0x0;
	v41 =	vmul.f32 $1.442695020e+00, v41  }
.Ltmp2:
0xf5: {  	v35 =	vld [tilespmem:s0+$0x2B0];
	v46, _, _ =	vpop (xrf2);
	v47 =	vbroadcast v36, $0x0;
	(erf) = vpow2.f32 v37;
	(pc) =	sbr.rel @p0 .LBB2_7-.Ltmp2, $4  }
0xf6: {  	v37 =	vld [tilespmem:s0+$0x1AB0];
	(v2sf) =	vpush v46, $0xF;
	v41 =	vbroadcast v41, $0x0;
	(erf) = vpow2.f32 v45  }
0xf7: {  	v36 =	vld [tilespmem:s0+$0x280];
	(v2sf) =	vpush v38, $0xF;
	(erf) = vpow2.f32 v47  }
0xf8: {  	v38 =	vld [tilespmem:s0+$0x1A80];
	(v2sf) =	vpush v39, $0xF;
	v45, _, _ =	vpop (xrf2);
	(erf) = vpow2.f32 v41  }
0xf9: {  	s1 =	sadd.s32 $0x200, s1;
	v40 =	vmul.f32 v42, v40;
	v41 =	vmul.f32 v44, v43;
	v39 =	vld [tilespmem:s0+$0x290];
	(v2sf) =	vpush v45, $0xF  }
0xfa: {  	v42 =	vld [tilespmem:s0+$0x1A90];
	_ =	sdelay $0x1  }
0xfb: {  	v43 =	vld [tilespmem:s0+$0x1AE0]  }
0xfc: {  	v44 =	vld [tilespmem:s0+$0x2F0]  }
0xfd: {  	v45 =	vld [tilespmem:s0+$0x1AF0];
	v33 =	vmul.f32 v34, v33;
	v61 =	vmul.f32 v37, v35  }
0xfe: {  	v62 =	vadd.f32 v41, v40;
	v36 =	vmul.f32 v38, v36;
	v63 =	vmul.f32 v42, v39  }
0xff: {  	v33 =	vadd.f32 v61, v33  }
0x100: {  	(xrf2) =	vadd.scan.msk.f32 $0xffff, v62;
	v37 =	vadd.f32 v63, v36  }
0x101: {  	(xrf2) =	vadd.scan.msk.f32 $0xffff, v33  }
0x102: {  	v32 =	vmul.f32 v43, v32;
	v38 =	vmul.f32 v45, v44;
	(xrf2) =	vadd.scan.msk.f32 $0xffff, v37;
	_ =	sdelay $0x1  }
0x103: {  	v32 =	vadd.f32 v38, v32;
	_ =	sdelay $0x1  }
0x104: {  	(xrf2) =	vadd.scan.msk.f32 $0xffff, v32;
	_ =	sdelay $0x3  }
0x105: {  	v39, _, _ =	vpop (xrf2)  }
0x106: {  	v40, _, _ =	vpop (xrf2)  }
0x107: {  	v34, _, _ =	vpop (xrf2)  }
0x108: {  	(v2sf) =	vpush v34, $0xF  }
0x109: {  	(v2sf) =	vpush v40, $0xF;
	_ =	sdelay $0x1  }
0x10a: {  	s1 =	spop (v2sf);
	v41, _, _ =	vpop (xrf2);
	(v2sf) =	vpush v39, $0xF  }
0x10b: {  	s1 =	smul.f32 $1.767766920e-01, s1;
	(v2sf) =	vpush v41, $0xF;
	_ =	sdelay $0x1  }
0x10c: {  	v42 =	vmov s1  }
0x10d: {  	v32 =	vmul.f32 $1.442695020e+00, v42  }
0x10e: {  	s2 =	spop (v2sf)  }
0x10f: {  	v43 =	vpop (erf);
	s3 =	spop (v2sf);
	s2 =	smul.f32 $1.767766920e-01, s2;
	v32 =	vbroadcast v32, $0x0  }
0x110: {  	v30 =	vmul.f32 v43, v30;
	v47 =	vpop (erf);
	s15 =	spop (v2sf);
	s3 =	smul.f32 $1.767766920e-01, s3  }
0x111: {  	v31 =	vmul.f32 v43, v31;
	v48 =	vpop (erf);
	v44 =	vmov s2;
	s1 =	smul.f32 $1.767766920e-01, s15;
	(erf) = vpow2.f32 v32  }
0x112: {  	v33 =	vnsel vm0, $0x0, v43;
	v35 =	vmul.f32 $1.442695020e+00, v44;
	v45 =	vmov s3  }
0x113: {  	v43 =	vld [tilespmem:s0+$0x32C0];
	v29 =	vmul.f32 v47, v29;
	v37 =	vmul.f32 $1.442695020e+00, v45;
	v46 =	vmov s1  }
0x114: {  	v36 =	vld [tilespmem:s0+$0x3290];
	v35 =	vbroadcast v35, $0x0;
	v39 =	vmul.f32 $1.442695020e+00, v46  }
0x115: {  	v38 =	vld [tilespmem:s0+$0x32A0];
	v33 =	vsel vm1, v33, v47;
	v25 =	vmul.f32 v47, v25;
	v37 =	vbroadcast v37, $0x0;
	s3 =	spop (v2sf)  }
0x116: {  	v49 =	vsel vm2, v33, v48;
	v50 =	vpop (erf);
	v34 =	vld [tilespmem:s0+$0x3280];
	(erf) = vpow2.f32 v35;
	v51 =	vbroadcast v39, $0x0;
	s1 =	smul.f32 $1.767766920e-01, s3;
	s14 =	spop (v2sf)  }
0x117: {  	v27 =	vmul.f32 v48, v27;
	v32 =	vsel vm3, v49, v50;
	(erf) = vpow2.f32 v37;
	v41 =	vld [tilespmem:s0+$0x32B0];
	[tilespmem:s11+$0x4A80] =	vst v30;
	s2 =	smul.f32 $1.767766920e-01, s14  }
0x118: {  	v26 =	vmul.f32 v48, v26;
	v35 =	vld [tilespmem:s0+$0x32D0];
	[tilespmem:s11+$0x7A80] =	vst v32;
	(erf) = vpow2.f32 v51;
	s15 =	spop (v2sf);
	v52 =	vmov s1  }
0x119: {  	v28 =	vmul.f32 v50, v28;
	v30 =	vld [tilespmem:s0+$0x32E0];
	[tilespmem:s11+$0x4A90] =	vst v31;
	s14 =	smul.f32 $1.767766920e-01, s15;
	s15 =	spop (v2sf);
	v53 =	vmul.f32 $1.442695020e+00, v52;
	v54 =	vmov s2  }
0x11a: {  	v24 =	vmul.f32 v50, v24;
	v55 =	vld [tilespmem:s0+$0x32F0];
	[tilespmem:s11+$0x4AA0] =	vst v29;
	v62 =	vpop (erf);
	s3 =	smul.f32 $1.767766920e-01, s15;
	v32 =	vmul.f32 $1.442695020e+00, v54  }
0x11b: {  	[tilespmem:s11+$0x4AB0] =	vst v25;
	v23 =	vmul.f32 v62, v23;
	v56 =	vmov s14;
	v57 =	vbroadcast v53, $0x0  }
0x11c: {  	[tilespmem:s11+$0x4AC0] =	vst v27;
	v58 =	vmul.f32 $1.442695020e+00, v56;
	v59 =	vmov s3;
	v60 =	vbroadcast v32, $0x0  }
0x11d: {  	[tilespmem:s11+$0x4AD0] =	vst v26;
	v61 =	vmul.f32 $1.442695020e+00, v59;
	(erf) = vpow2.f32 v57  }
0x11e: {  	[tilespmem:s11+$0x4AE0] =	vst v28;
	v16 =	vmul.f32 v62, v16;
	v31 =	vbroadcast v58, $0x0  }
0x11f: {  	[tilespmem:s11+$0x4AF0] =	vst v24;
	v39 =	vpop (erf);
	v32 =	vbroadcast v61, $0x0;
	(erf) = vpow2.f32 v60  }
0x120: {  	v42 =	vpop (erf);
	v19 =	vmul.f32 v39, v19;
	[tilespmem:s19+$0x4A80] =	vst v23;
	(erf) = vpow2.f32 v31  }
0x121: {  	v17 =	vmul.f32 v39, v17;
	[tilespmem:s19+$0x4A90] =	vst v16;
	v45 =	vpop (erf);
	(erf) = vpow2.f32 v32  }
0x122: {  	v63 =	vnsel vm0, $0x0, v62;
	v16 =	vmul.f32 v42, v18;
	[tilespmem:s19+$0x4AA0] =	vst v19  }
0x123: {  	v40 =	vsel vm1, v63, v39;
	v47 =	vmul.f32 v42, v20;
	[tilespmem:s19+$0x4AB0] =	vst v17  }
0x124: {  	v44 =	vsel vm2, v40, v42;
	[tilespmem:s19+$0x4AC0] =	vst v16  }
0x125: {  	[tilespmem:s19+$0x4AD0] =	vst v47;
	v46 =	vsel vm3, v44, v45;
	v17 =	vmul.f32 v45, v21  }
0x126: {  	v48 =	vmul.f32 v45, v22;
	[tilespmem:s19+$0x7A80] =	vst v46;
	v16 =	vpop (erf)  }
0x127: {  	[tilespmem:s19+$0x4AE0] =	vst v17;
	v17 =	vmul.f32 v16, v34  }
0x128: {  	[tilespmem:s19+$0x4AF0] =	vst v48;
	v49 =	vnsel vm0, $0x0, v16;
	v50 =	vpop (erf);
	v16 =	vmul.f32 v16, v36  }
0x129: {  	v18 =	vsel vm1, v49, v50;
	v51 =	vpop (erf);
	v53 =	vmul.f32 v50, v38;
	[tilespmem:s0+$0x4A80] =	vst v17  }
0x12a: {  	v18 =	vsel vm2, v18, v51;
	v52 =	vpop (erf);
	[tilespmem:s0+$0x4A90] =	vst v16  }
0x12b: {  	v16 =	vmul.f32 v51, v43;
	v17 =	vsel vm3, v18, v52;
	[tilespmem:s0+$0x4AA0] =	vst v53  }
0x12c: {  	v54 =	vmul.f32 v51, v35;
	[tilespmem:s0+$0x7A80] =	vst v17  }
0x12d: {  	v17 =	vmul.f32 v50, v41;
	[tilespmem:s0+$0x4AC0] =	vst v16  }
0x12e: {  	v16 =	vmul.f32 v52, v55;
	[tilespmem:s0+$0x4AD0] =	vst v54  }
0x12f: {  	[tilespmem:s0+$0x4AB0] =	vst v17;
	v17 =	vmul.f32 v52, v30  }
0x130: {  	[tilespmem:s0+$0x4AF0] =	vst v16  }
0x131: {  	s11 =	simm.s32 $0x0;
	[tilespmem:s0+$0x4AE0] =	vst v17  }
0x132: {  	v16 =	vld.idx.msk [tilespmem:v0+s11+$0x0], $0xffff;
	_ =	sdelay $0x4  }
0x133: {  	v17 =	vshrl.u32 v16, $0x5;
	v16 =	vshll.u32 v16, $0x2  }
0x134: {  	[tilespmem:$0x200] =	vst v17;
	v16 =	vand.u32 $0x7C, v16  }
0x135: {  	v17 =	vld.idx.msk [tilespmem:v1+s28+$0x0], $0xffff;
	v55 =	vor.u32 v1, v16;
	_ =	sdelay $0x4  }
0x136: {  	[tilespmem:v55+s12+$0x0] =	vst.idx.msk $0xffff, v17  }
0x137: {  	v56 =	vor.u32 v3, v16;
	v17 =	vld.idx.msk [tilespmem:v3+s28+$0x0], $0xffff;
	_ =	sdelay $0x4  }
0x138: {  	[tilespmem:v56+s12+$0x0] =	vst.idx.msk $0xffff, v17  }
0x139: {  	v57 =	vor.u32 v4, v16;
	v17 =	vld.idx.msk [tilespmem:v4+s28+$0x0], $0xffff;
	_ =	sdelay $0x4  }
0x13a: {  	[tilespmem:v57+s12+$0x0] =	vst.idx.msk $0xffff, v17  }
0x13b: {  	v16 =	vor.u32 v5, v16;
	v17 =	vld.idx.msk [tilespmem:v5+s28+$0x0], $0xffff;
	_ =	sdelay $0x4  }
0x13c: {  	[tilespmem:v16+s12+$0x0] =	vst.idx.msk $0xffff, v17  }
0x13d: {  	v16 =	vld.idx.msk [tilespmem:v6+s11+$0x0], $0xffff;
	_ =	sdelay $0x4  }
0x13e: {  	v17 =	vshrl.u32 v16, $0x5;
	v16 =	vshll.u32 v16, $0x2  }
0x13f: {  	[tilespmem:$0x210] =	vst v17;
	v16 =	vand.u32 $0x7C, v16  }
0x140: {  	v17 =	vld.idx.msk [tilespmem:v7+s28+$0x0], $0xffff;
	v58 =	vor.u32 v7, v16;
	_ =	sdelay $0x4  }
0x141: {  	[tilespmem:v58+s12+$0x0] =	vst.idx.msk $0xffff, v17  }
0x142: {  	v59 =	vor.u32 v8, v16;
	v17 =	vld.idx.msk [tilespmem:v8+s28+$0x0], $0xffff;
	_ =	sdelay $0x4  }
0x143: {  	[tilespmem:v59+s12+$0x0] =	vst.idx.msk $0xffff, v17  }
0x144: {  	v60 =	vor.u32 v9, v16;
	v17 =	vld.idx.msk [tilespmem:v9+s28+$0x0], $0xffff;
	_ =	sdelay $0x4  }
0x145: {  	[tilespmem:v60+s12+$0x0] =	vst.idx.msk $0xffff, v17  }
0x146: {  	v16 =	vor.u32 v10, v16;
	v17 =	vld.idx.msk [tilespmem:v10+s28+$0x0], $0xffff;
	_ =	sdelay $0x4  }
0x147: {  	[tilespmem:v16+s12+$0x0] =	vst.idx.msk $0xffff, v17  }
0x148: {  	v16 =	vld.idx.msk [tilespmem:v11+s11+$0x0], $0xffff;
	_ =	sdelay $0x4  }
0x149: {  	v17 =	vshrl.u32 v16, $0x5;
	v16 =	vshll.u32 v16, $0x2  }
0x14a: {  	[tilespmem:$0x220] =	vst v17;
	v16 =	vand.u32 $0x7C, v16  }
0x14b: {  	v17 =	vld.idx.msk [tilespmem:v12+s28+$0x0], $0xffff;
	v61 =	vor.u32 v12, v16;
	_ =	sdelay $0x4  }
0x14c: {  	[tilespmem:v61+s12+$0x0] =	vst.idx.msk $0xffff, v17  }
0x14d: {  	v62 =	vor.u32 v13, v16;
	v17 =	vld.idx.msk [tilespmem:v13+s28+$0x0], $0xffff;
	_ =	sdelay $0x4  }
0x14e: {  	[tilespmem:v62+s12+$0x0] =	vst.idx.msk $0xffff, v17  }
0x14f: {  	v63 =	vor.u32 v14, v16;
	v17 =	vld.idx.msk [tilespmem:v14+s28+$0x0], $0xffff;
	_ =	sdelay $0x4  }
0x150: {  	[tilespmem:v63+s12+$0x0] =	vst.idx.msk $0xffff, v17  }
0x151: {  	v16 =	vor.u32 v15, v16;
	v17 =	vld.idx.msk [tilespmem:v15+s28+$0x0], $0xffff;
	_ =	sdelay $0x4  }
0x152: {  	s14 =	rddreg [dreg:$0x2];
	[tilespmem:v16+s12+$0x0] =	vst.idx.msk $0xffff, v17  }
0x153: {  	[spmem:s14] =	stream.indirect.scatter.add.f32 [tilespmem:s29], [sflag:$0x3], $0x80, s11, s18, $0xb8;
	[tilespmem:$0x1DC80] =	vst v63  }
0x154: {  	s15 =	rddreg [dreg:$0x3]  }
0x155: {  	[spmem:s15] =	stream.indirect.scatter.add.f32 [tilespmem:s12], [sflag:$0x3], $0x80, s30, s18, $0xb8;
	[tilespmem:$0x1DC80] =	vst v63  }
0x156: {  	_ =	swait.ge [sflag:s17], $0x30  }
0x157: {  	[sflag:s17] =	ssyncset.done $0x0  }
0x158: {  	[sflag:s17] =	ssyncadd.s32 $0xFFFFFFD0  }
0x159: {  	_ =	swait.ge [sflag:s17], $0x30  }
0x15a: {  	[sflag:s17] =	ssyncset.done $0x0  }
0x15b: {  	s19 =	simm.s32 $0x280;
	[sflag:s17] =	ssyncadd.s32 $0xFFFFFFD0  }
0x15c: {  	[tilespmem:s19], [sflag:$0x2] =	stream.indirect.gather [hbm4b:s7+s18], $0x80, s25, s18, $0xb8;
	[tilespmem:$0x1DC80] =	vst v63  }
0x15d: {  	_ = 	snop  }
0x15e: {  	[tilespmem:s21], [sflag:$0x2] =	stream.indirect.gather [hbm4b:s8+s18], $0x80, s26, s18, $0xb8;
	[tilespmem:$0x1DC80] =	vst v63  }
0x15f: {  	_ = 	snop  }
0x160: {  	[tilespmem:s22], [sflag:$0x2] =	stream.indirect.gather [hbm4b:s9+s18], $0x80, s26, s18, $0xb8;
	[tilespmem:$0x1DC80] =	vst v63  }
0x161: {  	_ =	swait.ge [sflag:s31], $0x1800  }
0x162: {  	[sflag:s31] =	ssyncset.done $0x0  }
0x163: {  	[sflag:s31] =	ssyncadd.s32 $0xFFFFE800  }
0x164: {  	_ =	swait.ge [sflag:s31], $0x1800  }
0x165: {  	[sflag:s31] =	ssyncset.done $0x0  }
0x166: {  	s1 =	simm.s32 $0x200;
	s0 =	simm.s32 $0x0;
	[sflag:s31] =	ssyncadd.s32 $0xFFFFE800  }
.LBB2_9:
0x167: {  	p0 =	sne.s32 s1, $0x5E00;
	[tilespmem:s0+$0x62F0] =	vst v2  }
0x168: {  	[tilespmem:s0+$0x6280] =	vst v2  }
0x169: {  	[tilespmem:s0+$0x6290] =	vst v2  }
.Ltmp3:
0x16a: {  	[tilespmem:s0+$0x62A0] =	vst v2;
	(pc) =	sbr.rel @p0 .LBB2_9-.Ltmp3, $4  }
0x16b: {  	[tilespmem:s0+$0x62B0] =	vst v2  }
0x16c: {  	[tilespmem:s0+$0x62C0] =	vst v2  }
0x16d: {  	[tilespmem:s0+$0x62D0] =	vst v2  }
0x16e: {  	[tilespmem:s0+$0x62E0] =	vst v2;
	s0 =	sshra.s32 s1, $0x2;
	s1 =	sadd.s32 $0x200, s1  }
0x16f: {  	[tilespmem:s0+$0x62F0] =	vst v2  }
0x170: {  	[tilespmem:s0+$0x6280] =	vst v2  }
0x171: {  	[tilespmem:s0+$0x6290] =	vst v2  }
0x172: {  	[tilespmem:s0+$0x62A0] =	vst v2  }
0x173: {  	[tilespmem:s0+$0x62B0] =	vst v2  }
0x174: {  	[tilespmem:s0+$0x62C0] =	vst v2  }
0x175: {  	[tilespmem:s0+$0x62D0] =	vst v2  }
0x176: {  	[tilespmem:s0+$0x62E0] =	vst v2  }
0x177: {  	_ =	swait.ge [sflag:s23], $0x1800  }
0x178: {  	[sflag:s23] =	ssyncset.done $0x0  }
0x179: {  	[sflag:s23] =	ssyncadd.s32 $0xFFFFE800  }
0x17a: {  	_ =	swait.ge [sflag:s23], $0x1800  }
0x17b: {  	[sflag:s23] =	ssyncset.done $0x0  }
0x17c: {  	[sflag:s23] =	ssyncadd.s32 $0xFFFFE800  }
0x17d: {  	_ =	swait.ge [sflag:s23], $0x1800  }
0x17e: {  	p0 =	seq.s32 s4, $0x34;
	s0 =	rddreg [dreg:$0xa]  }
0x17f: {  	s0 =	sadd.s32 @!p0 s10, s0  }
0x180: {  	[sflag:s23] =	ssyncset.done $0x0;
	s0 =	sshrl.u32 @!p0 s0, $0x3  }
0x181: {  	s2 =	simm.s32 @!p0 $0x0;
	[sflag:s23] =	ssyncadd.s32 $0xFFFFE800;
	s1 =	sadd.s32 @!p0 s20, s0  }
0x182: {  	[tilespmem:s2], [sflag:$0x1] =	stream.linear.gather @!p0 [hbm4b:s1+s2], $0x30, $0x38;
	[tilespmem:$0x1DC80] =	vst v63  }
0x183: {  	s10 =	simm.s32 $0x0;
	s0 =	sadd.s32 @!p0 s6, s0;
	s1 =	simm.s32 @!p0 $0x100  }
0x184: {  	[tilespmem:s1], [sflag:$0x1] =	stream.linear.gather @!p0 [hbm4b:s0+s2], $0x30, $0x38;
	[tilespmem:$0x1DC80] =	vst v63  }
0x185: {  	v16 =	vld [tilespmem:s10+$0x2C0]  }
0x186: {  	v17 =	vld [tilespmem:s10+$0x1AC0]  }
0x187: {  	v18 =	vld [tilespmem:s10+$0x2D0]  }
0x188: {  	v19 =	vld [tilespmem:s10+$0x1AD0]  }
0x189: {  	v20 =	vld [tilespmem:s10+$0x2E0]  }
0x18a: {  	v21 =	vld [tilespmem:s10+$0x2A0]  }
0x18b: {  	v22 =	vld [tilespmem:s10+$0x1AA0]  }
0x18c: {  	v23 =	vld [tilespmem:s10+$0x2B0]  }
0x18d: {  	v24 =	vld [tilespmem:s10+$0x1AB0]  }
0x18e: {  	v25 =	vld [tilespmem:s10+$0x280]  }
0x18f: {  	v26 =	vld [tilespmem:s10+$0x1A80]  }
0x190: {  	v27 =	vld [tilespmem:s10+$0x290]  }
0x191: {  	v28 =	vld [tilespmem:s10+$0x1A90]  }
0x192: {  	v32 =	vld [tilespmem:s10+$0x1AE0]  }
0x193: {  	v33 =	vld [tilespmem:s10+$0x2F0]  }
0x194: {  	v16 =	vmul.f32 v17, v16;
	v17 =	vmul.f32 v19, v18;
	v18 =	vld [tilespmem:s10+$0x1AF0]  }
0x195: {  	v30 =	vld [tilespmem:s10+$0x3280];
	v19 =	vmul.f32 v22, v21;
	v21 =	vmul.f32 v24, v23  }
0x196: {  	v31 =	vld [tilespmem:s10+$0x3290];
	v22 =	vmul.f32 v28, v27;
	v16 =	vadd.f32 v17, v16;
	v17 =	vmul.f32 v26, v25  }
0x197: {  	s11 =	simm.s32 $0x80;
	v29 =	vld [tilespmem:s10+$0x32A0];
	v19 =	vadd.f32 v21, v19  }
0x198: {  	v49 =	vld [tilespmem:s11+$0x1AA0];
	(xrf2) =	vadd.scan.msk.f32 $0xffff, v16;
	v16 =	vadd.f32 v22, v17  }
0x199: {  	v50 =	vld [tilespmem:s11+$0x2B0];
	v17 =	vmul.f32 v32, v20;
	(xrf2) =	vadd.scan.msk.f32 $0xffff, v19;
	v18 =	vmul.f32 v18, v33  }
0x19a: {  	v35 =	vld [tilespmem:s11+$0x1AB0];
	(xrf2) =	vadd.scan.msk.f32 $0xffff, v16  }
0x19b: {  	v51 =	vld [tilespmem:s11+$0x280];
	v16 =	vadd.f32 v18, v17  }
0x19c: {  	v36 =	vld [tilespmem:s11+$0x1A80]  }
0x19d: {  	v37 =	vld [tilespmem:s11+$0x290];
	(xrf2) =	vadd.scan.msk.f32 $0xffff, v16  }
0x19e: {  	v38 =	vld [tilespmem:s11+$0x1AE0]  }
0x19f: {  	v39 =	vld [tilespmem:s11+$0x2F0]  }
0x1a0: {  	s0 =	simm.s32 $0x100;
	v40 =	vld [tilespmem:s11+$0x1AF0]  }
0x1a1: {  	v53 =	vld [tilespmem:s0+$0x2C0]  }
0x1a2: {  	v41 =	vld [tilespmem:s0+$0x1AC0];
	v21, _, _ =	vpop (xrf2)  }
0x1a3: {  	v42 =	vld [tilespmem:s0+$0x2D0];
	v23, _, _ =	vpop (xrf2)  }
0x1a4: {  	v19 =	vld [tilespmem:s11+$0x1AD0];
	v34, _, _ =	vpop (xrf2)  }
0x1a5: {  	v17 =	vld [tilespmem:s11+$0x2C0];
	(v2sf) =	vpush v34, $0xF  }
0x1a6: {  	v18 =	vld [tilespmem:s11+$0x2D0];
	(v2sf) =	vpush v23, $0xF  }
0x1a7: {  	v16 =	vld [tilespmem:s11+$0x1AC0];
	(v2sf) =	vpush v21, $0xF;
	v21, _, _ =	vpop (xrf2)  }
0x1a8: {  	v22 =	vld [tilespmem:s11+$0x2A0];
	(v2sf) =	vpush v21, $0xF  }
0x1a9: {  	v21 =	vld [tilespmem:s11+$0x1A90]  }
0x1aa: {  	v43 =	vld [tilespmem:s0+$0x1AD0]  }
0x1ab: {  	v27 =	vld [tilespmem:s10+$0x32C0]  }
0x1ac: {  	v20 =	vld [tilespmem:s11+$0x2E0];
	v16 =	vmul.f32 v16, v17;
	v17 =	vmul.f32 v19, v18  }
0x1ad: {  	v28 =	vld [tilespmem:s10+$0x32E0];
	v18 =	vmul.f32 v49, v22;
	v19 =	vmul.f32 v35, v50  }
0x1ae: {  	v24 =	vld [tilespmem:s10+$0x32F0];
	v22 =	vmul.f32 v36, v51;
	v17 =	vadd.f32 v17, v16;
	v21 =	vmul.f32 v21, v37  }
0x1af: {  	v52 =	vmul.f32 v40, v39;
	v39 =	vld [tilespmem:s0+$0x290];
	v18 =	vadd.f32 v19, v18  }
0x1b0: {  	v25 =	vld [tilespmem:s10+$0x32B0];
	(xrf2) =	vadd.scan.msk.f32 $0xffff, v17;
	v21 =	vadd.f32 v21, v22  }
0x1b1: {  	v26 =	vld [tilespmem:s10+$0x32D0];
	(xrf2) =	vadd.scan.msk.f32 $0xffff, v18;
	v22 =	vmul.f32 v38, v20  }
0x1b2: {  	v33 =	vld [tilespmem:s0+$0x2A0];
	(xrf2) =	vadd.scan.msk.f32 $0xffff, v21  }
0x1b3: {  	v35 =	vld [tilespmem:s0+$0x2B0];
	v32 =	vadd.f32 v52, v22  }
0x1b4: {  	v16 =	vld [tilespmem:s11+$0x3290];
	s2 =	spop (v2sf)  }
0x1b5: {  	v19 =	vld [tilespmem:s11+$0x32A0];
	(xrf2) =	vadd.scan.msk.f32 $0xffff, v32;
	s1 =	smul.f32 $1.767766920e-01, s2;
	s3 =	spop (v2sf)  }
0x1b6: {  	v34 =	vld [tilespmem:s0+$0x1AA0];
	s2 =	smul.f32 $1.767766920e-01, s3;
	s3 =	spop (v2sf)  }
0x1b7: {  	v23 =	vld [tilespmem:s11+$0x3280];
	v54 =	vmov s1;
	s14 =	smul.f32 $1.767766920e-01, s3;
	s15 =	spop (v2sf)  }
0x1b8: {  	s19 =	smov.u32 s20;
	v17 =	vld [tilespmem:s11+$0x32B0];
	v55 =	vmul.f32 $1.442695020e+00, v54;
	v56 =	vmov s2;
	s20 =	smul.f32 $1.767766920e-01, s15  }
0x1b9: {  	v18 =	vld [tilespmem:s11+$0x32C0];
	v57 =	vmul.f32 $1.442695020e+00, v56;
	v58 =	vmov s14  }
0x1ba: {  	v37 =	vld [tilespmem:s0+$0x1AB0];
	v59, _, _ =	vpop (xrf2);
	v60 =	vbroadcast v55, $0x0;
	v36 =	vmul.f32 $1.442695020e+00, v58;
	v61 =	vmov s20  }
0x1bb: {  	v20 =	vld [tilespmem:s11+$0x32D0];
	v44, _, _ =	vpop (xrf2);
	v45 =	vbroadcast v57, $0x0;
	v38 =	vmul.f32 $1.442695020e+00, v61  }
0x1bc: {  	v21 =	vld [tilespmem:s11+$0x32E0];
	v46, _, _ =	vpop (xrf2);
	v47 =	vbroadcast v36, $0x0;
	(erf) = vpow2.f32 v60  }
0x1bd: {  	v22 =	vld [tilespmem:s11+$0x32F0];
	(v2sf) =	vpush v46, $0xF;
	v62 =	vbroadcast v38, $0x0;
	(erf) = vpow2.f32 v45  }
0x1be: {  	v32 =	vld [tilespmem:s0+$0x2E0];
	(v2sf) =	vpush v44, $0xF;
	(erf) = vpow2.f32 v47  }
0x1bf: {  	v36 =	vld [tilespmem:s0+$0x280];
	v63, _, _ =	vpop (xrf2);
	(v2sf) =	vpush v59, $0xF;
	(erf) = vpow2.f32 v62  }
0x1c0: {  	v40 =	vmul.f32 v41, v53;
	v41 =	vmul.f32 v43, v42;
	s1 =	simm.s32 $0x600;
	v38 =	vld [tilespmem:s0+$0x1A80];
	(v2sf) =	vpush v63, $0xF  }
.LBB2_11:
0x1c1: {  	p0 =	sne.s32 s1, $0x5E00;
	v42 =	vld [tilespmem:s0+$0x1A90]  }
0x1c2: {  	v40 =	vadd.f32 v41, v40;
	v41 =	vld [tilespmem:s0+$0x1AE0]  }
0x1c3: {  	v33 =	vmul.f32 v34, v33;
	v44 =	vmul.f32 v37, v35;
	v35 =	vld [tilespmem:s0+$0x2F0]  }
0x1c4: {  	v37 =	vld [tilespmem:s0+$0x1AF0];
	(xrf2) =	vadd.scan.msk.f32 $0xffff, v40  }
0x1c5: {  	v33 =	vadd.f32 v44, v33;
	v40 =	vld [tilespmem:s0+$0x3280];
	v34 =	vpop (erf)  }
0x1c6: {  	v36 =	vmul.f32 v38, v36;
	v38 =	vmul.f32 v42, v39;
	v39 =	vld [tilespmem:s0+$0x3290];
	v45 =	vnsel vm0, $0x0, v34;
	v43 =	vpop (erf)  }
0x1c7: {  	v46 =	vmul.f32 v34, v30;
	v31 =	vmul.f32 v34, v31;
	v44 =	vld [tilespmem:s0+$0x32A0];
	(xrf2) =	vadd.scan.msk.f32 $0xffff, v33;
	v33 =	vsel vm1, v45, v43;
	v34 =	vpop (erf)  }
0x1c8: {  	v29 =	vmul.f32 v43, v29;
	v36 =	vadd.f32 v38, v36;
	v38 =	vld [tilespmem:s0+$0x32B0];
	v33 =	vsel vm2, v33, v34;
	v42 =	vpop (erf)  }
0x1c9: {  	v32 =	vmul.f32 v41, v32;
	v45 =	vld [tilespmem:s0+$0x32C0];
	v35 =	vmul.f32 v37, v35;
	[tilespmem:s10+$0x4A80] =	vst v46;
	v37 =	vsel vm3, v33, v42  }
0x1ca: {  	v30 =	vmovc v23;
	v43 =	vmul.f32 v43, v25;
	v27 =	vmul.f32 v34, v27;
	v33 =	vld [tilespmem:s0+$0x32D0];
	(xrf2) =	vadd.scan.msk.f32 $0xffff, v36;
	[tilespmem:s10+$0x7A80] =	vst v37  }
0x1cb: {  	v34 =	vmul.f32 v34, v26;
	v36 =	vmul.f32 v42, v28;
	v32 =	vadd.f32 v35, v32;
	v35 =	vld [tilespmem:s0+$0x32E0];
	[tilespmem:s10+$0x4A90] =	vst v31  }
0x1cc: {  	s2 =	sshra.s32 s1, $0x2;
	v41 =	vmul.f32 v42, v24;
	v23 =	vmovc v40;
	v31 =	vmovc v16;
	v16 =	vmov v39;
	v37 =	vld [tilespmem:s0+$0x32F0];
	s3 =	spop (v2sf);
	[tilespmem:s10+$0x4AA0] =	vst v29;
	v29 =	vmov v19  }
0x1cd: {  	v25 =	vmovc v17;
	v19 =	vmov v44;
	v40 =	vld [tilespmem:s2+$0x2C0];
	(xrf2) =	vadd.scan.msk.f32 $0xffff, v32;
	s3 =	smul.f32 $1.767766920e-01, s3;
	s14 =	spop (v2sf);
	[tilespmem:s10+$0x4AB0] =	vst v43;
	v17 =	vmov v38  }
0x1ce: {  	v26 =	vmov v20;
	v42 =	vld [tilespmem:s2+$0x1AC0];
	v39, _, _ =	vpop (xrf2);
	s14 =	smul.f32 $1.767766920e-01, s14;
	s15 =	spop (v2sf);
	[tilespmem:s10+$0x4AC0] =	vst v27;
	v27 =	vmov v18;
	v18 =	vmov v45  }
0x1cf: {  	v24 =	vmovc v22;
	v28 =	vmov v21;
	v43 =	vld [tilespmem:s2+$0x2D0];
	v32 =	vmov s3;
	s3 =	smul.f32 $1.767766920e-01, s15;
	s15 =	spop (v2sf);
	[tilespmem:s10+$0x4AD0] =	vst v34;
	v20 =	vmov v33  }
0x1d0: {  	v44 =	vld [tilespmem:s2+$0x1AD0];
	v34 =	vmul.f32 $1.442695020e+00, v32;
	v33 =	vmov s14;
	s14 =	smul.f32 $1.767766920e-01, s15;
	[tilespmem:s10+$0x4AE0] =	vst v36;
	v21 =	vmov v35  }
0x1d1: {  	v32 =	vld [tilespmem:s2+$0x2E0];
	v38, _, _ =	vpop (xrf2);
	v35 =	vmul.f32 $1.442695020e+00, v33;
	v36 =	vmov s3;
	[tilespmem:s10+$0x4AF0] =	vst v41;
	v22 =	vmov v37;
	s10 =	smov.u32 s11;
	s11 =	smov.u32 s0;
	s0 =	smov.u32 s2  }
0x1d2: {  	v33 =	vld [tilespmem:s0+$0x2A0];
	v37 =	vbroadcast v34, $0x0;
	v36 =	vmul.f32 $1.442695020e+00, v36;
	v41 =	vmov s14  }
0x1d3: {  	v34 =	vld [tilespmem:s0+$0x1AA0];
	v45 =	vbroadcast v35, $0x0;
	v41 =	vmul.f32 $1.442695020e+00, v41  }
.Ltmp4:
0x1d4: {  	v35 =	vld [tilespmem:s0+$0x2B0];
	v46, _, _ =	vpop (xrf2);
	v47 =	vbroadcast v36, $0x0;
	(erf) = vpow2.f32 v37;
	(pc) =	sbr.rel @p0 .LBB2_11-.Ltmp4, $4  }
0x1d5: {  	v37 =	vld [tilespmem:s0+$0x1AB0];
	(v2sf) =	vpush v46, $0xF;
	v41 =	vbroadcast v41, $0x0;
	(erf) = vpow2.f32 v45  }
0x1d6: {  	v36 =	vld [tilespmem:s0+$0x280];
	(v2sf) =	vpush v38, $0xF;
	(erf) = vpow2.f32 v47  }
0x1d7: {  	v38 =	vld [tilespmem:s0+$0x1A80];
	(v2sf) =	vpush v39, $0xF;
	v45, _, _ =	vpop (xrf2);
	(erf) = vpow2.f32 v41  }
0x1d8: {  	s1 =	sadd.s32 $0x200, s1;
	v40 =	vmul.f32 v42, v40;
	v41 =	vmul.f32 v44, v43;
	v39 =	vld [tilespmem:s0+$0x290];
	(v2sf) =	vpush v45, $0xF  }
0x1d9: {  	v42 =	vld [tilespmem:s0+$0x1A90];
	_ =	sdelay $0x1  }
0x1da: {  	v43 =	vld [tilespmem:s0+$0x1AE0]  }
0x1db: {  	v44 =	vld [tilespmem:s0+$0x2F0]  }
0x1dc: {  	v45 =	vld [tilespmem:s0+$0x1AF0];
	v33 =	vmul.f32 v34, v33;
	v61 =	vmul.f32 v37, v35  }
0x1dd: {  	v62 =	vadd.f32 v41, v40;
	v36 =	vmul.f32 v38, v36;
	v63 =	vmul.f32 v42, v39  }
0x1de: {  	v33 =	vadd.f32 v61, v33  }
0x1df: {  	(xrf2) =	vadd.scan.msk.f32 $0xffff, v62;
	v37 =	vadd.f32 v63, v36  }
0x1e0: {  	(xrf2) =	vadd.scan.msk.f32 $0xffff, v33  }
0x1e1: {  	v32 =	vmul.f32 v43, v32;
	v38 =	vmul.f32 v45, v44;
	(xrf2) =	vadd.scan.msk.f32 $0xffff, v37;
	_ =	sdelay $0x1  }
0x1e2: {  	v32 =	vadd.f32 v38, v32;
	_ =	sdelay $0x1  }
0x1e3: {  	(xrf2) =	vadd.scan.msk.f32 $0xffff, v32;
	_ =	sdelay $0x3  }
0x1e4: {  	v39, _, _ =	vpop (xrf2)  }
0x1e5: {  	v40, _, _ =	vpop (xrf2)  }
0x1e6: {  	v34, _, _ =	vpop (xrf2)  }
0x1e7: {  	(v2sf) =	vpush v34, $0xF  }
0x1e8: {  	(v2sf) =	vpush v40, $0xF;
	_ =	sdelay $0x1  }
0x1e9: {  	s1 =	spop (v2sf);
	v41, _, _ =	vpop (xrf2);
	(v2sf) =	vpush v39, $0xF  }
0x1ea: {  	s1 =	smul.f32 $1.767766920e-01, s1;
	(v2sf) =	vpush v41, $0xF;
	_ =	sdelay $0x1  }
0x1eb: {  	v42 =	vmov s1  }
0x1ec: {  	v32 =	vmul.f32 $1.442695020e+00, v42  }
0x1ed: {  	s2 =	spop (v2sf)  }
0x1ee: {  	v43 =	vpop (erf);
	s3 =	spop (v2sf);
	s2 =	smul.f32 $1.767766920e-01, s2;
	v32 =	vbroadcast v32, $0x0  }
0x1ef: {  	v30 =	vmul.f32 v43, v30;
	v47 =	vpop (erf);
	s20 =	spop (v2sf);
	s3 =	smul.f32 $1.767766920e-01, s3  }
0x1f0: {  	v31 =	vmul.f32 v43, v31;
	v48 =	vpop (erf);
	v44 =	vmov s2;
	s1 =	smul.f32 $1.767766920e-01, s20;
	(erf) = vpow2.f32 v32  }
0x1f1: {  	v33 =	vnsel vm0, $0x0, v43;
	v35 =	vmul.f32 $1.442695020e+00, v44;
	v45 =	vmov s3  }
0x1f2: {  	v43 =	vld [tilespmem:s0+$0x32C0];
	v29 =	vmul.f32 v47, v29;
	v37 =	vmul.f32 $1.442695020e+00, v45;
	v46 =	vmov s1  }
0x1f3: {  	v36 =	vld [tilespmem:s0+$0x3290];
	v35 =	vbroadcast v35, $0x0;
	v39 =	vmul.f32 $1.442695020e+00, v46  }
0x1f4: {  	v38 =	vld [tilespmem:s0+$0x32A0];
	v33 =	vsel vm1, v33, v47;
	v25 =	vmul.f32 v47, v25;
	v37 =	vbroadcast v37, $0x0;
	s2 =	spop (v2sf)  }
0x1f5: {  	v49 =	vsel vm2, v33, v48;
	v50 =	vpop (erf);
	v34 =	vld [tilespmem:s0+$0x3280];
	(erf) = vpow2.f32 v35;
	v51 =	vbroadcast v39, $0x0;
	s1 =	smul.f32 $1.767766920e-01, s2;
	s3 =	spop (v2sf)  }
0x1f6: {  	v27 =	vmul.f32 v48, v27;
	v32 =	vsel vm3, v49, v50;
	(erf) = vpow2.f32 v37;
	v41 =	vld [tilespmem:s0+$0x32B0];
	[tilespmem:s10+$0x4A80] =	vst v30;
	s2 =	smul.f32 $1.767766920e-01, s3  }
0x1f7: {  	v26 =	vmul.f32 v48, v26;
	v35 =	vld [tilespmem:s0+$0x32D0];
	[tilespmem:s10+$0x7A80] =	vst v32;
	(erf) = vpow2.f32 v51;
	s14 =	spop (v2sf);
	v52 =	vmov s1  }
0x1f8: {  	v28 =	vmul.f32 v50, v28;
	v30 =	vld [tilespmem:s0+$0x32E0];
	[tilespmem:s10+$0x4A90] =	vst v31;
	s15 =	smul.f32 $1.767766920e-01, s14;
	s20 =	spop (v2sf);
	v53 =	vmul.f32 $1.442695020e+00, v52;
	v54 =	vmov s2  }
0x1f9: {  	v24 =	vmul.f32 v50, v24;
	v55 =	vld [tilespmem:s0+$0x32F0];
	[tilespmem:s10+$0x4AA0] =	vst v29;
	v62 =	vpop (erf);
	s14 =	smul.f32 $1.767766920e-01, s20;
	v32 =	vmul.f32 $1.442695020e+00, v54  }
0x1fa: {  	[tilespmem:s10+$0x4AB0] =	vst v25;
	v23 =	vmul.f32 v62, v23;
	v56 =	vmov s15;
	v57 =	vbroadcast v53, $0x0  }
0x1fb: {  	[tilespmem:s10+$0x4AC0] =	vst v27;
	v58 =	vmul.f32 $1.442695020e+00, v56;
	v59 =	vmov s14;
	v60 =	vbroadcast v32, $0x0  }
0x1fc: {  	[tilespmem:s10+$0x4AD0] =	vst v26;
	v61 =	vmul.f32 $1.442695020e+00, v59;
	(erf) = vpow2.f32 v57  }
0x1fd: {  	[tilespmem:s10+$0x4AE0] =	vst v28;
	v16 =	vmul.f32 v62, v16;
	v31 =	vbroadcast v58, $0x0  }
0x1fe: {  	[tilespmem:s10+$0x4AF0] =	vst v24;
	v39 =	vpop (erf);
	v32 =	vbroadcast v61, $0x0;
	(erf) = vpow2.f32 v60  }
0x1ff: {  	v42 =	vpop (erf);
	v19 =	vmul.f32 v39, v19;
	[tilespmem:s11+$0x4A80] =	vst v23;
	(erf) = vpow2.f32 v31  }
0x200: {  	v17 =	vmul.f32 v39, v17;
	[tilespmem:s11+$0x4A90] =	vst v16;
	v45 =	vpop (erf);
	(erf) = vpow2.f32 v32  }
0x201: {  	v63 =	vnsel vm0, $0x0, v62;
	v16 =	vmul.f32 v42, v18;
	[tilespmem:s11+$0x4AA0] =	vst v19  }
0x202: {  	v40 =	vsel vm1, v63, v39;
	v47 =	vmul.f32 v42, v20;
	[tilespmem:s11+$0x4AB0] =	vst v17  }
0x203: {  	v44 =	vsel vm2, v40, v42;
	[tilespmem:s11+$0x4AC0] =	vst v16  }
0x204: {  	[tilespmem:s11+$0x4AD0] =	vst v47;
	v46 =	vsel vm3, v44, v45;
	v17 =	vmul.f32 v45, v21  }
0x205: {  	v48 =	vmul.f32 v45, v22;
	[tilespmem:s11+$0x7A80] =	vst v46;
	v16 =	vpop (erf)  }
0x206: {  	[tilespmem:s11+$0x4AE0] =	vst v17;
	v17 =	vmul.f32 v16, v34  }
0x207: {  	[tilespmem:s11+$0x4AF0] =	vst v48;
	v49 =	vnsel vm0, $0x0, v16;
	v50 =	vpop (erf);
	v16 =	vmul.f32 v16, v36  }
0x208: {  	v18 =	vsel vm1, v49, v50;
	v51 =	vpop (erf);
	v53 =	vmul.f32 v50, v38;
	[tilespmem:s0+$0x4A80] =	vst v17  }
0x209: {  	v18 =	vsel vm2, v18, v51;
	v52 =	vpop (erf);
	[tilespmem:s0+$0x4A90] =	vst v16  }
0x20a: {  	v16 =	vmul.f32 v51, v43;
	v17 =	vsel vm3, v18, v52;
	[tilespmem:s0+$0x4AA0] =	vst v53  }
0x20b: {  	v54 =	vmul.f32 v51, v35;
	[tilespmem:s0+$0x7A80] =	vst v17  }
0x20c: {  	v17 =	vmul.f32 v50, v41;
	[tilespmem:s0+$0x4AC0] =	vst v16  }
0x20d: {  	v16 =	vmul.f32 v52, v55;
	[tilespmem:s0+$0x4AD0] =	vst v54  }
0x20e: {  	[tilespmem:s0+$0x4AB0] =	vst v17;
	v17 =	vmul.f32 v52, v30  }
0x20f: {  	[tilespmem:s0+$0x4AF0] =	vst v16  }
0x210: {  	[tilespmem:s0+$0x4AE0] =	vst v17  }
0x211: {  	v16 =	vld.idx.msk [tilespmem:v0+s25+$0x0], $0xffff;
	_ =	sdelay $0x4  }
0x212: {  	v17 =	vshrl.u32 v16, $0x5;
	v16 =	vshll.u32 v16, $0x2  }
0x213: {  	[tilespmem:$0x200] =	vst v17;
	v16 =	vand.u32 $0x7C, v16  }
0x214: {  	v17 =	vld.idx.msk [tilespmem:v1+s28+$0x0], $0xffff;
	v55 =	vor.u32 v1, v16;
	_ =	sdelay $0x4  }
0x215: {  	[tilespmem:v55+s12+$0x0] =	vst.idx.msk $0xffff, v17  }
0x216: {  	v56 =	vor.u32 v3, v16;
	v17 =	vld.idx.msk [tilespmem:v3+s28+$0x0], $0xffff;
	_ =	sdelay $0x4  }
0x217: {  	[tilespmem:v56+s12+$0x0] =	vst.idx.msk $0xffff, v17  }
0x218: {  	v57 =	vor.u32 v4, v16;
	v17 =	vld.idx.msk [tilespmem:v4+s28+$0x0], $0xffff;
	_ =	sdelay $0x4  }
0x219: {  	[tilespmem:v57+s12+$0x0] =	vst.idx.msk $0xffff, v17  }
0x21a: {  	v16 =	vor.u32 v5, v16;
	v17 =	vld.idx.msk [tilespmem:v5+s28+$0x0], $0xffff;
	_ =	sdelay $0x4  }
0x21b: {  	[tilespmem:v16+s12+$0x0] =	vst.idx.msk $0xffff, v17  }
0x21c: {  	v16 =	vld.idx.msk [tilespmem:v6+s25+$0x0], $0xffff;
	_ =	sdelay $0x4  }
0x21d: {  	v17 =	vshrl.u32 v16, $0x5;
	v16 =	vshll.u32 v16, $0x2  }
0x21e: {  	[tilespmem:$0x210] =	vst v17;
	v16 =	vand.u32 $0x7C, v16  }
0x21f: {  	v17 =	vld.idx.msk [tilespmem:v7+s28+$0x0], $0xffff;
	v58 =	vor.u32 v7, v16;
	_ =	sdelay $0x4  }
0x220: {  	[tilespmem:v58+s12+$0x0] =	vst.idx.msk $0xffff, v17  }
0x221: {  	v59 =	vor.u32 v8, v16;
	v17 =	vld.idx.msk [tilespmem:v8+s28+$0x0], $0xffff;
	_ =	sdelay $0x4  }
0x222: {  	[tilespmem:v59+s12+$0x0] =	vst.idx.msk $0xffff, v17  }
0x223: {  	v60 =	vor.u32 v9, v16;
	v17 =	vld.idx.msk [tilespmem:v9+s28+$0x0], $0xffff;
	_ =	sdelay $0x4  }
0x224: {  	[tilespmem:v60+s12+$0x0] =	vst.idx.msk $0xffff, v17  }
0x225: {  	v16 =	vor.u32 v10, v16;
	v17 =	vld.idx.msk [tilespmem:v10+s28+$0x0], $0xffff;
	_ =	sdelay $0x4  }
0x226: {  	[tilespmem:v16+s12+$0x0] =	vst.idx.msk $0xffff, v17  }
0x227: {  	v16 =	vld.idx.msk [tilespmem:v11+s25+$0x0], $0xffff;
	_ =	sdelay $0x4  }
0x228: {  	v17 =	vshrl.u32 v16, $0x5;
	v16 =	vshll.u32 v16, $0x2  }
0x229: {  	[tilespmem:$0x220] =	vst v17;
	v16 =	vand.u32 $0x7C, v16  }
0x22a: {  	v17 =	vld.idx.msk [tilespmem:v12+s28+$0x0], $0xffff;
	v61 =	vor.u32 v12, v16;
	_ =	sdelay $0x4  }
0x22b: {  	[tilespmem:v61+s12+$0x0] =	vst.idx.msk $0xffff, v17  }
0x22c: {  	v62 =	vor.u32 v13, v16;
	v17 =	vld.idx.msk [tilespmem:v13+s28+$0x0], $0xffff;
	_ =	sdelay $0x4  }
0x22d: {  	[tilespmem:v62+s12+$0x0] =	vst.idx.msk $0xffff, v17  }
0x22e: {  	v63 =	vor.u32 v14, v16;
	v17 =	vld.idx.msk [tilespmem:v14+s28+$0x0], $0xffff;
	_ =	sdelay $0x4  }
0x22f: {  	[tilespmem:v63+s12+$0x0] =	vst.idx.msk $0xffff, v17  }
0x230: {  	v16 =	vor.u32 v15, v16;
	v17 =	vld.idx.msk [tilespmem:v15+s28+$0x0], $0xffff;
	_ =	sdelay $0x1  }
0x231: {  	s4 =	sadd.s32 $0x1, s4  }
0x232: {  	p0 =	sne.s32 s4, $0x35  }
.Ltmp5:
0x233: {  	_ = 	snop;
	(pc) =	sbr.rel @p0 .LBB2_4-.Ltmp5, $4  }
0x234: {  	s15 =	rddreg [dreg:$0x2];
	[tilespmem:v16+s12+$0x0] =	vst.idx.msk $0xffff, v17  }
0x235: {  	[spmem:s15] =	stream.indirect.scatter.add.f32 [tilespmem:s29], [sflag:$0x3], $0x80, s25, s18, $0xb8;
	[tilespmem:$0x1DC80] =	vst v63  }
0x236: {  	s20 =	rddreg [dreg:$0x3]  }
0x237: {  	[spmem:s20] =	stream.indirect.scatter.add.f32 [tilespmem:s12], [sflag:$0x3], $0x80, s30, s18, $0xb8;
	[tilespmem:$0x1DC80] =	vst v63  }
0x238: {  	_ =	swait.ge [sflag:s31], $0x1800  }
0x239: {  	[sflag:s31] =	ssyncset.done $0x0  }
0x23a: {  	[sflag:s31] =	ssyncadd.s32 $0xFFFFE800  }
0x23b: {  	_ =	swait.ge [sflag:s31], $0x1800  }
0x23c: {  	[sflag:s31] =	ssyncset.done $0x0  }
0x23d: {  	[sflag:s31] =	ssyncadd.s32 $0xFFFFE800  }
0x23e: {  	[bflag:$0x0] =	sbarrier.arrive $0xFFFF  }
0x23f: {  	s4 =	rddreg [dreg:$0xe]  }
0x240: {  	[tilespmem:s29], [sflag:$0x4] =	stream.linear.gather [spmem:s4], $0x1800, $0x38;
	[tilespmem:$0x1DC80] =	vst v63  }
0x241: {  	_ =	swait.ge [sflag:s13], $0x1800  }
0x242: {  	[sflag:s13] =	ssyncset.done $0x0  }
0x243: {  	s0 =	sadd.s32 $0x0, s24;
	[sflag:s13] =	ssyncadd.s32 $0xFFFFE800  }
0x244: {  	[hbm4b:s0+s5] =	stream.linear.scatter [tilespmem:s29], [sflag:$0x4], $0x1800, $0x38;
	[tilespmem:$0x1DC80] =	vst v63  }
0x245: {  	_ =	swait.ge [sflag:s13], $0x1800  }
0x246: {  	s1 =	smov.u32 s4;
	s0 =	simm.s32 $0x300;
	[sflag:s13] =	ssyncset.done $0x0  }
.LBB2_14:
0x247: {  	p0 =	sne.s32 s0, $0x2400;
	[sflag:s13] =	ssyncadd.s32 $0xFFFFE800;
	s1 =	sadd.s32 $0x1800, s1  }
0x248: {  	[tilespmem:s29], [sflag:$0x4] =	stream.linear.gather [spmem:s1], $0x1800, $0x38;
	[tilespmem:$0x1DC80] =	vst v63  }
0x249: {  	s2 =	smov.u32 s0;
	s0 =	sadd.s32 $0x300, s0;
	_ =	swait.ge [sflag:s13], $0x1800  }
.Ltmp6:
0x24a: {  	[sflag:s13] =	ssyncset.done $0x0;
	(pc) =	sbr.rel @p0 .LBB2_14-.Ltmp6, $4  }
0x24b: {  	s2 =	sadd.s32 s2, s24;
	[sflag:s13] =	ssyncadd.s32 $0xFFFFE800  }
0x24c: {  	[hbm4b:s2+s5] =	stream.linear.scatter [tilespmem:s29], [sflag:$0x4], $0x1800, $0x38;
	[tilespmem:$0x1DC80] =	vst v63  }
0x24d: {  	_ =	swait.ge [sflag:s13], $0x1800  }
0x24e: {  	[sflag:s13] =	ssyncset.done $0x0  }
0x24f: {  	[sflag:s13] =	ssyncadd.s32 $0xFFFFE800;
	s15 =	rddreg [dreg:$0x5]  }
0x250: {  	[tilespmem:s29], [sflag:$0x4] =	stream.linear.gather [spmem:s15], $0x800, $0x38;
	[tilespmem:$0x1DC80] =	vst v63  }
0x251: {  	_ =	swait.ge [sflag:s13], $0x800  }
0x252: {  	[sflag:s13] =	ssyncset.done $0x0  }
0x253: {  	s0 =	rddreg [dreg:$0xb];
	[sflag:s13] =	ssyncadd.s32 $0xFFFFF800  }
0x254: {  	[hbm4b:s0+s5] =	stream.linear.scatter [tilespmem:s29], [sflag:$0x4], $0x800, $0x38;
	[tilespmem:$0x1DC80] =	vst v63  }
0x255: {  	_ =	swait.ge [sflag:s13], $0x800  }
0x256: {  	[sflag:s13] =	ssyncset.done $0x0  }
0x257: {  	s3 =	rddreg [dreg:$0x6];
	[sflag:s13] =	ssyncadd.s32 $0xFFFFF800  }
0x258: {  	[tilespmem:s12], [sflag:$0x4] =	stream.linear.gather [spmem:s3], $0xA00, $0x38;
	[tilespmem:$0x1DC80] =	vst v63  }
0x259: {  	_ =	swait.ge [sflag:s13], $0xA00  }
0x25a: {  	[sflag:s13] =	ssyncset.done $0x0  }
0x25b: {  	s14 =	rddreg [dreg:$0xc];
	[sflag:s13] =	ssyncadd.s32 $0xFFFFF600  }
0x25c: {  	[hbm4b:s14+s5] =	stream.linear.scatter [tilespmem:s12], [sflag:$0x4], $0xA00, $0x38;
	[tilespmem:$0x1DC80] =	vst v63  }
0x25d: {  	_ =	swait.ge [sflag:s13], $0xA00  }
0x25e: {  	s1 =	rddreg [dreg:$0x1b]  }
0x25f: {  	s20 =	rddreg [dreg:$0xd];
	s1 =	sadd.s32 $0x1, s1  }
0x260: {  	p0 =	sne.s32 s1, s20  }
.Ltmp7:
0x261: {  	_ = 	snop;
	(pc) =	sbr.rel @p0 .LBB2_1-.Ltmp7, $3  }
0x262: {  	_ =	sdelay $0x1  }
0x263: {  	[sflag:s13] =	ssyncset.done $0x0  }
0x264: {  	[sflag:s13] =	ssyncadd.s32 $0xFFFFF600  }
0x265: {  	_ =	sfence.sel $0x180000  }
0x266: {  	[bflag:$0x0] =	sbarrier.arrive $0xFFFF  }
0x267: {  	_ =	strace $0x90000047  }
0x268: {  	s0 =	stileid.u32;
	[bflag:$0x2] =	sbarrier.arrive $0xFFFF  }
0x269: {  	p0 =	sne.s32 s0, $0x0;
	s0 =	rddreg [dreg:$0x4]  }
0x26a: {  	s0 =	sadd.s32 @!p0 $0x100000, s0  }
0x26b: {  	[sflag:s0] =	ssyncadd.tile.s32 @!p0 $0x1;
	_ =	shalt  }
.Lfunc_end2:
_tile_overlayer_lowered:
.L_overlay_start_2:
0x26c: {  	(tag) =	ssettag $0x2  }
0x26d: {  	s0 =	rddreg [dreg:$0x0];
	s2 =	stileid.u32  }
0x26e: {  	s1 =	rddreg [dreg:$0x1];
	p0 =	sne.s32 s2, $0x0  }
0x26f: {  	s3 =	rddreg [dreg:$0x2];
	[bflag:$0x3] =	sbarrier.arrive $0xFFFF;
	s2 =	simm.s32 @!p0 $0x1C04  }
0x270: {  	[timem:s3], [sflag:s2] =	dma.local @!p0 [hbm:s0], s1  }
0x271: {  	s0 =	simm.s32 @!p0 $0x4  }
0x272: {  	_ =	swait.ge @!p0 [sflag:s0], s1  }
0x273: {  	s1 =	ssub.s32 @!p0 $0x0, s1;
	[sflag:s0] =	ssyncset.done @!p0 $0x0  }
0x274: {  	[sflag:s0] =	ssyncadd.s32 @!p0 s1  }
0x275: {  	[bflag:$0x3] =	sbarrier.arrive $0xFFFF  }
0x276: {  	_ =	shalt  }

</sc_bundles>
